<compile_context>
chip_gen: v7x
topology: tpu7x:2x2x1
jax: 0.10.2.dev20260603
libtpu: 0.0.44.dev20260713+nightly
codegen_flags: <defaults>
</compile_context>

<pallas_src>
import functools

import jax
import jax.numpy as jnp
from jax import lax
from jax.experimental import pallas as pl
from jax.experimental.pallas import tpu as pltpu
from jax.experimental.pallas import tpu_sc as plsc

N = 10000
D = 128
E = 320000

NC = 2
NS = 16
L = 16

NP = 10240
ROWS_PER_TILE = NP // NS
CH = 128
TRASH = N

E_TOT = E + N
CPT_E = -(-E_TOT // (NS * CH))
E_PAD = CPT_E * NS * CH
CPT_D = -(-E // (NC * NS * CH))
E_DPAD = CPT_D * NC * NS * CH

@functools.lru_cache(maxsize=None)
def _sc_mesh():
    return plsc.VectorSubcoreMesh(
        core_axis_name="c", subcore_axis_name="s",
        num_cores=NC, num_subcores=NS)


def _deg_body(src_hbm, dst_hbm, perm_hbm, deg_out, q_out,
              perm_v, ones_v, tmp_v, srcb0, srcb1, dstb0, dstb1, qb0, qb1,
              sems0, sems1, semd0, semd1, semq0, semq1, deg_sh):
    c = lax.axis_index("c")
    s = lax.axis_index("s")
    w = c * NS + s
    srcb = (srcb0, srcb1)
    dstb = (dstb0, dstb1)
    qb = (qb0, qb1)
    sems = (sems0, sems1)
    semd = (semd0, semd1)
    semq = (semq0, semq1)

    def _fill_ones(r, _):
        ones_v[r, :] = jnp.ones((L,), jnp.float32)
        tmp_v[r, :] = jnp.zeros((L,), jnp.float32)
        return 0
    lax.fori_loop(0, CH, _fill_ones, 0)

    def _zero_slice(m, _):
        pltpu.sync_copy(tmp_v, deg_sh.at[pl.ds(s * ROWS_PER_TILE + m * CH, CH)])
        return 0
    lax.fori_loop(0, ROWS_PER_TILE // CH, _zero_slice, 0)
    pltpu.sync_copy(perm_hbm, perm_v)
    plsc.subcore_barrier()

    base = w * CPT_D * CH

    def _chunk(j, _):
        eb = base + j * CH
        pltpu.sync_copy(src_hbm.at[pl.ds(eb, CH)], srcb0)
        pltpu.sync_copy(dst_hbm.at[pl.ds(eb, CH)], dstb0)
        pltpu.sync_copy(ones_v, deg_sh.at[dstb0], add=True)

        def _qgather(k, _2):
            iv = srcb0[pl.ds(k * L, L)]
            qb0[pl.ds(k * L, L)] = plsc.load_gather(perm_v, [iv])
            return 0
        lax.fori_loop(0, CH // L, _qgather, 0)
        pltpu.sync_copy(qb0, q_out.at[pl.ds(eb, CH)])
        return 0
    lax.fori_loop(0, CPT_D, _chunk, 0)
    plsc.subcore_barrier()

    def _wb(m, _):
        rb = s * ROWS_PER_TILE + m * CH
        pltpu.sync_copy(deg_sh.at[pl.ds(rb, CH)], tmp_v)
        pltpu.sync_copy(tmp_v, deg_out.at[c, pl.ds(rb, CH)])
        return 0
    lax.fori_loop(0, ROWS_PER_TILE // CH, _wb, 0)


@functools.lru_cache(maxsize=None)
def _deg_call():
  return pl.kernel(
    _deg_body,
    out_type=(
        jax.ShapeDtypeStruct((NC, NP, L), jnp.float32),
        jax.ShapeDtypeStruct((E_DPAD,), jnp.int32),
    ),
    mesh=_sc_mesh(),
    compiler_params=pltpu.CompilerParams(needs_layout_passes=False),
    scratch_types=[
        pltpu.VMEM((NP,), jnp.int32),
        pltpu.VMEM((CH, L), jnp.float32),
        pltpu.VMEM((CH, L), jnp.float32),
        pltpu.VMEM((CH,), jnp.int32),
        pltpu.VMEM((CH,), jnp.int32),
        pltpu.VMEM((CH,), jnp.int32),
        pltpu.VMEM((CH,), jnp.int32),
        pltpu.VMEM((CH,), jnp.int32),
        pltpu.VMEM((CH,), jnp.int32),
        pltpu.SemaphoreType.DMA,
        pltpu.SemaphoreType.DMA,
        pltpu.SemaphoreType.DMA,
        pltpu.SemaphoreType.DMA,
        pltpu.SemaphoreType.DMA,
        pltpu.SemaphoreType.DMA,
        pltpu.VMEM_SHARED((NP, L), jnp.float32),
    ],
  )


def _conv_body(tt_hbm, g_hbm, dst_hbm, out_hbm,
               rows0, rows1, gb0, gb1, db0, db1,
               semg0, semg1, semd0, semd1, semr0, semr1, accum_sh):
    c = lax.axis_index("c")
    s = lax.axis_index("s")
    rows = (rows0, rows1)
    gb = (gb0, gb1)
    db = (db0, db1)
    semg = (semg0, semg1)
    semd = (semd0, semd1)
    semr = (semr0, semr1)

    def _zero_row(r, _):
        def _zc(k, _2):
            rows0[r, pl.ds(k * L, L)] = jnp.zeros((L,), jnp.float32)
            return 0
        lax.fori_loop(0, D // L, _zc, 0)
        return 0
    lax.fori_loop(0, CH, _zero_row, 0)

    def _zero_slice(m, _):
        pltpu.sync_copy(rows0, accum_sh.at[pl.ds(s * ROWS_PER_TILE + m * CH, CH)])
        return 0
    lax.fori_loop(0, ROWS_PER_TILE // CH, _zero_slice, 0)
    plsc.subcore_barrier()

    base = s * CPT_E * CH

    def _idx_start(j, b):
        eb = base + j * CH
        pltpu.async_copy(g_hbm.at[c, pl.ds(eb, CH)], gb[b], semg[b])
        pltpu.async_copy(dst_hbm.at[pl.ds(eb, CH)], db[b], semd[b])

    def _idx_wait(b):
        pltpu.make_async_copy(g_hbm.at[c, pl.ds(base, CH)], gb[b], semg[b]).wait()
        pltpu.make_async_copy(dst_hbm.at[pl.ds(base, CH)], db[b], semd[b]).wait()

    def _gather_start(b):
        pltpu.async_copy(tt_hbm.at[gb[b]], rows[b], semr[b])

    def _gather_wait(b):
        pltpu.make_async_copy(tt_hbm.at[gb[b]], rows[b], semr[b]).wait()

    _idx_start(0, 0)
    _idx_wait(0)
    _gather_start(0)
    _idx_start(1, 1)

    def _step(j, _):
        def _one(b, nb):
            @pl.when(j + 1 < CPT_E)
            def _():
                _idx_wait(nb)
                _gather_start(nb)
            _gather_wait(b)
            pltpu.sync_copy(rows[b], accum_sh.at[db[b]], add=True)

            @pl.when(j + 2 < CPT_E)
            def _():
                _idx_start(j + 2, b)

        @pl.when(lax.rem(j, 2) == 0)
        def _():
            _one(0, 1)

        @pl.when(lax.rem(j, 2) == 1)
        def _():
            _one(1, 0)
        return 0
    lax.fori_loop(0, CPT_E, _step, 0)
    plsc.subcore_barrier()

    def _wb(m, _):
        rb = s * ROWS_PER_TILE + m * CH
        pltpu.sync_copy(accum_sh.at[pl.ds(rb, CH)], rows0)
        pltpu.sync_copy(rows0, out_hbm.at[c, pl.ds(rb, CH)])
        return 0
    lax.fori_loop(0, ROWS_PER_TILE // CH, _wb, 0)


@functools.lru_cache(maxsize=None)
def _conv_call():
  return pl.kernel(
    _conv_body,
    out_type=jax.ShapeDtypeStruct((NC, NP, D), jnp.float32),
    mesh=_sc_mesh(),
    compiler_params=pltpu.CompilerParams(needs_layout_passes=False),
    scratch_types=(
        [pltpu.VMEM((CH, D), jnp.float32)] * 2
        + [pltpu.VMEM((CH,), jnp.int32)] * 2
        + [pltpu.VMEM((CH,), jnp.int32)] * 2
        + [pltpu.SemaphoreType.DMA] * 6
        + [pltpu.VMEM_SHARED((NP, D), jnp.float32)]
    ),
  )


_BM = 512


def _tc1_body(x_ref, w_ref, dinv_ref, dperm_ref, out_ref):
    h = jnp.dot(x_ref[...], w_ref[...], preferred_element_type=jnp.float32)
    out_ref[0] = h * dinv_ref[...]
    out_ref[1] = h * dperm_ref[...]


def _tc1_call(x_pad, w1, dinv_c, dperm_c):
    grid = NP // _BM
    return pl.pallas_call(
        _tc1_body,
        grid=(grid,),
        in_specs=[
            pl.BlockSpec((_BM, D), lambda i: (i, 0)),
            pl.BlockSpec((D, D), lambda i: (0, 0)),
            pl.BlockSpec((_BM, 1), lambda i: (i, 0)),
            pl.BlockSpec((_BM, 1), lambda i: (i, 0)),
        ],
        out_specs=pl.BlockSpec((2, _BM, D), lambda i: (0, i, 0)),
        out_shape=jax.ShapeDtypeStruct((2, NP, D), jnp.float32),
    )(x_pad, w1, dinv_c, dperm_c)


def _tc2_body(a_ref, w_ref, dinv_ref, b_ref, alpha_ref, out_ref):
    dinv = dinv_ref[...]
    alpha = alpha_ref[0, 0]
    p = a_ref[0] * dinv + b_ref[...]
    p = jnp.where(p > 0, p, alpha * p)
    q = a_ref[1] * dinv + b_ref[...]
    q = jnp.where(q > 0, q, alpha * q)
    out_ref[0] = jnp.dot(p, w_ref[...], preferred_element_type=jnp.float32) * dinv
    out_ref[1] = jnp.dot(q, w_ref[...], preferred_element_type=jnp.float32) * dinv


def _tc2_call(a1_, w2, dinv_c, b1_, alpha_):
    grid = NP // _BM
    return pl.pallas_call(
        _tc2_body,
        grid=(grid,),
        in_specs=[
            pl.BlockSpec((2, _BM, D), lambda i: (0, i, 0)),
            pl.BlockSpec((D, D), lambda i: (0, 0)),
            pl.BlockSpec((_BM, 1), lambda i: (i, 0)),
            pl.BlockSpec((1, D), lambda i: (0, 0)),
            pl.BlockSpec((1, 1), lambda i: (0, 0)),
        ],
        out_specs=pl.BlockSpec((2, _BM, D), lambda i: (0, i, 0)),
        out_shape=jax.ShapeDtypeStruct((2, NP, D), jnp.float32),
    )(a1_, w2, dinv_c, b1_, alpha_)


_BM3 = 80
_NBLK3 = N // _BM3


def _tc3_body(a_ref, dinv_ref, b_ref, pos_ref, neg_ref, sum_ref):
    i = pl.program_id(0)
    dinv = dinv_ref[...]
    b = b_ref[...]
    p = a_ref[0] * dinv + b
    q = a_ref[1] * dinv + b
    pos_ref[...] = p
    neg_ref[...] = q
    colsum = jnp.sum(p, axis=0, keepdims=True)
    prev = jnp.where(i == 0, jnp.zeros_like(colsum), sum_ref[...])
    acc = prev + colsum
    sum_ref[...] = jnp.where(i == _NBLK3 - 1,
                             jax.nn.sigmoid(acc * (1.0 / N)), acc)


def _tc3_call(a2_, dinv_c, b2_):
    return pl.pallas_call(
        _tc3_body,
        grid=(_NBLK3,),
        in_specs=[
            pl.BlockSpec((2, _BM3, D), lambda i: (0, i, 0)),
            pl.BlockSpec((_BM3, 1), lambda i: (i, 0)),
            pl.BlockSpec((1, D), lambda i: (0, 0)),
        ],
        out_specs=[
            pl.BlockSpec((_BM3, D), lambda i: (i, 0)),
            pl.BlockSpec((_BM3, D), lambda i: (i, 0)),
            pl.BlockSpec((1, D), lambda i: (0, 0)),
        ],
        out_shape=[
            jax.ShapeDtypeStruct((N, D), jnp.float32),
            jax.ShapeDtypeStruct((N, D), jnp.float32),
            jax.ShapeDtypeStruct((1, D), jnp.float32),
        ],
    )(a2_, dinv_c, b2_)


def kernel(x, edge_index, W1, b1, a1, W2, b2):
    src = edge_index[0].astype(jnp.int32)
    dst = edge_index[1].astype(jnp.int32)
    perm = jax.random.permutation(jax.random.key(42), N).astype(jnp.int32)
    perm_inv = jnp.argsort(perm).astype(jnp.int32)
    iota = jnp.arange(N, dtype=jnp.int32)

    pad_d = E_DPAD - E
    srcp = jnp.concatenate([src, jnp.zeros((pad_d,), jnp.int32)])
    dstp = jnp.concatenate([dst, jnp.full((pad_d,), TRASH, jnp.int32)])
    perm_pad = jnp.concatenate([perm, jnp.zeros((NP - N,), jnp.int32)])
    deg2, q = _deg_call()(srcp, dstp, perm_pad)
    deg = deg2[0, :, 0] + deg2[1, :, 0] + 1.0
    dinv = lax.rsqrt(deg)
    dperm = jnp.concatenate([dinv[perm_inv], jnp.ones((NP - N,), jnp.float32)])
    dinv_c = dinv[:, None]
    dperm_c = dperm[:, None]

    x_pad = jnp.concatenate([x, jnp.zeros((NP - N, D), x.dtype)])
    tt1 = _tc1_call(x_pad, W1, dinv_c, dperm_c)

    pad_e = E_PAD - E_TOT
    zpad = jnp.zeros((pad_e,), jnp.int32)
    g_pos = jnp.concatenate([src, iota, zpad])
    g_neg = jnp.concatenate([q[:E], perm, zpad]) + NP
    g1 = jnp.stack([g_pos, g_neg])
    g2 = jnp.stack([g_pos, g_pos + NP])
    dste = jnp.concatenate([dst, iota, jnp.full((pad_e,), TRASH, jnp.int32)])

    a1_acc = _conv_call()(tt1.reshape(2 * NP, D), g1, dste)

    tt2 = _tc2_call(a1_acc, W2, dinv_c, b1.reshape(1, D), a1.reshape(1, 1))

    a2_acc = _conv_call()(tt2.reshape(2 * NP, D), g2, dste)

    pos, neg, summ = _tc3_call(a2_acc, dinv_c, b2.reshape(1, D))
    return (pos, neg, summ.reshape(D))

# --- scband reference (transcript-rebuilt; emitter-appended) ---
"""Pipeline reference for scband-dgi-893353197864 (READ-ONLY COPY).

The authoritative reference and input builder live on the scoring server;
editing this copy changes nothing except your own understanding.
"""

import jax, jax.numpy as jnp
import numpy as np

N = 10000
E = 320000
D_IN = 128
D_H = 128


def gcn_conv(x, edge_index, W, b):
    # PyG-style GCNConv: add self-loops, symmetric normalization, linear + scatter-add + bias
    n = x.shape[0]
    loop = jnp.arange(n, dtype=edge_index.dtype)
    src = jnp.concatenate([edge_index[0], loop])
    dst = jnp.concatenate([edge_index[1], loop])
    deg = jnp.zeros((n,), dtype=x.dtype).at[dst].add(1.0)
    dinv = jnp.where(deg > 0, deg ** -0.5, 0.0)
    norm = dinv[src] * dinv[dst]
    h = x @ W
    msg = h[src] * norm[:, None]
    out = jnp.zeros((n, W.shape[1]), dtype=x.dtype).at[dst].add(msg)
    return out + b


def prelu(x, a):
    return jnp.where(x > 0, x, a * x)


def setup_inputs(seed: int = 0):
    key = jax.random.key(seed)
    ks = jax.random.split(key, 6)
    x = jax.random.normal(ks[0], (N, D_IN), dtype=jnp.float32)
    edge_index = jax.random.randint(ks[1], (2, E), 0, N, dtype=jnp.int32)
    W1 = jax.random.normal(ks[2], (D_IN, D_H), dtype=jnp.float32) * (1.0 / np.sqrt(D_IN))
    b1 = jnp.zeros((D_H,), dtype=jnp.float32)
    a1 = jnp.full((1,), 0.25, dtype=jnp.float32)
    W2 = jax.random.normal(ks[3], (D_H, D_H), dtype=jnp.float32) * (1.0 / np.sqrt(D_H))
    b2 = jnp.zeros((D_H,), dtype=jnp.float32)
    return {"x": x, "edge_index": edge_index, "W1": W1, "b1": b1, "a1": a1, "W2": W2, "b2": b2}


def reference(x, edge_index, W1, b1, a1, W2, b2):
    # positive branch
    pos = gcn_conv(x, edge_index, W1, b1)
    pos = prelu(pos, a1)
    pos = gcn_conv(pos, edge_index, W2, b2)
    # corruption: row permutation of node features (fixed key for determinism)
    perm = jax.random.permutation(jax.random.key(42), x.shape[0])
    xc = x[perm]
    # negative branch
    neg = gcn_conv(xc, edge_index, W1, b1)
    neg = prelu(neg, a1)
    neg = gcn_conv(neg, edge_index, W2, b2)
    summary = jax.nn.sigmoid(pos.mean(axis=0))
    return (pos, neg, summary)

if __name__ == "__main__":
    import jax
    _d = setup_inputs()
    print(jax.jit(kernel)(*tuple(_d.values())))

</pallas_src>

<mosaic_0001>
#map = affine_map<(d0, d1) -> (0, 0)>
#map1 = affine_map<(d0, d1) -> (0)>
#map2 = affine_map<(d0, d1) -> (0, 0, 0)>
module attributes {stable_mosaic.version = 14 : i64} {
  func.func @_conv_body(%arg0: i32, %arg1: i32, %arg2: memref<20480x128xf32, #tpu.memory_space<hbm>>, %arg3: memref<2x331776xi32, #tpu.memory_space<hbm>>, %arg4: memref<331776xi32, #tpu.memory_space<hbm>>, %arg5: memref<2x10240x128xf32, #tpu.memory_space<hbm>>, %arg6: memref<128x128xf32, #tpu.memory_space<vmem>>, %arg7: memref<128x128xf32, #tpu.memory_space<vmem>>, %arg8: memref<128xi32, #tpu.memory_space<vmem>>, %arg9: memref<128xi32, #tpu.memory_space<vmem>>, %arg10: memref<128xi32, #tpu.memory_space<vmem>>, %arg11: memref<128xi32, #tpu.memory_space<vmem>>, %arg12: memref<!tpu.dma_semaphore, #tpu.memory_space<semaphore_mem>>, %arg13: memref<!tpu.dma_semaphore, #tpu.memory_space<semaphore_mem>>, %arg14: memref<!tpu.dma_semaphore, #tpu.memory_space<semaphore_mem>>, %arg15: memref<!tpu.dma_semaphore, #tpu.memory_space<semaphore_mem>>, %arg16: memref<!tpu.dma_semaphore, #tpu.memory_space<semaphore_mem>>, %arg17: memref<!tpu.dma_semaphore, #tpu.memory_space<semaphore_mem>>, %arg18: memref<10240x128xf32, #tpu.memory_space<vmem_shared>>) attributes {dimension_semantics = [#tpu.dimension_semantics<core_parallel>, #tpu.dimension_semantics<subcore_parallel>], iteration_bounds = array<i64: 2, 16>, scalar_prefetch = 0 : i64, scratch_operands = 13 : i64, tpu.core_type = #tpu.core_type<sc_vector_subcore>, window_params = [{transform_indices = #map}, {transform_indices = #map}, {transform_indices = #map1}, {transform_indices = #map2}]} {
    %scan3A = arith.constant 0 : i32
    %scan3A_0 = arith.constant 0 : i32
    %scan3A_1 = arith.constant 128 : i32
    %scan3A_2 = arith.addi %scan3A_0, %scan3A_1 : i32
    %scan3A_3 = arith.constant 1 : i32
    %scan3A_4 = scf.for %scan3A_53 = %scan3A_0 to %scan3A_2 step %scan3A_3 iter_args(%scan3A_54 = %scan3A) -> (i32)  : i32 {
      %scan3A_55 = arith.constant 0 : i32
      %scan3A_56 = arith.constant 0 : i32
      %scan3A_57 = arith.constant 8 : i32
      %scan3A_58 = arith.addi %scan3A_56, %scan3A_57 : i32
      %scan3A_59 = arith.constant 1 : i32
      %scan3A_60 = scf.for %scan3A_63 = %scan3A_56 to %scan3A_58 step %scan3A_59 iter_args(%scan3A_64 = %scan3A_55) -> (i32)  : i32 {
        %broadcast_in_dim3A = arith.constant 0.000000e+00 : f32
        %broadcast_in_dim3A_65 = vector.broadcast %broadcast_in_dim3A : f32 to vector<16xf32>
        %mul3A_66 = arith.constant 16 : i32
        %mul3A_67 = arith.muli %scan3A_63, %mul3A_66 : i32
        %swap3A = arith.index_cast %scan3A_53 : i32 to index
        %swap3A_68 = arith.index_cast %mul3A_67 : i32 to index
        %swap3A_69 = tpu.vector_load %arg6[%swap3A, %swap3A_68] {strides = array<i32>} : memref<128x128xf32, #tpu.memory_space<vmem>>, vector<16xf32>,
        tpu.vector_store %arg6[%swap3A, %swap3A_68], %broadcast_in_dim3A_65 {strides = array<i32>} : memref<128x128xf32, #tpu.memory_space<vmem>>, vector<16xf32>,
        %scan3A_70 = arith.constant 0 : i32
        scf.yield %scan3A_70 : i32
      }
      %scan3A_61 = arith.constant 8 : i32
      %scan3A_62 = arith.constant 0 : i32
      scf.yield %scan3A_62 : i32
    }
    %scan3A_5 = arith.constant 128 : i32
    %scan3A_6 = arith.constant 0 : i32
    %scan3A_7 = arith.constant 0 : i32
    %scan3A_8 = arith.constant 5 : i32
    %scan3A_9 = arith.addi %scan3A_7, %scan3A_8 : i32
    %scan3A_10 = arith.constant 1 : i32
    %scan3A_11 = scf.for %scan3A_53 = %scan3A_7 to %scan3A_9 step %scan3A_10 iter_args(%scan3A_54 = %scan3A_6) -> (i32)  : i32 {
      %mul3A_55 = arith.constant 640 : i32
      %mul3A_56 = arith.muli %arg1, %mul3A_55 : i32
      %mul3A_57 = arith.constant 128 : i32
      %mul3A_58 = arith.muli %scan3A_53, %mul3A_57 : i32
      %add3A_59 = arith.addi %mul3A_56, %mul3A_58 : i32
      "tpu.region"() ({
        %run_scoped3A = tpu.sem_alloc : memref<!tpu.dma_semaphore, #tpu.memory_space<semaphore_mem>>
        %dma_start3A_61 = arith.constant 0 : i32
        %dma_start3A_62 = tpu.memref_slice %arg18[%add3A_59, %dma_start3A_61] : memref<10240x128xf32, #tpu.memory_space<vmem_shared>> -> memref<128x128xf32, #tpu.memory_space<vmem_shared>>
        %dma_start3A_63 = arith.constant 0 : i32
        %dma_start3A_64 = tpu.memref_slice %arg18[%add3A_59, %dma_start3A_63] : memref<10240x128xf32, #tpu.memory_space<vmem_shared>> -> memref<128x128xf32, #tpu.memory_space<vmem_shared>>
        tpu.enqueue_dma source(%arg6 : memref<128x128xf32, #tpu.memory_space<vmem>>) target(%dma_start3A_64 : memref<128x128xf32, #tpu.memory_space<vmem_shared>>) target_semaphore(%run_scoped3A : memref<!tpu.dma_semaphore, #tpu.memory_space<semaphore_mem>>)
        %dma_wait3A_65 = arith.constant 0 : i32
        %dma_wait3A_66 = tpu.memref_slice %arg18[%add3A_59, %dma_wait3A_65] : memref<10240x128xf32, #tpu.memory_space<vmem_shared>> -> memref<128x128xf32, #tpu.memory_space<vmem_shared>>
        %dma_wait3A_67 = arith.constant 0 : i32
        %dma_wait3A_68 = tpu.memref_slice %arg18[%add3A_59, %dma_wait3A_67] : memref<10240x128xf32, #tpu.memory_space<vmem_shared>> -> memref<128x128xf32, #tpu.memory_space<vmem_shared>>
        tpu.wait_dma2 semaphore(%run_scoped3A : memref<!tpu.dma_semaphore, #tpu.memory_space<semaphore_mem>>) src(%arg6 : memref<128x128xf32, #tpu.memory_space<vmem>>) dst(%dma_wait3A_68 : memref<128x128xf32, #tpu.memory_space<vmem_shared>>)
        tpu.yield
      }) : () -> ()
      %scan3A_60 = arith.constant 0 : i32
      scf.yield %scan3A_60 : i32
    }
    %scan3A_12 = arith.constant 5 : i32
    %barrier3A = arith.constant 0 : index
    tpu.barrier barrier_id(%barrier3A)
    %mul3A = arith.constant 162 : i32
    %mul3A_13 = arith.muli %arg1, %mul3A : i32
    %mul3A_14 = arith.constant 128 : i32
    %mul3A_15 = arith.muli %mul3A_13, %mul3A_14 : i32
    %add3A = arith.constant 0 : i32
    %add3A_16 = arith.addi %mul3A_15, %add3A : i32
    %dma_start3A = tpu.memref_slice %arg3[%arg0, %add3A_16] : memref<2x331776xi32, #tpu.memory_space<hbm>> -> memref<1x128xi32, #tpu.memory_space<hbm>>
    %dma_start3A_17 = tpu.memref_squeeze %dma_start3A : memref<1x128xi32, #tpu.memory_space<hbm>> -> memref<128xi32, #tpu.memory_space<hbm>>
    %dma_start3A_18 = tpu.memref_slice %arg3[%arg0, %add3A_16] : memref<2x331776xi32, #tpu.memory_space<hbm>> -> memref<1x128xi32, #tpu.memory_space<hbm>>
    %dma_start3A_19 = tpu.memref_squeeze %dma_start3A_18 : memref<1x128xi32, #tpu.memory_space<hbm>> -> memref<128xi32, #tpu.memory_space<hbm>>
    tpu.enqueue_dma source(%dma_start3A_19 : memref<128xi32, #tpu.memory_space<hbm>>) target(%arg8 : memref<128xi32, #tpu.memory_space<vmem>>) target_semaphore(%arg12 : memref<!tpu.dma_semaphore, #tpu.memory_space<semaphore_mem>>)
    %dma_start3A_20 = tpu.memref_slice %arg4[%add3A_16] : memref<331776xi32, #tpu.memory_space<hbm>> -> memref<128xi32, #tpu.memory_space<hbm>>
    %dma_start3A_21 = tpu.memref_slice %arg4[%add3A_16] : memref<331776xi32, #tpu.memory_space<hbm>> -> memref<128xi32, #tpu.memory_space<hbm>>
    tpu.enqueue_dma source(%dma_start3A_21 : memref<128xi32, #tpu.memory_space<hbm>>) target(%arg10 : memref<128xi32, #tpu.memory_space<vmem>>) target_semaphore(%arg14 : memref<!tpu.dma_semaphore, #tpu.memory_space<semaphore_mem>>)
    %dma_wait3A = tpu.memref_slice %arg3[%arg0, %mul3A_15] : memref<2x331776xi32, #tpu.memory_space<hbm>> -> memref<1x128xi32, #tpu.memory_space<hbm>>
    %dma_wait3A_22 = tpu.memref_squeeze %dma_wait3A : memref<1x128xi32, #tpu.memory_space<hbm>> -> memref<128xi32, #tpu.memory_space<hbm>>
    %dma_wait3A_23 = tpu.memref_slice %arg3[%arg0, %mul3A_15] : memref<2x331776xi32, #tpu.memory_space<hbm>> -> memref<1x128xi32, #tpu.memory_space<hbm>>
    %dma_wait3A_24 = tpu.memref_squeeze %dma_wait3A_23 : memref<1x128xi32, #tpu.memory_space<hbm>> -> memref<128xi32, #tpu.memory_space<hbm>>
    tpu.wait_dma2 semaphore(%arg12 : memref<!tpu.dma_semaphore, #tpu.memory_space<semaphore_mem>>) src(%dma_wait3A_24 : memref<128xi32, #tpu.memory_space<hbm>>) dst(%arg8 : memref<128xi32, #tpu.memory_space<vmem>>)
    %dma_wait3A_25 = tpu.memref_slice %arg4[%mul3A_15] : memref<331776xi32, #tpu.memory_space<hbm>> -> memref<128xi32, #tpu.memory_space<hbm>>
    %dma_wait3A_26 = tpu.memref_slice %arg4[%mul3A_15] : memref<331776xi32, #tpu.memory_space<hbm>> -> memref<128xi32, #tpu.memory_space<hbm>>
    tpu.wait_dma2 semaphore(%arg14 : memref<!tpu.dma_semaphore, #tpu.memory_space<semaphore_mem>>) src(%dma_wait3A_26 : memref<128xi32, #tpu.memory_space<hbm>>) dst(%arg10 : memref<128xi32, #tpu.memory_space<vmem>>)
    %dma_start3A_27 = arith.constant 0 : i32
    %dma_start3A_28 = arith.constant 0 : i32
    %dma_start3A_29 = tpu.memref_slice %arg2[%dma_start3A_27, %dma_start3A_28] : memref<20480x128xf32, #tpu.memory_space<hbm>> -> memref<20480x128xf32, #tpu.memory_space<hbm>>
    tpu.enqueue_indirect_dma source(%dma_start3A_29 : memref<20480x128xf32, #tpu.memory_space<hbm>>) target(%arg6 : memref<128x128xf32, #tpu.memory_space<vmem>>) offsets(%arg8 : memref<128xi32, #tpu.memory_space<vmem>>) semaphore(%arg16 : memref<!tpu.dma_semaphore, #tpu.memory_space<semaphore_mem>>)
    %add3A_30 = arith.constant 128 : i32
    %add3A_31 = arith.addi %mul3A_15, %add3A_30 : i32
    %dma_start3A_32 = tpu.memref_slice %arg3[%arg0, %add3A_31] : memref<2x331776xi32, #tpu.memory_space<hbm>> -> memref<1x128xi32, #tpu.memory_space<hbm>>
    %dma_start3A_33 = tpu.memref_squeeze %dma_start3A_32 : memref<1x128xi32, #tpu.memory_space<hbm>> -> memref<128xi32, #tpu.memory_space<hbm>>
    %dma_start3A_34 = tpu.memref_slice %arg3[%arg0, %add3A_31] : memref<2x331776xi32, #tpu.memory_space<hbm>> -> memref<1x128xi32, #tpu.memory_space<hbm>>
    %dma_start3A_35 = tpu.memref_squeeze %dma_start3A_34 : memref<1x128xi32, #tpu.memory_space<hbm>> -> memref<128xi32, #tpu.memory_space<hbm>>
    tpu.enqueue_dma source(%dma_start3A_35 : memref<128xi32, #tpu.memory_space<hbm>>) target(%arg9 : memref<128xi32, #tpu.memory_space<vmem>>) target_semaphore(%arg13 : memref<!tpu.dma_semaphore, #tpu.memory_space<semaphore_mem>>)
    %dma_start3A_36 = tpu.memref_slice %arg4[%add3A_31] : memref<331776xi32, #tpu.memory_space<hbm>> -> memref<128xi32, #tpu.memory_space<hbm>>
    %dma_start3A_37 = tpu.memref_slice %arg4[%add3A_31] : memref<331776xi32, #tpu.memory_space<hbm>> -> memref<128xi32, #tpu.memory_space<hbm>>
    tpu.enqueue_dma source(%dma_start3A_37 : memref<128xi32, #tpu.memory_space<hbm>>) target(%arg11 : memref<128xi32, #tpu.memory_space<vmem>>) target_semaphore(%arg15 : memref<!tpu.dma_semaphore, #tpu.memory_space<semaphore_mem>>)
    %scan3A_38 = arith.constant 0 : i32
    %scan3A_39 = arith.constant 0 : i32
    %scan3A_40 = arith.constant 162 : i32
    %scan3A_41 = arith.addi %scan3A_39, %scan3A_40 : i32
    %scan3A_42 = arith.constant 1 : i32
    %scan3A_43 = scf.for %scan3A_53 = %scan3A_39 to %scan3A_41 step %scan3A_42 iter_args(%scan3A_54 = %scan3A_38) -> (i32)  : i32 {
      %rem3A = arith.constant 2 : i32
      %rem3A_55 = arith.remsi %scan3A_53, %rem3A : i32
      %eq3A = arith.constant 0 : i32
      %eq3A_56 = arith.cmpi eq, %rem3A_55, %eq3A : i32
      %convert_element_type3A = arith.extui %eq3A_56 : i1 to i32
      %cond3A = arith.constant 0 : i32
      %cond3A_57 = arith.cmpi ne, %convert_element_type3A, %cond3A : i32
      scf.if %cond3A_57 {
        %add3A_66 = arith.constant 1 : i32
        %add3A_67 = arith.addi %scan3A_53, %add3A_66 : i32
        %lt3A = arith.constant 162 : i32
        %lt3A_68 = arith.cmpi slt, %add3A_67, %lt3A : i32
        %convert_element_type3A_69 = arith.extui %lt3A_68 : i1 to i32
        %cond3A_70 = arith.constant 0 : i32
        %cond3A_71 = arith.cmpi ne, %convert_element_type3A_69, %cond3A_70 : i32
        scf.if %cond3A_71 {
          %dma_wait3A_82 = tpu.memref_slice %arg3[%arg0, %mul3A_15] : memref<2x331776xi32, #tpu.memory_space<hbm>> -> memref<1x128xi32, #tpu.memory_space<hbm>>
          %dma_wait3A_83 = tpu.memref_squeeze %dma_wait3A_82 : memref<1x128xi32, #tpu.memory_space<hbm>> -> memref<128xi32, #tpu.memory_space<hbm>>
          %dma_wait3A_84 = tpu.memref_slice %arg3[%arg0, %mul3A_15] : memref<2x331776xi32, #tpu.memory_space<hbm>> -> memref<1x128xi32, #tpu.memory_space<hbm>>
          %dma_wait3A_85 = tpu.memref_squeeze %dma_wait3A_84 : memref<1x128xi32, #tpu.memory_space<hbm>> -> memref<128xi32, #tpu.memory_space<hbm>>
          tpu.wait_dma2 semaphore(%arg13 : memref<!tpu.dma_semaphore, #tpu.memory_space<semaphore_mem>>) src(%dma_wait3A_85 : memref<128xi32, #tpu.memory_space<hbm>>) dst(%arg9 : memref<128xi32, #tpu.memory_space<vmem>>)
          %dma_wait3A_86 = tpu.memref_slice %arg4[%mul3A_15] : memref<331776xi32, #tpu.memory_space<hbm>> -> memref<128xi32, #tpu.memory_space<hbm>>
          %dma_wait3A_87 = tpu.memref_slice %arg4[%mul3A_15] : memref<331776xi32, #tpu.memory_space<hbm>> -> memref<128xi32, #tpu.memory_space<hbm>>
          tpu.wait_dma2 semaphore(%arg15 : memref<!tpu.dma_semaphore, #tpu.memory_space<semaphore_mem>>) src(%dma_wait3A_87 : memref<128xi32, #tpu.memory_space<hbm>>) dst(%arg11 : memref<128xi32, #tpu.memory_space<vmem>>)
          %dma_start3A_88 = arith.constant 0 : i32
          %dma_start3A_89 = arith.constant 0 : i32
          %dma_start3A_90 = tpu.memref_slice %arg2[%dma_start3A_88, %dma_start3A_89] : memref<20480x128xf32, #tpu.memory_space<hbm>> -> memref<20480x128xf32, #tpu.memory_space<hbm>>
          tpu.enqueue_indirect_dma source(%dma_start3A_90 : memref<20480x128xf32, #tpu.memory_space<hbm>>) target(%arg7 : memref<128x128xf32, #tpu.memory_space<vmem>>) offsets(%arg9 : memref<128xi32, #tpu.memory_space<vmem>>) semaphore(%arg17 : memref<!tpu.dma_semaphore, #tpu.memory_space<semaphore_mem>>)
        } else {
        }
        %dma_wait3A_72 = arith.constant 0 : i32
        %dma_wait3A_73 = arith.constant 0 : i32
        %dma_wait3A_74 = tpu.memref_slice %arg2[%dma_wait3A_72, %dma_wait3A_73] : memref<20480x128xf32, #tpu.memory_space<hbm>> -> memref<20480x128xf32, #tpu.memory_space<hbm>>
        tpu.wait_indirect_dma semaphore(%arg16 : memref<!tpu.dma_semaphore, #tpu.memory_space<semaphore_mem>>) src(%dma_wait3A_74 : memref<20480x128xf32, #tpu.memory_space<hbm>>) dst(%arg6 : memref<128x128xf32, #tpu.memory_space<vmem>>)
        "tpu.region"() ({
          %run_scoped3A = tpu.sem_alloc : memref<!tpu.dma_semaphore, #tpu.memory_space<semaphore_mem>>
          %dma_start3A_82 = arith.constant 0 : i32
          %dma_start3A_83 = arith.constant 0 : i32
          %dma_start3A_84 = tpu.memref_slice %arg18[%dma_start3A_82, %dma_start3A_83] : memref<10240x128xf32, #tpu.memory_space<vmem_shared>> -> memref<10240x128xf32, #tpu.memory_space<vmem_shared>>
          tpu.enqueue_indirect_dma source(%arg6 : memref<128x128xf32, #tpu.memory_space<vmem>>) target(%dma_start3A_84 : memref<10240x128xf32, #tpu.memory_space<vmem_shared>>) offsets(%arg10 : memref<128xi32, #tpu.memory_space<vmem>>) semaphore(%run_scoped3A : memref<!tpu.dma_semaphore, #tpu.memory_space<semaphore_mem>>) {add = true}
          %dma_wait3A_85 = arith.constant 0 : i32
          %dma_wait3A_86 = arith.constant 0 : i32
          %dma_wait3A_87 = tpu.memref_slice %arg18[%dma_wait3A_85, %dma_wait3A_86] : memref<10240x128xf32, #tpu.memory_space<vmem_shared>> -> memref<10240x128xf32, #tpu.memory_space<vmem_shared>>
          tpu.wait_indirect_dma semaphore(%run_scoped3A : memref<!tpu.dma_semaphore, #tpu.memory_space<semaphore_mem>>) src(%arg6 : memref<128x128xf32, #tpu.memory_space<vmem>>) dst(%dma_wait3A_87 : memref<10240x128xf32, #tpu.memory_space<vmem_shared>>)
          tpu.yield
        }) : () -> ()
        %add3A_75 = arith.constant 2 : i32
        %add3A_76 = arith.addi %scan3A_53, %add3A_75 : i32
        %lt3A_77 = arith.constant 162 : i32
        %lt3A_78 = arith.cmpi slt, %add3A_76, %lt3A_77 : i32
        %convert_element_type3A_79 = arith.extui %lt3A_78 : i1 to i32
        %cond3A_80 = arith.constant 0 : i32
        %cond3A_81 = arith.cmpi ne, %convert_element_type3A_79, %cond3A_80 : i32
        scf.if %cond3A_81 {
          %add3A_82 = arith.constant 2 : i32
          %add3A_83 = arith.addi %scan3A_53, %add3A_82 : i32
          %mul3A_84 = arith.constant 128 : i32
          %mul3A_85 = arith.muli %add3A_83, %mul3A_84 : i32
          %add3A_86 = arith.addi %mul3A_15, %mul3A_85 : i32
          %dma_start3A_87 = tpu.memref_slice %arg3[%arg0, %add3A_86] : memref<2x331776xi32, #tpu.memory_space<hbm>> -> memref<1x128xi32, #tpu.memory_space<hbm>>
          %dma_start3A_88 = tpu.memref_squeeze %dma_start3A_87 : memref<1x128xi32, #tpu.memory_space<hbm>> -> memref<128xi32, #tpu.memory_space<hbm>>
          %dma_start3A_89 = tpu.memref_slice %arg3[%arg0, %add3A_86] : memref<2x331776xi32, #tpu.memory_space<hbm>> -> memref<1x128xi32, #tpu.memory_space<hbm>>
          %dma_start3A_90 = tpu.memref_squeeze %dma_start3A_89 : memref<1x128xi32, #tpu.memory_space<hbm>> -> memref<128xi32, #tpu.memory_space<hbm>>
          tpu.enqueue_dma source(%dma_start3A_90 : memref<128xi32, #tpu.memory_space<hbm>>) target(%arg8 : memref<128xi32, #tpu.memory_space<vmem>>) target_semaphore(%arg12 : memref<!tpu.dma_semaphore, #tpu.memory_space<semaphore_mem>>)
          %dma_start3A_91 = tpu.memref_slice %arg4[%add3A_86] : memref<331776xi32, #tpu.memory_space<hbm>> -> memref<128xi32, #tpu.memory_space<hbm>>
          %dma_start3A_92 = tpu.memref_slice %arg4[%add3A_86] : memref<331776xi32, #tpu.memory_space<hbm>> -> memref<128xi32, #tpu.memory_space<hbm>>
          tpu.enqueue_dma source(%dma_start3A_92 : memref<128xi32, #tpu.memory_space<hbm>>) target(%arg10 : memref<128xi32, #tpu.memory_space<vmem>>) target_semaphore(%arg14 : memref<!tpu.dma_semaphore, #tpu.memory_space<semaphore_mem>>)
        } else {
        }
      } else {
      }
      %rem3A_58 = arith.constant 2 : i32
      %rem3A_59 = arith.remsi %scan3A_53, %rem3A_58 : i32
      %eq3A_60 = arith.constant 1 : i32
      %eq3A_61 = arith.cmpi eq, %rem3A_59, %eq3A_60 : i32
      %convert_element_type3A_62 = arith.extui %eq3A_61 : i1 to i32
      %cond3A_63 = arith.constant 0 : i32
      %cond3A_64 = arith.cmpi ne, %convert_element_type3A_62, %cond3A_63 : i32
      scf.if %cond3A_64 {
        %add3A_66 = arith.constant 1 : i32
        %add3A_67 = arith.addi %scan3A_53, %add3A_66 : i32
        %lt3A = arith.constant 162 : i32
        %lt3A_68 = arith.cmpi slt, %add3A_67, %lt3A : i32
        %convert_element_type3A_69 = arith.extui %lt3A_68 : i1 to i32
        %cond3A_70 = arith.constant 0 : i32
        %cond3A_71 = arith.cmpi ne, %convert_element_type3A_69, %cond3A_70 : i32
        scf.if %cond3A_71 {
          %dma_wait3A_82 = tpu.memref_slice %arg3[%arg0, %mul3A_15] : memref<2x331776xi32, #tpu.memory_space<hbm>> -> memref<1x128xi32, #tpu.memory_space<hbm>>
          %dma_wait3A_83 = tpu.memref_squeeze %dma_wait3A_82 : memref<1x128xi32, #tpu.memory_space<hbm>> -> memref<128xi32, #tpu.memory_space<hbm>>
          %dma_wait3A_84 = tpu.memref_slice %arg3[%arg0, %mul3A_15] : memref<2x331776xi32, #tpu.memory_space<hbm>> -> memref<1x128xi32, #tpu.memory_space<hbm>>
          %dma_wait3A_85 = tpu.memref_squeeze %dma_wait3A_84 : memref<1x128xi32, #tpu.memory_space<hbm>> -> memref<128xi32, #tpu.memory_space<hbm>>
          tpu.wait_dma2 semaphore(%arg12 : memref<!tpu.dma_semaphore, #tpu.memory_space<semaphore_mem>>) src(%dma_wait3A_85 : memref<128xi32, #tpu.memory_space<hbm>>) dst(%arg8 : memref<128xi32, #tpu.memory_space<vmem>>)
          %dma_wait3A_86 = tpu.memref_slice %arg4[%mul3A_15] : memref<331776xi32, #tpu.memory_space<hbm>> -> memref<128xi32, #tpu.memory_space<hbm>>
          %dma_wait3A_87 = tpu.memref_slice %arg4[%mul3A_15] : memref<331776xi32, #tpu.memory_space<hbm>> -> memref<128xi32, #tpu.memory_space<hbm>>
          tpu.wait_dma2 semaphore(%arg14 : memref<!tpu.dma_semaphore, #tpu.memory_space<semaphore_mem>>) src(%dma_wait3A_87 : memref<128xi32, #tpu.memory_space<hbm>>) dst(%arg10 : memref<128xi32, #tpu.memory_space<vmem>>)
          %dma_start3A_88 = arith.constant 0 : i32
          %dma_start3A_89 = arith.constant 0 : i32
          %dma_start3A_90 = tpu.memref_slice %arg2[%dma_start3A_88, %dma_start3A_89] : memref<20480x128xf32, #tpu.memory_space<hbm>> -> memref<20480x128xf32, #tpu.memory_space<hbm>>
          tpu.enqueue_indirect_dma source(%dma_start3A_90 : memref<20480x128xf32, #tpu.memory_space<hbm>>) target(%arg6 : memref<128x128xf32, #tpu.memory_space<vmem>>) offsets(%arg8 : memref<128xi32, #tpu.memory_space<vmem>>) semaphore(%arg16 : memref<!tpu.dma_semaphore, #tpu.memory_space<semaphore_mem>>)
        } else {
        }
        %dma_wait3A_72 = arith.constant 0 : i32
        %dma_wait3A_73 = arith.constant 0 : i32
        %dma_wait3A_74 = tpu.memref_slice %arg2[%dma_wait3A_72, %dma_wait3A_73] : memref<20480x128xf32, #tpu.memory_space<hbm>> -> memref<20480x128xf32, #tpu.memory_space<hbm>>
        tpu.wait_indirect_dma semaphore(%arg17 : memref<!tpu.dma_semaphore, #tpu.memory_space<semaphore_mem>>) src(%dma_wait3A_74 : memref<20480x128xf32, #tpu.memory_space<hbm>>) dst(%arg7 : memref<128x128xf32, #tpu.memory_space<vmem>>)
        "tpu.region"() ({
          %run_scoped3A = tpu.sem_alloc : memref<!tpu.dma_semaphore, #tpu.memory_space<semaphore_mem>>
          %dma_start3A_82 = arith.constant 0 : i32
          %dma_start3A_83 = arith.constant 0 : i32
          %dma_start3A_84 = tpu.memref_slice %arg18[%dma_start3A_82, %dma_start3A_83] : memref<10240x128xf32, #tpu.memory_space<vmem_shared>> -> memref<10240x128xf32, #tpu.memory_space<vmem_shared>>
          tpu.enqueue_indirect_dma source(%arg7 : memref<128x128xf32, #tpu.memory_space<vmem>>) target(%dma_start3A_84 : memref<10240x128xf32, #tpu.memory_space<vmem_shared>>) offsets(%arg11 : memref<128xi32, #tpu.memory_space<vmem>>) semaphore(%run_scoped3A : memref<!tpu.dma_semaphore, #tpu.memory_space<semaphore_mem>>) {add = true}
          %dma_wait3A_85 = arith.constant 0 : i32
          %dma_wait3A_86 = arith.constant 0 : i32
          %dma_wait3A_87 = tpu.memref_slice %arg18[%dma_wait3A_85, %dma_wait3A_86] : memref<10240x128xf32, #tpu.memory_space<vmem_shared>> -> memref<10240x128xf32, #tpu.memory_space<vmem_shared>>
          tpu.wait_indirect_dma semaphore(%run_scoped3A : memref<!tpu.dma_semaphore, #tpu.memory_space<semaphore_mem>>) src(%arg7 : memref<128x128xf32, #tpu.memory_space<vmem>>) dst(%dma_wait3A_87 : memref<10240x128xf32, #tpu.memory_space<vmem_shared>>)
          tpu.yield
        }) : () -> ()
        %add3A_75 = arith.constant 2 : i32
        %add3A_76 = arith.addi %scan3A_53, %add3A_75 : i32
        %lt3A_77 = arith.constant 162 : i32
        %lt3A_78 = arith.cmpi slt, %add3A_76, %lt3A_77 : i32
        %convert_element_type3A_79 = arith.extui %lt3A_78 : i1 to i32
        %cond3A_80 = arith.constant 0 : i32
        %cond3A_81 = arith.cmpi ne, %convert_element_type3A_79, %cond3A_80 : i32
        scf.if %cond3A_81 {
          %add3A_82 = arith.constant 2 : i32
          %add3A_83 = arith.addi %scan3A_53, %add3A_82 : i32
          %mul3A_84 = arith.constant 128 : i32
          %mul3A_85 = arith.muli %add3A_83, %mul3A_84 : i32
          %add3A_86 = arith.addi %mul3A_15, %mul3A_85 : i32
          %dma_start3A_87 = tpu.memref_slice %arg3[%arg0, %add3A_86] : memref<2x331776xi32, #tpu.memory_space<hbm>> -> memref<1x128xi32, #tpu.memory_space<hbm>>
          %dma_start3A_88 = tpu.memref_squeeze %dma_start3A_87 : memref<1x128xi32, #tpu.memory_space<hbm>> -> memref<128xi32, #tpu.memory_space<hbm>>
          %dma_start3A_89 = tpu.memref_slice %arg3[%arg0, %add3A_86] : memref<2x331776xi32, #tpu.memory_space<hbm>> -> memref<1x128xi32, #tpu.memory_space<hbm>>
          %dma_start3A_90 = tpu.memref_squeeze %dma_start3A_89 : memref<1x128xi32, #tpu.memory_space<hbm>> -> memref<128xi32, #tpu.memory_space<hbm>>
          tpu.enqueue_dma source(%dma_start3A_90 : memref<128xi32, #tpu.memory_space<hbm>>) target(%arg9 : memref<128xi32, #tpu.memory_space<vmem>>) target_semaphore(%arg13 : memref<!tpu.dma_semaphore, #tpu.memory_space<semaphore_mem>>)
          %dma_start3A_91 = tpu.memref_slice %arg4[%add3A_86] : memref<331776xi32, #tpu.memory_space<hbm>> -> memref<128xi32, #tpu.memory_space<hbm>>
          %dma_start3A_92 = tpu.memref_slice %arg4[%add3A_86] : memref<331776xi32, #tpu.memory_space<hbm>> -> memref<128xi32, #tpu.memory_space<hbm>>
          tpu.enqueue_dma source(%dma_start3A_92 : memref<128xi32, #tpu.memory_space<hbm>>) target(%arg11 : memref<128xi32, #tpu.memory_space<vmem>>) target_semaphore(%arg15 : memref<!tpu.dma_semaphore, #tpu.memory_space<semaphore_mem>>)
        } else {
        }
      } else {
      }
      %scan3A_65 = arith.constant 0 : i32
      scf.yield %scan3A_65 : i32
    }
    %scan3A_44 = arith.constant 162 : i32
    %barrier3A_45 = arith.constant 0 : index
    tpu.barrier barrier_id(%barrier3A_45)
    %scan3A_46 = arith.constant 0 : i32
    %scan3A_47 = arith.constant 0 : i32
    %scan3A_48 = arith.constant 5 : i32
    %scan3A_49 = arith.addi %scan3A_47, %scan3A_48 : i32
    %scan3A_50 = arith.constant 1 : i32
    %scan3A_51 = scf.for %scan3A_53 = %scan3A_47 to %scan3A_49 step %scan3A_50 iter_args(%scan3A_54 = %scan3A_46) -> (i32)  : i32 {
      %mul3A_55 = arith.constant 640 : i32
      %mul3A_56 = arith.muli %arg1, %mul3A_55 : i32
      %mul3A_57 = arith.constant 128 : i32
      %mul3A_58 = arith.muli %scan3A_53, %mul3A_57 : i32
      %add3A_59 = arith.addi %mul3A_56, %mul3A_58 : i32
      "tpu.region"() ({
        %run_scoped3A = tpu.sem_alloc : memref<!tpu.dma_semaphore, #tpu.memory_space<semaphore_mem>>
        %dma_start3A_61 = arith.constant 0 : i32
        %dma_start3A_62 = tpu.memref_slice %arg18[%add3A_59, %dma_start3A_61] : memref<10240x128xf32, #tpu.memory_space<vmem_shared>> -> memref<128x128xf32, #tpu.memory_space<vmem_shared>>
        %dma_start3A_63 = arith.constant 0 : i32
        %dma_start3A_64 = tpu.memref_slice %arg18[%add3A_59, %dma_start3A_63] : memref<10240x128xf32, #tpu.memory_space<vmem_shared>> -> memref<128x128xf32, #tpu.memory_space<vmem_shared>>
        tpu.enqueue_dma source(%dma_start3A_64 : memref<128x128xf32, #tpu.memory_space<vmem_shared>>) target(%arg6 : memref<128x128xf32, #tpu.memory_space<vmem>>) target_semaphore(%run_scoped3A : memref<!tpu.dma_semaphore, #tpu.memory_space<semaphore_mem>>)
        %dma_wait3A_65 = arith.constant 0 : i32
        %dma_wait3A_66 = tpu.memref_slice %arg18[%add3A_59, %dma_wait3A_65] : memref<10240x128xf32, #tpu.memory_space<vmem_shared>> -> memref<128x128xf32, #tpu.memory_space<vmem_shared>>
        %dma_wait3A_67 = arith.constant 0 : i32
        %dma_wait3A_68 = tpu.memref_slice %arg18[%add3A_59, %dma_wait3A_67] : memref<10240x128xf32, #tpu.memory_space<vmem_shared>> -> memref<128x128xf32, #tpu.memory_space<vmem_shared>>
        tpu.wait_dma2 semaphore(%run_scoped3A : memref<!tpu.dma_semaphore, #tpu.memory_space<semaphore_mem>>) src(%dma_wait3A_68 : memref<128x128xf32, #tpu.memory_space<vmem_shared>>) dst(%arg6 : memref<128x128xf32, #tpu.memory_space<vmem>>)
        tpu.yield
      }) : () -> ()
      "tpu.region"() ({
        %run_scoped3A = tpu.sem_alloc : memref<!tpu.dma_semaphore, #tpu.memory_space<semaphore_mem>>
        %dma_start3A_61 = arith.constant 0 : i32
        %dma_start3A_62 = tpu.memref_slice %arg5[%arg0, %add3A_59, %dma_start3A_61] : memref<2x10240x128xf32, #tpu.memory_space<hbm>> -> memref<1x128x128xf32, #tpu.memory_space<hbm>>
        %dma_start3A_63 = tpu.memref_squeeze %dma_start3A_62 : memref<1x128x128xf32, #tpu.memory_space<hbm>> -> memref<128x128xf32, #tpu.memory_space<hbm>>
        %dma_start3A_64 = arith.constant 0 : i32
        %dma_start3A_65 = tpu.memref_slice %arg5[%arg0, %add3A_59, %dma_start3A_64] : memref<2x10240x128xf32, #tpu.memory_space<hbm>> -> memref<1x128x128xf32, #tpu.memory_space<hbm>>
        %dma_start3A_66 = tpu.memref_squeeze %dma_start3A_65 : memref<1x128x128xf32, #tpu.memory_space<hbm>> -> memref<128x128xf32, #tpu.memory_space<hbm>>
        tpu.enqueue_dma source(%arg6 : memref<128x128xf32, #tpu.memory_space<vmem>>) target(%dma_start3A_66 : memref<128x128xf32, #tpu.memory_space<hbm>>) target_semaphore(%run_scoped3A : memref<!tpu.dma_semaphore, #tpu.memory_space<semaphore_mem>>)
        %dma_wait3A_67 = arith.constant 0 : i32
        %dma_wait3A_68 = tpu.memref_slice %arg5[%arg0, %add3A_59, %dma_wait3A_67] : memref<2x10240x128xf32, #tpu.memory_space<hbm>> -> memref<1x128x128xf32, #tpu.memory_space<hbm>>
        %dma_wait3A_69 = tpu.memref_squeeze %dma_wait3A_68 : memref<1x128x128xf32, #tpu.memory_space<hbm>> -> memref<128x128xf32, #tpu.memory_space<hbm>>
        %dma_wait3A_70 = arith.constant 0 : i32
        %dma_wait3A_71 = tpu.memref_slice %arg5[%arg0, %add3A_59, %dma_wait3A_70] : memref<2x10240x128xf32, #tpu.memory_space<hbm>> -> memref<1x128x128xf32, #tpu.memory_space<hbm>>
        %dma_wait3A_72 = tpu.memref_squeeze %dma_wait3A_71 : memref<1x128x128xf32, #tpu.memory_space<hbm>> -> memref<128x128xf32, #tpu.memory_space<hbm>>
        tpu.wait_dma2 semaphore(%run_scoped3A : memref<!tpu.dma_semaphore, #tpu.memory_space<semaphore_mem>>) src(%arg6 : memref<128x128xf32, #tpu.memory_space<vmem>>) dst(%dma_wait3A_72 : memref<128x128xf32, #tpu.memory_space<hbm>>)
        tpu.yield
      }) : () -> ()
      %scan3A_60 = arith.constant 0 : i32
      scf.yield %scan3A_60 : i32
    }
    %scan3A_52 = arith.constant 5 : i32
    return
  }
}

#map = affine_map<(d0, d1) -> (0, 0)>
#map1 = affine_map<(d0, d1) -> (0)>
#map2 = affine_map<(d0, d1) -> (0, 0, 0)>
module attributes {stable_mosaic.version = 14 : i64} {
  func.func @_conv_body(%arg0: i32, %arg1: i32, %arg2: memref<20480x128xf32, #tpu.memory_space<hbm>>, %arg3: memref<2x331776xi32, #tpu.memory_space<hbm>>, %arg4: memref<331776xi32, #tpu.memory_space<hbm>>, %arg5: memref<2x10240x128xf32, #tpu.memory_space<hbm>>, %arg6: memref<128x128xf32, #tpu.memory_space<vmem>>, %arg7: memref<128x128xf32, #tpu.memory_space<vmem>>, %arg8: memref<128xi32, #tpu.memory_space<vmem>>, %arg9: memref<128xi32, #tpu.memory_space<vmem>>, %arg10: memref<128xi32, #tpu.memory_space<vmem>>, %arg11: memref<128xi32, #tpu.memory_space<vmem>>, %arg12: memref<!tpu.dma_semaphore, #tpu.memory_space<semaphore_mem>>, %arg13: memref<!tpu.dma_semaphore, #tpu.memory_space<semaphore_mem>>, %arg14: memref<!tpu.dma_semaphore, #tpu.memory_space<semaphore_mem>>, %arg15: memref<!tpu.dma_semaphore, #tpu.memory_space<semaphore_mem>>, %arg16: memref<!tpu.dma_semaphore, #tpu.memory_space<semaphore_mem>>, %arg17: memref<!tpu.dma_semaphore, #tpu.memory_space<semaphore_mem>>, %arg18: memref<10240x128xf32, #tpu.memory_space<vmem_shared>>) attributes {dimension_semantics = [#tpu.dimension_semantics<core_parallel>, #tpu.dimension_semantics<subcore_parallel>], iteration_bounds = array<i64: 2, 16>, scalar_prefetch = 0 : i64, scratch_operands = 13 : i64, tpu.core_type = #tpu.core_type<sc_vector_subcore>, window_params = [{transform_indices = #map}, {transform_indices = #map}, {transform_indices = #map1}, {transform_indices = #map2}]} {
    %scan3A = arith.constant 0 : i32
    %scan3A_0 = arith.constant 0 : i32
    %scan3A_1 = arith.constant 128 : i32
    %scan3A_2 = arith.addi %scan3A_0, %scan3A_1 : i32
    %scan3A_3 = arith.constant 1 : i32
    %scan3A_4 = scf.for %scan3A_53 = %scan3A_0 to %scan3A_2 step %scan3A_3 iter_args(%scan3A_54 = %scan3A) -> (i32)  : i32 {
      %scan3A_55 = arith.constant 0 : i32
      %scan3A_56 = arith.constant 0 : i32
      %scan3A_57 = arith.constant 8 : i32
      %scan3A_58 = arith.addi %scan3A_56, %scan3A_57 : i32
      %scan3A_59 = arith.constant 1 : i32
      %scan3A_60 = scf.for %scan3A_63 = %scan3A_56 to %scan3A_58 step %scan3A_59 iter_args(%scan3A_64 = %scan3A_55) -> (i32)  : i32 {
        %broadcast_in_dim3A = arith.constant 0.000000e+00 : f32
        %broadcast_in_dim3A_65 = vector.broadcast %broadcast_in_dim3A : f32 to vector<16xf32>
        %mul3A_66 = arith.constant 16 : i32
        %mul3A_67 = arith.muli %scan3A_63, %mul3A_66 : i32
        %swap3A = arith.index_cast %scan3A_53 : i32 to index
        %swap3A_68 = arith.index_cast %mul3A_67 : i32 to index
        %swap3A_69 = tpu.vector_load %arg6[%swap3A, %swap3A_68] {strides = array<i32>} : memref<128x128xf32, #tpu.memory_space<vmem>>, vector<16xf32>,
        tpu.vector_store %arg6[%swap3A, %swap3A_68], %broadcast_in_dim3A_65 {strides = array<i32>} : memref<128x128xf32, #tpu.memory_space<vmem>>, vector<16xf32>,
        %scan3A_70 = arith.constant 0 : i32
        scf.yield %scan3A_70 : i32
      }
      %scan3A_61 = arith.constant 8 : i32
      %scan3A_62 = arith.constant 0 : i32
      scf.yield %scan3A_62 : i32
    }
    %scan3A_5 = arith.constant 128 : i32
    %scan3A_6 = arith.constant 0 : i32
    %scan3A_7 = arith.constant 0 : i32
    %scan3A_8 = arith.constant 5 : i32
    %scan3A_9 = arith.addi %scan3A_7, %scan3A_8 : i32
    %scan3A_10 = arith.constant 1 : i32
    %scan3A_11 = scf.for %scan3A_53 = %scan3A_7 to %scan3A_9 step %scan3A_10 iter_args(%scan3A_54 = %scan3A_6) -> (i32)  : i32 {
      %mul3A_55 = arith.constant 640 : i32
      %mul3A_56 = arith.muli %arg1, %mul3A_55 : i32
      %mul3A_57 = arith.constant 128 : i32
      %mul3A_58 = arith.muli %scan3A_53, %mul3A_57 : i32
      %add3A_59 = arith.addi %mul3A_56, %mul3A_58 : i32
      "tpu.region"() ({
        %run_scoped3A = tpu.sem_alloc : memref<!tpu.dma_semaphore, #tpu.memory_space<semaphore_mem>>
        %dma_start3A_61 = arith.constant 0 : i32
        %dma_start3A_62 = tpu.memref_slice %arg18[%add3A_59, %dma_start3A_61] : memref<10240x128xf32, #tpu.memory_space<vmem_shared>> -> memref<128x128xf32, #tpu.memory_space<vmem_shared>>
        %dma_start3A_63 = arith.constant 0 : i32
        %dma_start3A_64 = tpu.memref_slice %arg18[%add3A_59, %dma_start3A_63] : memref<10240x128xf32, #tpu.memory_space<vmem_shared>> -> memref<128x128xf32, #tpu.memory_space<vmem_shared>>
        tpu.enqueue_dma source(%arg6 : memref<128x128xf32, #tpu.memory_space<vmem>>) target(%dma_start3A_64 : memref<128x128xf32, #tpu.memory_space<vmem_shared>>) target_semaphore(%run_scoped3A : memref<!tpu.dma_semaphore, #tpu.memory_space<semaphore_mem>>)
        %dma_wait3A_65 = arith.constant 0 : i32
        %dma_wait3A_66 = tpu.memref_slice %arg18[%add3A_59, %dma_wait3A_65] : memref<10240x128xf32, #tpu.memory_space<vmem_shared>> -> memref<128x128xf32, #tpu.memory_space<vmem_shared>>
        %dma_wait3A_67 = arith.constant 0 : i32
        %dma_wait3A_68 = tpu.memref_slice %arg18[%add3A_59, %dma_wait3A_67] : memref<10240x128xf32, #tpu.memory_space<vmem_shared>> -> memref<128x128xf32, #tpu.memory_space<vmem_shared>>
        tpu.wait_dma2 semaphore(%run_scoped3A : memref<!tpu.dma_semaphore, #tpu.memory_space<semaphore_mem>>) src(%arg6 : memref<128x128xf32, #tpu.memory_space<vmem>>) dst(%dma_wait3A_68 : memref<128x128xf32, #tpu.memory_space<vmem_shared>>)
        tpu.yield
      }) : () -> ()
      %scan3A_60 = arith.constant 0 : i32
      scf.yield %scan3A_60 : i32
    }
    %scan3A_12 = arith.constant 5 : i32
    %barrier3A = arith.constant 0 : index
    tpu.barrier barrier_id(%barrier3A)
    %mul3A = arith.constant 162 : i32
    %mul3A_13 = arith.muli %arg1, %mul3A : i32
    %mul3A_14 = arith.constant 128 : i32
    %mul3A_15 = arith.muli %mul3A_13, %mul3A_14 : i32
    %add3A = arith.constant 0 : i32
    %add3A_16 = arith.addi %mul3A_15, %add3A : i32
    %dma_start3A = tpu.memref_slice %arg3[%arg0, %add3A_16] : memref<2x331776xi32, #tpu.memory_space<hbm>> -> memref<1x128xi32, #tpu.memory_space<hbm>>
    %dma_start3A_17 = tpu.memref_squeeze %dma_start3A : memref<1x128xi32, #tpu.memory_space<hbm>> -> memref<128xi32, #tpu.memory_space<hbm>>
    %dma_start3A_18 = tpu.memref_slice %arg3[%arg0, %add3A_16] : memref<2x331776xi32, #tpu.memory_space<hbm>> -> memref<1x128xi32, #tpu.memory_space<hbm>>
    %dma_start3A_19 = tpu.memref_squeeze %dma_start3A_18 : memref<1x128xi32, #tpu.memory_space<hbm>> -> memref<128xi32, #tpu.memory_space<hbm>>
    tpu.enqueue_dma source(%dma_start3A_19 : memref<128xi32, #tpu.memory_space<hbm>>) target(%arg8 : memref<128xi32, #tpu.memory_space<vmem>>) target_semaphore(%arg12 : memref<!tpu.dma_semaphore, #tpu.memory_space<semaphore_mem>>)
    %dma_start3A_20 = tpu.memref_slice %arg4[%add3A_16] : memref<331776xi32, #tpu.memory_space<hbm>> -> memref<128xi32, #tpu.memory_space<hbm>>
    %dma_start3A_21 = tpu.memref_slice %arg4[%add3A_16] : memref<331776xi32, #tpu.memory_space<hbm>> -> memref<128xi32, #tpu.memory_space<hbm>>
    tpu.enqueue_dma source(%dma_start3A_21 : memref<128xi32, #tpu.memory_space<hbm>>) target(%arg10 : memref<128xi32, #tpu.memory_space<vmem>>) target_semaphore(%arg14 : memref<!tpu.dma_semaphore, #tpu.memory_space<semaphore_mem>>)
    %dma_wait3A = tpu.memref_slice %arg3[%arg0, %mul3A_15] : memref<2x331776xi32, #tpu.memory_space<hbm>> -> memref<1x128xi32, #tpu.memory_space<hbm>>
    %dma_wait3A_22 = tpu.memref_squeeze %dma_wait3A : memref<1x128xi32, #tpu.memory_space<hbm>> -> memref<128xi32, #tpu.memory_space<hbm>>
    %dma_wait3A_23 = tpu.memref_slice %arg3[%arg0, %mul3A_15] : memref<2x331776xi32, #tpu.memory_space<hbm>> -> memref<1x128xi32, #tpu.memory_space<hbm>>
    %dma_wait3A_24 = tpu.memref_squeeze %dma_wait3A_23 : memref<1x128xi32, #tpu.memory_space<hbm>> -> memref<128xi32, #tpu.memory_space<hbm>>
    tpu.wait_dma2 semaphore(%arg12 : memref<!tpu.dma_semaphore, #tpu.memory_space<semaphore_mem>>) src(%dma_wait3A_24 : memref<128xi32, #tpu.memory_space<hbm>>) dst(%arg8 : memref<128xi32, #tpu.memory_space<vmem>>)
    %dma_wait3A_25 = tpu.memref_slice %arg4[%mul3A_15] : memref<331776xi32, #tpu.memory_space<hbm>> -> memref<128xi32, #tpu.memory_space<hbm>>
    %dma_wait3A_26 = tpu.memref_slice %arg4[%mul3A_15] : memref<331776xi32, #tpu.memory_space<hbm>> -> memref<128xi32, #tpu.memory_space<hbm>>
    tpu.wait_dma2 semaphore(%arg14 : memref<!tpu.dma_semaphore, #tpu.memory_space<semaphore_mem>>) src(%dma_wait3A_26 : memref<128xi32, #tpu.memory_space<hbm>>) dst(%arg10 : memref<128xi32, #tpu.memory_space<vmem>>)
    %dma_start3A_27 = arith.constant 0 : i32
    %dma_start3A_28 = arith.constant 0 : i32
    %dma_start3A_29 = tpu.memref_slice %arg2[%dma_start3A_27, %dma_start3A_28] : memref<20480x128xf32, #tpu.memory_space<hbm>> -> memref<20480x128xf32, #tpu.memory_space<hbm>>
    tpu.enqueue_indirect_dma source(%dma_start3A_29 : memref<20480x128xf32, #tpu.memory_space<hbm>>) target(%arg6 : memref<128x128xf32, #tpu.memory_space<vmem>>) offsets(%arg8 : memref<128xi32, #tpu.memory_space<vmem>>) semaphore(%arg16 : memref<!tpu.dma_semaphore, #tpu.memory_space<semaphore_mem>>)
    %add3A_30 = arith.constant 128 : i32
    %add3A_31 = arith.addi %mul3A_15, %add3A_30 : i32
    %dma_start3A_32 = tpu.memref_slice %arg3[%arg0, %add3A_31] : memref<2x331776xi32, #tpu.memory_space<hbm>> -> memref<1x128xi32, #tpu.memory_space<hbm>>
    %dma_start3A_33 = tpu.memref_squeeze %dma_start3A_32 : memref<1x128xi32, #tpu.memory_space<hbm>> -> memref<128xi32, #tpu.memory_space<hbm>>
    %dma_start3A_34 = tpu.memref_slice %arg3[%arg0, %add3A_31] : memref<2x331776xi32, #tpu.memory_space<hbm>> -> memref<1x128xi32, #tpu.memory_space<hbm>>
    %dma_start3A_35 = tpu.memref_squeeze %dma_start3A_34 : memref<1x128xi32, #tpu.memory_space<hbm>> -> memref<128xi32, #tpu.memory_space<hbm>>
    tpu.enqueue_dma source(%dma_start3A_35 : memref<128xi32, #tpu.memory_space<hbm>>) target(%arg9 : memref<128xi32, #tpu.memory_space<vmem>>) target_semaphore(%arg13 : memref<!tpu.dma_semaphore, #tpu.memory_space<semaphore_mem>>)
    %dma_start3A_36 = tpu.memref_slice %arg4[%add3A_31] : memref<331776xi32, #tpu.memory_space<hbm>> -> memref<128xi32, #tpu.memory_space<hbm>>
    %dma_start3A_37 = tpu.memref_slice %arg4[%add3A_31] : memref<331776xi32, #tpu.memory_space<hbm>> -> memref<128xi32, #tpu.memory_space<hbm>>
    tpu.enqueue_dma source(%dma_start3A_37 : memref<128xi32, #tpu.memory_space<hbm>>) target(%arg11 : memref<128xi32, #tpu.memory_space<vmem>>) target_semaphore(%arg15 : memref<!tpu.dma_semaphore, #tpu.memory_space<semaphore_mem>>)
    %scan3A_38 = arith.constant 0 : i32
    %scan3A_39 = arith.constant 0 : i32
    %scan3A_40 = arith.constant 162 : i32
    %scan3A_41 = arith.addi %scan3A_39, %scan3A_40 : i32
    %scan3A_42 = arith.constant 1 : i32
    %scan3A_43 = scf.for %scan3A_53 = %scan3A_39 to %scan3A_41 step %scan3A_42 iter_args(%scan3A_54 = %scan3A_38) -> (i32)  : i32 {
      %rem3A = arith.constant 2 : i32
      %rem3A_55 = arith.remsi %scan3A_53, %rem3A : i32
      %eq3A = arith.constant 0 : i32
      %eq3A_56 = arith.cmpi eq, %rem3A_55, %eq3A : i32
      %convert_element_type3A = arith.extui %eq3A_56 : i1 to i32
      %cond3A = arith.constant 0 : i32
      %cond3A_57 = arith.cmpi ne, %convert_element_type3A, %cond3A : i32
      scf.if %cond3A_57 {
        %add3A_66 = arith.constant 1 : i32
        %add3A_67 = arith.addi %scan3A_53, %add3A_66 : i32
        %lt3A = arith.constant 162 : i32
        %lt3A_68 = arith.cmpi slt, %add3A_67, %lt3A : i32
        %convert_element_type3A_69 = arith.extui %lt3A_68 : i1 to i32
        %cond3A_70 = arith.constant 0 : i32
        %cond3A_71 = arith.cmpi ne, %convert_element_type3A_69, %cond3A_70 : i32
        scf.if %cond3A_71 {
          %dma_wait3A_82 = tpu.memref_slice %arg3[%arg0, %mul3A_15] : memref<2x331776xi32, #tpu.memory_space<hbm>> -> memref<1x128xi32, #tpu.memory_space<hbm>>
          %dma_wait3A_83 = tpu.memref_squeeze %dma_wait3A_82 : memref<1x128xi32, #tpu.memory_space<hbm>> -> memref<128xi32, #tpu.memory_space<hbm>>
          %dma_wait3A_84 = tpu.memref_slice %arg3[%arg0, %mul3A_15] : memref<2x331776xi32, #tpu.memory_space<hbm>> -> memref<1x128xi32, #tpu.memory_space<hbm>>
          %dma_wait3A_85 = tpu.memref_squeeze %dma_wait3A_84 : memref<1x128xi32, #tpu.memory_space<hbm>> -> memref<128xi32, #tpu.memory_space<hbm>>
          tpu.wait_dma2 semaphore(%arg13 : memref<!tpu.dma_semaphore, #tpu.memory_space<semaphore_mem>>) src(%dma_wait3A_85 : memref<128xi32, #tpu.memory_space<hbm>>) dst(%arg9 : memref<128xi32, #tpu.memory_space<vmem>>)
          %dma_wait3A_86 = tpu.memref_slice %arg4[%mul3A_15] : memref<331776xi32, #tpu.memory_space<hbm>> -> memref<128xi32, #tpu.memory_space<hbm>>
          %dma_wait3A_87 = tpu.memref_slice %arg4[%mul3A_15] : memref<331776xi32, #tpu.memory_space<hbm>> -> memref<128xi32, #tpu.memory_space<hbm>>
          tpu.wait_dma2 semaphore(%arg15 : memref<!tpu.dma_semaphore, #tpu.memory_space<semaphore_mem>>) src(%dma_wait3A_87 : memref<128xi32, #tpu.memory_space<hbm>>) dst(%arg11 : memref<128xi32, #tpu.memory_space<vmem>>)
          %dma_start3A_88 = arith.constant 0 : i32
          %dma_start3A_89 = arith.constant 0 : i32
          %dma_start3A_90 = tpu.memref_slice %arg2[%dma_start3A_88, %dma_start3A_89] : memref<20480x128xf32, #tpu.memory_space<hbm>> -> memref<20480x128xf32, #tpu.memory_space<hbm>>
          tpu.enqueue_indirect_dma source(%dma_start3A_90 : memref<20480x128xf32, #tpu.memory_space<hbm>>) target(%arg7 : memref<128x128xf32, #tpu.memory_space<vmem>>) offsets(%arg9 : memref<128xi32, #tpu.memory_space<vmem>>) semaphore(%arg17 : memref<!tpu.dma_semaphore, #tpu.memory_space<semaphore_mem>>)
        } else {
        }
        %dma_wait3A_72 = arith.constant 0 : i32
        %dma_wait3A_73 = arith.constant 0 : i32
        %dma_wait3A_74 = tpu.memref_slice %arg2[%dma_wait3A_72, %dma_wait3A_73] : memref<20480x128xf32, #tpu.memory_space<hbm>> -> memref<20480x128xf32, #tpu.memory_space<hbm>>
        tpu.wait_indirect_dma semaphore(%arg16 : memref<!tpu.dma_semaphore, #tpu.memory_space<semaphore_mem>>) src(%dma_wait3A_74 : memref<20480x128xf32, #tpu.memory_space<hbm>>) dst(%arg6 : memref<128x128xf32, #tpu.memory_space<vmem>>)
        "tpu.region"() ({
          %run_scoped3A = tpu.sem_alloc : memref<!tpu.dma_semaphore, #tpu.memory_space<semaphore_mem>>
          %dma_start3A_82 = arith.constant 0 : i32
          %dma_start3A_83 = arith.constant 0 : i32
          %dma_start3A_84 = tpu.memref_slice %arg18[%dma_start3A_82, %dma_start3A_83] : memref<10240x128xf32, #tpu.memory_space<vmem_shared>> -> memref<10240x128xf32, #tpu.memory_space<vmem_shared>>
          tpu.enqueue_indirect_dma source(%arg6 : memref<128x128xf32, #tpu.memory_space<vmem>>) target(%dma_start3A_84 : memref<10240x128xf32, #tpu.memory_space<vmem_shared>>) offsets(%arg10 : memref<128xi32, #tpu.memory_space<vmem>>) semaphore(%run_scoped3A : memref<!tpu.dma_semaphore, #tpu.memory_space<semaphore_mem>>) {add = true}
          %dma_wait3A_85 = arith.constant 0 : i32
          %dma_wait3A_86 = arith.constant 0 : i32
          %dma_wait3A_87 = tpu.memref_slice %arg18[%dma_wait3A_85, %dma_wait3A_86] : memref<10240x128xf32, #tpu.memory_space<vmem_shared>> -> memref<10240x128xf32, #tpu.memory_space<vmem_shared>>
          tpu.wait_indirect_dma semaphore(%run_scoped3A : memref<!tpu.dma_semaphore, #tpu.memory_space<semaphore_mem>>) src(%arg6 : memref<128x128xf32, #tpu.memory_space<vmem>>) dst(%dma_wait3A_87 : memref<10240x128xf32, #tpu.memory_space<vmem_shared>>)
          tpu.yield
        }) : () -> ()
        %add3A_75 = arith.constant 2 : i32
        %add3A_76 = arith.addi %scan3A_53, %add3A_75 : i32
        %lt3A_77 = arith.constant 162 : i32
        %lt3A_78 = arith.cmpi slt, %add3A_76, %lt3A_77 : i32
        %convert_element_type3A_79 = arith.extui %lt3A_78 : i1 to i32
        %cond3A_80 = arith.constant 0 : i32
        %cond3A_81 = arith.cmpi ne, %convert_element_type3A_79, %cond3A_80 : i32
        scf.if %cond3A_81 {
          %add3A_82 = arith.constant 2 : i32
          %add3A_83 = arith.addi %scan3A_53, %add3A_82 : i32
          %mul3A_84 = arith.constant 128 : i32
          %mul3A_85 = arith.muli %add3A_83, %mul3A_84 : i32
          %add3A_86 = arith.addi %mul3A_15, %mul3A_85 : i32
          %dma_start3A_87 = tpu.memref_slice %arg3[%arg0, %add3A_86] : memref<2x331776xi32, #tpu.memory_space<hbm>> -> memref<1x128xi32, #tpu.memory_space<hbm>>
          %dma_start3A_88 = tpu.memref_squeeze %dma_start3A_87 : memref<1x128xi32, #tpu.memory_space<hbm>> -> memref<128xi32, #tpu.memory_space<hbm>>
          %dma_start3A_89 = tpu.memref_slice %arg3[%arg0, %add3A_86] : memref<2x331776xi32, #tpu.memory_space<hbm>> -> memref<1x128xi32, #tpu.memory_space<hbm>>
          %dma_start3A_90 = tpu.memref_squeeze %dma_start3A_89 : memref<1x128xi32, #tpu.memory_space<hbm>> -> memref<128xi32, #tpu.memory_space<hbm>>
          tpu.enqueue_dma source(%dma_start3A_90 : memref<128xi32, #tpu.memory_space<hbm>>) target(%arg8 : memref<128xi32, #tpu.memory_space<vmem>>) target_semaphore(%arg12 : memref<!tpu.dma_semaphore, #tpu.memory_space<semaphore_mem>>)
          %dma_start3A_91 = tpu.memref_slice %arg4[%add3A_86] : memref<331776xi32, #tpu.memory_space<hbm>> -> memref<128xi32, #tpu.memory_space<hbm>>
          %dma_start3A_92 = tpu.memref_slice %arg4[%add3A_86] : memref<331776xi32, #tpu.memory_space<hbm>> -> memref<128xi32, #tpu.memory_space<hbm>>
          tpu.enqueue_dma source(%dma_start3A_92 : memref<128xi32, #tpu.memory_space<hbm>>) target(%arg10 : memref<128xi32, #tpu.memory_space<vmem>>) target_semaphore(%arg14 : memref<!tpu.dma_semaphore, #tpu.memory_space<semaphore_mem>>)
        } else {
        }
      } else {
      }
      %rem3A_58 = arith.constant 2 : i32
      %rem3A_59 = arith.remsi %scan3A_53, %rem3A_58 : i32
      %eq3A_60 = arith.constant 1 : i32
      %eq3A_61 = arith.cmpi eq, %rem3A_59, %eq3A_60 : i32
      %convert_element_type3A_62 = arith.extui %eq3A_61 : i1 to i32
      %cond3A_63 = arith.constant 0 : i32
      %cond3A_64 = arith.cmpi ne, %convert_element_type3A_62, %cond3A_63 : i32
      scf.if %cond3A_64 {
        %add3A_66 = arith.constant 1 : i32
        %add3A_67 = arith.addi %scan3A_53, %add3A_66 : i32
        %lt3A = arith.constant 162 : i32
        %lt3A_68 = arith.cmpi slt, %add3A_67, %lt3A : i32
        %convert_element_type3A_69 = arith.extui %lt3A_68 : i1 to i32
        %cond3A_70 = arith.constant 0 : i32
        %cond3A_71 = arith.cmpi ne, %convert_element_type3A_69, %cond3A_70 : i32
        scf.if %cond3A_71 {
          %dma_wait3A_82 = tpu.memref_slice %arg3[%arg0, %mul3A_15] : memref<2x331776xi32, #tpu.memory_space<hbm>> -> memref<1x128xi32, #tpu.memory_space<hbm>>
          %dma_wait3A_83 = tpu.memref_squeeze %dma_wait3A_82 : memref<1x128xi32, #tpu.memory_space<hbm>> -> memref<128xi32, #tpu.memory_space<hbm>>
          %dma_wait3A_84 = tpu.memref_slice %arg3[%arg0, %mul3A_15] : memref<2x331776xi32, #tpu.memory_space<hbm>> -> memref<1x128xi32, #tpu.memory_space<hbm>>
          %dma_wait3A_85 = tpu.memref_squeeze %dma_wait3A_84 : memref<1x128xi32, #tpu.memory_space<hbm>> -> memref<128xi32, #tpu.memory_space<hbm>>
          tpu.wait_dma2 semaphore(%arg12 : memref<!tpu.dma_semaphore, #tpu.memory_space<semaphore_mem>>) src(%dma_wait3A_85 : memref<128xi32, #tpu.memory_space<hbm>>) dst(%arg8 : memref<128xi32, #tpu.memory_space<vmem>>)
          %dma_wait3A_86 = tpu.memref_slice %arg4[%mul3A_15] : memref<331776xi32, #tpu.memory_space<hbm>> -> memref<128xi32, #tpu.memory_space<hbm>>
          %dma_wait3A_87 = tpu.memref_slice %arg4[%mul3A_15] : memref<331776xi32, #tpu.memory_space<hbm>> -> memref<128xi32, #tpu.memory_space<hbm>>
          tpu.wait_dma2 semaphore(%arg14 : memref<!tpu.dma_semaphore, #tpu.memory_space<semaphore_mem>>) src(%dma_wait3A_87 : memref<128xi32, #tpu.memory_space<hbm>>) dst(%arg10 : memref<128xi32, #tpu.memory_space<vmem>>)
          %dma_start3A_88 = arith.constant 0 : i32
          %dma_start3A_89 = arith.constant 0 : i32
          %dma_start3A_90 = tpu.memref_slice %arg2[%dma_start3A_88, %dma_start3A_89] : memref<20480x128xf32, #tpu.memory_space<hbm>> -> memref<20480x128xf32, #tpu.memory_space<hbm>>
          tpu.enqueue_indirect_dma source(%dma_start3A_90 : memref<20480x128xf32, #tpu.memory_space<hbm>>) target(%arg6 : memref<128x128xf32, #tpu.memory_space<vmem>>) offsets(%arg8 : memref<128xi32, #tpu.memory_space<vmem>>) semaphore(%arg16 : memref<!tpu.dma_semaphore, #tpu.memory_space<semaphore_mem>>)
        } else {
        }
        %dma_wait3A_72 = arith.constant 0 : i32
        %dma_wait3A_73 = arith.constant 0 : i32
        %dma_wait3A_74 = tpu.memref_slice %arg2[%dma_wait3A_72, %dma_wait3A_73] : memref<20480x128xf32, #tpu.memory_space<hbm>> -> memref<20480x128xf32, #tpu.memory_space<hbm>>
        tpu.wait_indirect_dma semaphore(%arg17 : memref<!tpu.dma_semaphore, #tpu.memory_space<semaphore_mem>>) src(%dma_wait3A_74 : memref<20480x128xf32, #tpu.memory_space<hbm>>) dst(%arg7 : memref<128x128xf32, #tpu.memory_space<vmem>>)
        "tpu.region"() ({
          %run_scoped3A = tpu.sem_alloc : memref<!tpu.dma_semaphore, #tpu.memory_space<semaphore_mem>>
          %dma_start3A_82 = arith.constant 0 : i32
          %dma_start3A_83 = arith.constant 0 : i32
          %dma_start3A_84 = tpu.memref_slice %arg18[%dma_start3A_82, %dma_start3A_83] : memref<10240x128xf32, #tpu.memory_space<vmem_shared>> -> memref<10240x128xf32, #tpu.memory_space<vmem_shared>>
          tpu.enqueue_indirect_dma source(%arg7 : memref<128x128xf32, #tpu.memory_space<vmem>>) target(%dma_start3A_84 : memref<10240x128xf32, #tpu.memory_space<vmem_shared>>) offsets(%arg11 : memref<128xi32, #tpu.memory_space<vmem>>) semaphore(%run_scoped3A : memref<!tpu.dma_semaphore, #tpu.memory_space<semaphore_mem>>) {add = true}
          %dma_wait3A_85 = arith.constant 0 : i32
          %dma_wait3A_86 = arith.constant 0 : i32
          %dma_wait3A_87 = tpu.memref_slice %arg18[%dma_wait3A_85, %dma_wait3A_86] : memref<10240x128xf32, #tpu.memory_space<vmem_shared>> -> memref<10240x128xf32, #tpu.memory_space<vmem_shared>>
          tpu.wait_indirect_dma semaphore(%run_scoped3A : memref<!tpu.dma_semaphore, #tpu.memory_space<semaphore_mem>>) src(%arg7 : memref<128x128xf32, #tpu.memory_space<vmem>>) dst(%dma_wait3A_87 : memref<10240x128xf32, #tpu.memory_space<vmem_shared>>)
          tpu.yield
        }) : () -> ()
        %add3A_75 = arith.constant 2 : i32
        %add3A_76 = arith.addi %scan3A_53, %add3A_75 : i32
        %lt3A_77 = arith.constant 162 : i32
        %lt3A_78 = arith.cmpi slt, %add3A_76, %lt3A_77 : i32
        %convert_element_type3A_79 = arith.extui %lt3A_78 : i1 to i32
        %cond3A_80 = arith.constant 0 : i32
        %cond3A_81 = arith.cmpi ne, %convert_element_type3A_79, %cond3A_80 : i32
        scf.if %cond3A_81 {
          %add3A_82 = arith.constant 2 : i32
          %add3A_83 = arith.addi %scan3A_53, %add3A_82 : i32
          %mul3A_84 = arith.constant 128 : i32
          %mul3A_85 = arith.muli %add3A_83, %mul3A_84 : i32
          %add3A_86 = arith.addi %mul3A_15, %mul3A_85 : i32
          %dma_start3A_87 = tpu.memref_slice %arg3[%arg0, %add3A_86] : memref<2x331776xi32, #tpu.memory_space<hbm>> -> memref<1x128xi32, #tpu.memory_space<hbm>>
          %dma_start3A_88 = tpu.memref_squeeze %dma_start3A_87 : memref<1x128xi32, #tpu.memory_space<hbm>> -> memref<128xi32, #tpu.memory_space<hbm>>
          %dma_start3A_89 = tpu.memref_slice %arg3[%arg0, %add3A_86] : memref<2x331776xi32, #tpu.memory_space<hbm>> -> memref<1x128xi32, #tpu.memory_space<hbm>>
          %dma_start3A_90 = tpu.memref_squeeze %dma_start3A_89 : memref<1x128xi32, #tpu.memory_space<hbm>> -> memref<128xi32, #tpu.memory_space<hbm>>
          tpu.enqueue_dma source(%dma_start3A_90 : memref<128xi32, #tpu.memory_space<hbm>>) target(%arg9 : memref<128xi32, #tpu.memory_space<vmem>>) target_semaphore(%arg13 : memref<!tpu.dma_semaphore, #tpu.memory_space<semaphore_mem>>)
          %dma_start3A_91 = tpu.memref_slice %arg4[%add3A_86] : memref<331776xi32, #tpu.memory_space<hbm>> -> memref<128xi32, #tpu.memory_space<hbm>>
          %dma_start3A_92 = tpu.memref_slice %arg4[%add3A_86] : memref<331776xi32, #tpu.memory_space<hbm>> -> memref<128xi32, #tpu.memory_space<hbm>>
          tpu.enqueue_dma source(%dma_start3A_92 : memref<128xi32, #tpu.memory_space<hbm>>) target(%arg11 : memref<128xi32, #tpu.memory_space<vmem>>) target_semaphore(%arg15 : memref<!tpu.dma_semaphore, #tpu.memory_space<semaphore_mem>>)
        } else {
        }
      } else {
      }
      %scan3A_65 = arith.constant 0 : i32
      scf.yield %scan3A_65 : i32
    }
    %scan3A_44 = arith.constant 162 : i32
    %barrier3A_45 = arith.constant 0 : index
    tpu.barrier barrier_id(%barrier3A_45)
    %scan3A_46 = arith.constant 0 : i32
    %scan3A_47 = arith.constant 0 : i32
    %scan3A_48 = arith.constant 5 : i32
    %scan3A_49 = arith.addi %scan3A_47, %scan3A_48 : i32
    %scan3A_50 = arith.constant 1 : i32
    %scan3A_51 = scf.for %scan3A_53 = %scan3A_47 to %scan3A_49 step %scan3A_50 iter_args(%scan3A_54 = %scan3A_46) -> (i32)  : i32 {
      %mul3A_55 = arith.constant 640 : i32
      %mul3A_56 = arith.muli %arg1, %mul3A_55 : i32
      %mul3A_57 = arith.constant 128 : i32
      %mul3A_58 = arith.muli %scan3A_53, %mul3A_57 : i32
      %add3A_59 = arith.addi %mul3A_56, %mul3A_58 : i32
      "tpu.region"() ({
        %run_scoped3A = tpu.sem_alloc : memref<!tpu.dma_semaphore, #tpu.memory_space<semaphore_mem>>
        %dma_start3A_61 = arith.constant 0 : i32
        %dma_start3A_62 = tpu.memref_slice %arg18[%add3A_59, %dma_start3A_61] : memref<10240x128xf32, #tpu.memory_space<vmem_shared>> -> memref<128x128xf32, #tpu.memory_space<vmem_shared>>
        %dma_start3A_63 = arith.constant 0 : i32
        %dma_start3A_64 = tpu.memref_slice %arg18[%add3A_59, %dma_start3A_63] : memref<10240x128xf32, #tpu.memory_space<vmem_shared>> -> memref<128x128xf32, #tpu.memory_space<vmem_shared>>
        tpu.enqueue_dma source(%dma_start3A_64 : memref<128x128xf32, #tpu.memory_space<vmem_shared>>) target(%arg6 : memref<128x128xf32, #tpu.memory_space<vmem>>) target_semaphore(%run_scoped3A : memref<!tpu.dma_semaphore, #tpu.memory_space<semaphore_mem>>)
        %dma_wait3A_65 = arith.constant 0 : i32
        %dma_wait3A_66 = tpu.memref_slice %arg18[%add3A_59, %dma_wait3A_65] : memref<10240x128xf32, #tpu.memory_space<vmem_shared>> -> memref<128x128xf32, #tpu.memory_space<vmem_shared>>
        %dma_wait3A_67 = arith.constant 0 : i32
        %dma_wait3A_68 = tpu.memref_slice %arg18[%add3A_59, %dma_wait3A_67] : memref<10240x128xf32, #tpu.memory_space<vmem_shared>> -> memref<128x128xf32, #tpu.memory_space<vmem_shared>>
        tpu.wait_dma2 semaphore(%run_scoped3A : memref<!tpu.dma_semaphore, #tpu.memory_space<semaphore_mem>>) src(%dma_wait3A_68 : memref<128x128xf32, #tpu.memory_space<vmem_shared>>) dst(%arg6 : memref<128x128xf32, #tpu.memory_space<vmem>>)
        tpu.yield
      }) : () -> ()
      "tpu.region"() ({
        %run_scoped3A = tpu.sem_alloc : memref<!tpu.dma_semaphore, #tpu.memory_space<semaphore_mem>>
        %dma_start3A_61 = arith.constant 0 : i32
        %dma_start3A_62 = tpu.memref_slice %arg5[%arg0, %add3A_59, %dma_start3A_61] : memref<2x10240x128xf32, #tpu.memory_space<hbm>> -> memref<1x128x128xf32, #tpu.memory_space<hbm>>
        %dma_start3A_63 = tpu.memref_squeeze %dma_start3A_62 : memref<1x128x128xf32, #tpu.memory_space<hbm>> -> memref<128x128xf32, #tpu.memory_space<hbm>>
        %dma_start3A_64 = arith.constant 0 : i32
        %dma_start3A_65 = tpu.memref_slice %arg5[%arg0, %add3A_59, %dma_start3A_64] : memref<2x10240x128xf32, #tpu.memory_space<hbm>> -> memref<1x128x128xf32, #tpu.memory_space<hbm>>
        %dma_start3A_66 = tpu.memref_squeeze %dma_start3A_65 : memref<1x128x128xf32, #tpu.memory_space<hbm>> -> memref<128x128xf32, #tpu.memory_space<hbm>>
        tpu.enqueue_dma source(%arg6 : memref<128x128xf32, #tpu.memory_space<vmem>>) target(%dma_start3A_66 : memref<128x128xf32, #tpu.memory_space<hbm>>) target_semaphore(%run_scoped3A : memref<!tpu.dma_semaphore, #tpu.memory_space<semaphore_mem>>)
        %dma_wait3A_67 = arith.constant 0 : i32
        %dma_wait3A_68 = tpu.memref_slice %arg5[%arg0, %add3A_59, %dma_wait3A_67] : memref<2x10240x128xf32, #tpu.memory_space<hbm>> -> memref<1x128x128xf32, #tpu.memory_space<hbm>>
        %dma_wait3A_69 = tpu.memref_squeeze %dma_wait3A_68 : memref<1x128x128xf32, #tpu.memory_space<hbm>> -> memref<128x128xf32, #tpu.memory_space<hbm>>
        %dma_wait3A_70 = arith.constant 0 : i32
        %dma_wait3A_71 = tpu.memref_slice %arg5[%arg0, %add3A_59, %dma_wait3A_70] : memref<2x10240x128xf32, #tpu.memory_space<hbm>> -> memref<1x128x128xf32, #tpu.memory_space<hbm>>
        %dma_wait3A_72 = tpu.memref_squeeze %dma_wait3A_71 : memref<1x128x128xf32, #tpu.memory_space<hbm>> -> memref<128x128xf32, #tpu.memory_space<hbm>>
        tpu.wait_dma2 semaphore(%run_scoped3A : memref<!tpu.dma_semaphore, #tpu.memory_space<semaphore_mem>>) src(%arg6 : memref<128x128xf32, #tpu.memory_space<vmem>>) dst(%dma_wait3A_72 : memref<128x128xf32, #tpu.memory_space<hbm>>)
        tpu.yield
      }) : () -> ()
      %scan3A_60 = arith.constant 0 : i32
      scf.yield %scan3A_60 : i32
    }
    %scan3A_52 = arith.constant 5 : i32
    return
  }
}

#map = affine_map<(d0, d1) -> (0)>
#map1 = affine_map<(d0, d1) -> (0, 0, 0)>
module attributes {stable_mosaic.version = 14 : i64} {
  func.func @_deg_body(%arg0: i32, %arg1: i32, %arg2: memref<323584xi32, #tpu.memory_space<hbm>>, %arg3: memref<323584xi32, #tpu.memory_space<hbm>>, %arg4: memref<10240xi32, #tpu.memory_space<hbm>>, %arg5: memref<2x10240x16xf32, #tpu.memory_space<hbm>>, %arg6: memref<323584xi32, #tpu.memory_space<hbm>>, %arg7: memref<10240xi32, #tpu.memory_space<vmem>>, %arg8: memref<128x16xf32, #tpu.memory_space<vmem>>, %arg9: memref<128x16xf32, #tpu.memory_space<vmem>>, %arg10: memref<128xi32, #tpu.memory_space<vmem>>, %arg11: memref<128xi32, #tpu.memory_space<vmem>>, %arg12: memref<128xi32, #tpu.memory_space<vmem>>, %arg13: memref<128xi32, #tpu.memory_space<vmem>>, %arg14: memref<128xi32, #tpu.memory_space<vmem>>, %arg15: memref<128xi32, #tpu.memory_space<vmem>>, %arg16: memref<!tpu.dma_semaphore, #tpu.memory_space<semaphore_mem>>, %arg17: memref<!tpu.dma_semaphore, #tpu.memory_space<semaphore_mem>>, %arg18: memref<!tpu.dma_semaphore, #tpu.memory_space<semaphore_mem>>, %arg19: memref<!tpu.dma_semaphore, #tpu.memory_space<semaphore_mem>>, %arg20: memref<!tpu.dma_semaphore, #tpu.memory_space<semaphore_mem>>, %arg21: memref<!tpu.dma_semaphore, #tpu.memory_space<semaphore_mem>>, %arg22: memref<10240x16xf32, #tpu.memory_space<vmem_shared>>) attributes {dimension_semantics = [#tpu.dimension_semantics<core_parallel>, #tpu.dimension_semantics<subcore_parallel>], iteration_bounds = array<i64: 2, 16>, scalar_prefetch = 0 : i64, scratch_operands = 16 : i64, tpu.core_type = #tpu.core_type<sc_vector_subcore>, window_params = [{transform_indices = #map}, {transform_indices = #map}, {transform_indices = #map}, {transform_indices = #map1}, {transform_indices = #map}]} {
    %mul3A = arith.constant 16 : i32
    %mul3A_0 = arith.muli %arg0, %mul3A : i32
    %add3A = arith.addi %mul3A_0, %arg1 : i32
    %scan3A = arith.constant 0 : i32
    %scan3A_1 = arith.constant 0 : i32
    %scan3A_2 = arith.constant 128 : i32
    %scan3A_3 = arith.addi %scan3A_1, %scan3A_2 : i32
    %scan3A_4 = arith.constant 1 : i32
    %scan3A_5 = scf.for %scan3A_33 = %scan3A_1 to %scan3A_3 step %scan3A_4 iter_args(%scan3A_34 = %scan3A) -> (i32)  : i32 {
      %broadcast_in_dim3A = arith.constant 1.000000e+00 : f32
      %broadcast_in_dim3A_35 = vector.broadcast %broadcast_in_dim3A : f32 to vector<16xf32>
      %swap3A = arith.index_cast %scan3A_33 : i32 to index
      %swap3A_36 = arith.constant 0 : index
      %swap3A_37 = tpu.vector_load %arg8[%swap3A, %swap3A_36] {strides = array<i32>} : memref<128x16xf32, #tpu.memory_space<vmem>>, vector<16xf32>,
      tpu.vector_store %arg8[%swap3A, %swap3A_36], %broadcast_in_dim3A_35 {strides = array<i32>} : memref<128x16xf32, #tpu.memory_space<vmem>>, vector<16xf32>,
      %broadcast_in_dim3A_38 = arith.constant 0.000000e+00 : f32
      %broadcast_in_dim3A_39 = vector.broadcast %broadcast_in_dim3A_38 : f32 to vector<16xf32>
      %swap3A_40 = arith.index_cast %scan3A_33 : i32 to index
      %swap3A_41 = arith.constant 0 : index
      %swap3A_42 = tpu.vector_load %arg9[%swap3A_40, %swap3A_41] {strides = array<i32>} : memref<128x16xf32, #tpu.memory_space<vmem>>, vector<16xf32>,
      tpu.vector_store %arg9[%swap3A_40, %swap3A_41], %broadcast_in_dim3A_39 {strides = array<i32>} : memref<128x16xf32, #tpu.memory_space<vmem>>, vector<16xf32>,
      %scan3A_43 = arith.constant 0 : i32
      scf.yield %scan3A_43 : i32
    }
    %scan3A_6 = arith.constant 128 : i32
    %scan3A_7 = arith.constant 0 : i32
    %scan3A_8 = arith.constant 0 : i32
    %scan3A_9 = arith.constant 5 : i32
    %scan3A_10 = arith.addi %scan3A_8, %scan3A_9 : i32
    %scan3A_11 = arith.constant 1 : i32
    %scan3A_12 = scf.for %scan3A_33 = %scan3A_8 to %scan3A_10 step %scan3A_11 iter_args(%scan3A_34 = %scan3A_7) -> (i32)  : i32 {
      %mul3A_35 = arith.constant 640 : i32
      %mul3A_36 = arith.muli %arg1, %mul3A_35 : i32
      %mul3A_37 = arith.constant 128 : i32
      %mul3A_38 = arith.muli %scan3A_33, %mul3A_37 : i32
      %add3A_39 = arith.addi %mul3A_36, %mul3A_38 : i32
      "tpu.region"() ({
        %run_scoped3A = tpu.sem_alloc : memref<!tpu.dma_semaphore, #tpu.memory_space<semaphore_mem>>
        %dma_start3A = arith.constant 0 : i32
        %dma_start3A_41 = tpu.memref_slice %arg22[%add3A_39, %dma_start3A] : memref<10240x16xf32, #tpu.memory_space<vmem_shared>> -> memref<128x16xf32, #tpu.memory_space<vmem_shared>>
        %dma_start3A_42 = arith.constant 0 : i32
        %dma_start3A_43 = tpu.memref_slice %arg22[%add3A_39, %dma_start3A_42] : memref<10240x16xf32, #tpu.memory_space<vmem_shared>> -> memref<128x16xf32, #tpu.memory_space<vmem_shared>>
        tpu.enqueue_dma source(%arg9 : memref<128x16xf32, #tpu.memory_space<vmem>>) target(%dma_start3A_43 : memref<128x16xf32, #tpu.memory_space<vmem_shared>>) target_semaphore(%run_scoped3A : memref<!tpu.dma_semaphore, #tpu.memory_space<semaphore_mem>>)
        %dma_wait3A = arith.constant 0 : i32
        %dma_wait3A_44 = tpu.memref_slice %arg22[%add3A_39, %dma_wait3A] : memref<10240x16xf32, #tpu.memory_space<vmem_shared>> -> memref<128x16xf32, #tpu.memory_space<vmem_shared>>
        %dma_wait3A_45 = arith.constant 0 : i32
        %dma_wait3A_46 = tpu.memref_slice %arg22[%add3A_39, %dma_wait3A_45] : memref<10240x16xf32, #tpu.memory_space<vmem_shared>> -> memref<128x16xf32, #tpu.memory_space<vmem_shared>>
        tpu.wait_dma2 semaphore(%run_scoped3A : memref<!tpu.dma_semaphore, #tpu.memory_space<semaphore_mem>>) src(%arg9 : memref<128x16xf32, #tpu.memory_space<vmem>>) dst(%dma_wait3A_46 : memref<128x16xf32, #tpu.memory_space<vmem_shared>>)
        tpu.yield
      }) : () -> ()
      %scan3A_40 = arith.constant 0 : i32
      scf.yield %scan3A_40 : i32
    }
    %scan3A_13 = arith.constant 5 : i32
    "tpu.region"() ({
      %run_scoped3A = tpu.sem_alloc : memref<!tpu.dma_semaphore, #tpu.memory_space<semaphore_mem>>
      tpu.enqueue_dma source(%arg4 : memref<10240xi32, #tpu.memory_space<hbm>>) target(%arg7 : memref<10240xi32, #tpu.memory_space<vmem>>) target_semaphore(%run_scoped3A : memref<!tpu.dma_semaphore, #tpu.memory_space<semaphore_mem>>)
      tpu.wait_dma2 semaphore(%run_scoped3A : memref<!tpu.dma_semaphore, #tpu.memory_space<semaphore_mem>>) src(%arg4 : memref<10240xi32, #tpu.memory_space<hbm>>) dst(%arg7 : memref<10240xi32, #tpu.memory_space<vmem>>)
      tpu.yield
    }) : () -> ()
    %barrier3A = arith.constant 0 : index
    tpu.barrier barrier_id(%barrier3A)
    %mul3A_14 = arith.constant 79 : i32
    %mul3A_15 = arith.muli %add3A, %mul3A_14 : i32
    %mul3A_16 = arith.constant 128 : i32
    %mul3A_17 = arith.muli %mul3A_15, %mul3A_16 : i32
    %scan3A_18 = arith.constant 0 : i32
    %scan3A_19 = arith.constant 0 : i32
    %scan3A_20 = arith.constant 79 : i32
    %scan3A_21 = arith.addi %scan3A_19, %scan3A_20 : i32
    %scan3A_22 = arith.constant 1 : i32
    %scan3A_23 = scf.for %scan3A_33 = %scan3A_19 to %scan3A_21 step %scan3A_22 iter_args(%scan3A_34 = %scan3A_18) -> (i32)  : i32 {
      %mul3A_35 = arith.constant 128 : i32
      %mul3A_36 = arith.muli %scan3A_33, %mul3A_35 : i32
      %add3A_37 = arith.addi %mul3A_17, %mul3A_36 : i32
      "tpu.region"() ({
        %run_scoped3A = tpu.sem_alloc : memref<!tpu.dma_semaphore, #tpu.memory_space<semaphore_mem>>
        %dma_start3A = tpu.memref_slice %arg2[%add3A_37] : memref<323584xi32, #tpu.memory_space<hbm>> -> memref<128xi32, #tpu.memory_space<hbm>>
        %dma_start3A_46 = tpu.memref_slice %arg2[%add3A_37] : memref<323584xi32, #tpu.memory_space<hbm>> -> memref<128xi32, #tpu.memory_space<hbm>>
        tpu.enqueue_dma source(%dma_start3A_46 : memref<128xi32, #tpu.memory_space<hbm>>) target(%arg10 : memref<128xi32, #tpu.memory_space<vmem>>) target_semaphore(%run_scoped3A : memref<!tpu.dma_semaphore, #tpu.memory_space<semaphore_mem>>)
        %dma_wait3A = tpu.memref_slice %arg2[%add3A_37] : memref<323584xi32, #tpu.memory_space<hbm>> -> memref<128xi32, #tpu.memory_space<hbm>>
        %dma_wait3A_47 = tpu.memref_slice %arg2[%add3A_37] : memref<323584xi32, #tpu.memory_space<hbm>> -> memref<128xi32, #tpu.memory_space<hbm>>
        tpu.wait_dma2 semaphore(%run_scoped3A : memref<!tpu.dma_semaphore, #tpu.memory_space<semaphore_mem>>) src(%dma_wait3A_47 : memref<128xi32, #tpu.memory_space<hbm>>) dst(%arg10 : memref<128xi32, #tpu.memory_space<vmem>>)
        tpu.yield
      }) : () -> ()
      "tpu.region"() ({
        %run_scoped3A = tpu.sem_alloc : memref<!tpu.dma_semaphore, #tpu.memory_space<semaphore_mem>>
        %dma_start3A = tpu.memref_slice %arg3[%add3A_37] : memref<323584xi32, #tpu.memory_space<hbm>> -> memref<128xi32, #tpu.memory_space<hbm>>
        %dma_start3A_46 = tpu.memref_slice %arg3[%add3A_37] : memref<323584xi32, #tpu.memory_space<hbm>> -> memref<128xi32, #tpu.memory_space<hbm>>
        tpu.enqueue_dma source(%dma_start3A_46 : memref<128xi32, #tpu.memory_space<hbm>>) target(%arg12 : memref<128xi32, #tpu.memory_space<vmem>>) target_semaphore(%run_scoped3A : memref<!tpu.dma_semaphore, #tpu.memory_space<semaphore_mem>>)
        %dma_wait3A = tpu.memref_slice %arg3[%add3A_37] : memref<323584xi32, #tpu.memory_space<hbm>> -> memref<128xi32, #tpu.memory_space<hbm>>
        %dma_wait3A_47 = tpu.memref_slice %arg3[%add3A_37] : memref<323584xi32, #tpu.memory_space<hbm>> -> memref<128xi32, #tpu.memory_space<hbm>>
        tpu.wait_dma2 semaphore(%run_scoped3A : memref<!tpu.dma_semaphore, #tpu.memory_space<semaphore_mem>>) src(%dma_wait3A_47 : memref<128xi32, #tpu.memory_space<hbm>>) dst(%arg12 : memref<128xi32, #tpu.memory_space<vmem>>)
        tpu.yield
      }) : () -> ()
      "tpu.region"() ({
        %run_scoped3A = tpu.sem_alloc : memref<!tpu.dma_semaphore, #tpu.memory_space<semaphore_mem>>
        %dma_start3A = arith.constant 0 : i32
        %dma_start3A_46 = arith.constant 0 : i32
        %dma_start3A_47 = tpu.memref_slice %arg22[%dma_start3A, %dma_start3A_46] : memref<10240x16xf32, #tpu.memory_space<vmem_shared>> -> memref<10240x16xf32, #tpu.memory_space<vmem_shared>>
        tpu.enqueue_indirect_dma source(%arg8 : memref<128x16xf32, #tpu.memory_space<vmem>>) target(%dma_start3A_47 : memref<10240x16xf32, #tpu.memory_space<vmem_shared>>) offsets(%arg12 : memref<128xi32, #tpu.memory_space<vmem>>) semaphore(%run_scoped3A : memref<!tpu.dma_semaphore, #tpu.memory_space<semaphore_mem>>) {add = true}
        %dma_wait3A = arith.constant 0 : i32
        %dma_wait3A_48 = arith.constant 0 : i32
        %dma_wait3A_49 = tpu.memref_slice %arg22[%dma_wait3A, %dma_wait3A_48] : memref<10240x16xf32, #tpu.memory_space<vmem_shared>> -> memref<10240x16xf32, #tpu.memory_space<vmem_shared>>
        tpu.wait_indirect_dma semaphore(%run_scoped3A : memref<!tpu.dma_semaphore, #tpu.memory_space<semaphore_mem>>) src(%arg8 : memref<128x16xf32, #tpu.memory_space<vmem>>) dst(%dma_wait3A_49 : memref<10240x16xf32, #tpu.memory_space<vmem_shared>>)
        tpu.yield
      }) : () -> ()
      %scan3A_38 = arith.constant 0 : i32
      %scan3A_39 = arith.constant 0 : i32
      %scan3A_40 = arith.constant 8 : i32
      %scan3A_41 = arith.addi %scan3A_39, %scan3A_40 : i32
      %scan3A_42 = arith.constant 1 : i32
      %scan3A_43 = scf.for %scan3A_46 = %scan3A_39 to %scan3A_41 step %scan3A_42 iter_args(%scan3A_47 = %scan3A_38) -> (i32)  : i32 {
        %mul3A_48 = arith.constant 16 : i32
        %mul3A_49 = arith.muli %scan3A_46, %mul3A_48 : i32
        %get3A = arith.index_cast %mul3A_49 : i32 to index
        %get3A_50 = tpu.vector_load %arg10[%get3A] {strides = array<i32>} : memref<128xi32, #tpu.memory_space<vmem>>, vector<16xi32>,
        %gather3A = tpu.vector_load_idx %arg7[%get3A_50] : memref<10240xi32, #tpu.memory_space<vmem>>[vector<16xi32>], vector<16xi32>,
        %mul3A_51 = arith.constant 16 : i32
        %mul3A_52 = arith.muli %scan3A_46, %mul3A_51 : i32
        %swap3A = arith.index_cast %mul3A_52 : i32 to index
        %swap3A_53 = tpu.vector_load %arg14[%swap3A] {strides = array<i32>} : memref<128xi32, #tpu.memory_space<vmem>>, vector<16xi32>,
        tpu.vector_store %arg14[%swap3A], %gather3A {strides = array<i32>} : memref<128xi32, #tpu.memory_space<vmem>>, vector<16xi32>,
        %scan3A_54 = arith.constant 0 : i32
        scf.yield %scan3A_54 : i32
      }
      %scan3A_44 = arith.constant 8 : i32
      "tpu.region"() ({
        %run_scoped3A = tpu.sem_alloc : memref<!tpu.dma_semaphore, #tpu.memory_space<semaphore_mem>>
        %dma_start3A = tpu.memref_slice %arg6[%add3A_37] : memref<323584xi32, #tpu.memory_space<hbm>> -> memref<128xi32, #tpu.memory_space<hbm>>
        %dma_start3A_46 = tpu.memref_slice %arg6[%add3A_37] : memref<323584xi32, #tpu.memory_space<hbm>> -> memref<128xi32, #tpu.memory_space<hbm>>
        tpu.enqueue_dma source(%arg14 : memref<128xi32, #tpu.memory_space<vmem>>) target(%dma_start3A_46 : memref<128xi32, #tpu.memory_space<hbm>>) target_semaphore(%run_scoped3A : memref<!tpu.dma_semaphore, #tpu.memory_space<semaphore_mem>>)
        %dma_wait3A = tpu.memref_slice %arg6[%add3A_37] : memref<323584xi32, #tpu.memory_space<hbm>> -> memref<128xi32, #tpu.memory_space<hbm>>
        %dma_wait3A_47 = tpu.memref_slice %arg6[%add3A_37] : memref<323584xi32, #tpu.memory_space<hbm>> -> memref<128xi32, #tpu.memory_space<hbm>>
        tpu.wait_dma2 semaphore(%run_scoped3A : memref<!tpu.dma_semaphore, #tpu.memory_space<semaphore_mem>>) src(%arg14 : memref<128xi32, #tpu.memory_space<vmem>>) dst(%dma_wait3A_47 : memref<128xi32, #tpu.memory_space<hbm>>)
        tpu.yield
      }) : () -> ()
      %scan3A_45 = arith.constant 0 : i32
      scf.yield %scan3A_45 : i32
    }
    %scan3A_24 = arith.constant 79 : i32
    %barrier3A_25 = arith.constant 0 : index
    tpu.barrier barrier_id(%barrier3A_25)
    %scan3A_26 = arith.constant 0 : i32
    %scan3A_27 = arith.constant 0 : i32
    %scan3A_28 = arith.constant 5 : i32
    %scan3A_29 = arith.addi %scan3A_27, %scan3A_28 : i32
    %scan3A_30 = arith.constant 1 : i32
    %scan3A_31 = scf.for %scan3A_33 = %scan3A_27 to %scan3A_29 step %scan3A_30 iter_args(%scan3A_34 = %scan3A_26) -> (i32)  : i32 {
      %mul3A_35 = arith.constant 640 : i32
      %mul3A_36 = arith.muli %arg1, %mul3A_35 : i32
      %mul3A_37 = arith.constant 128 : i32
      %mul3A_38 = arith.muli %scan3A_33, %mul3A_37 : i32
      %add3A_39 = arith.addi %mul3A_36, %mul3A_38 : i32
      "tpu.region"() ({
        %run_scoped3A = tpu.sem_alloc : memref<!tpu.dma_semaphore, #tpu.memory_space<semaphore_mem>>
        %dma_start3A = arith.constant 0 : i32
        %dma_start3A_41 = tpu.memref_slice %arg22[%add3A_39, %dma_start3A] : memref<10240x16xf32, #tpu.memory_space<vmem_shared>> -> memref<128x16xf32, #tpu.memory_space<vmem_shared>>
        %dma_start3A_42 = arith.constant 0 : i32
        %dma_start3A_43 = tpu.memref_slice %arg22[%add3A_39, %dma_start3A_42] : memref<10240x16xf32, #tpu.memory_space<vmem_shared>> -> memref<128x16xf32, #tpu.memory_space<vmem_shared>>
        tpu.enqueue_dma source(%dma_start3A_43 : memref<128x16xf32, #tpu.memory_space<vmem_shared>>) target(%arg9 : memref<128x16xf32, #tpu.memory_space<vmem>>) target_semaphore(%run_scoped3A : memref<!tpu.dma_semaphore, #tpu.memory_space<semaphore_mem>>)
        %dma_wait3A = arith.constant 0 : i32
        %dma_wait3A_44 = tpu.memref_slice %arg22[%add3A_39, %dma_wait3A] : memref<10240x16xf32, #tpu.memory_space<vmem_shared>> -> memref<128x16xf32, #tpu.memory_space<vmem_shared>>
        %dma_wait3A_45 = arith.constant 0 : i32
        %dma_wait3A_46 = tpu.memref_slice %arg22[%add3A_39, %dma_wait3A_45] : memref<10240x16xf32, #tpu.memory_space<vmem_shared>> -> memref<128x16xf32, #tpu.memory_space<vmem_shared>>
        tpu.wait_dma2 semaphore(%run_scoped3A : memref<!tpu.dma_semaphore, #tpu.memory_space<semaphore_mem>>) src(%dma_wait3A_46 : memref<128x16xf32, #tpu.memory_space<vmem_shared>>) dst(%arg9 : memref<128x16xf32, #tpu.memory_space<vmem>>)
        tpu.yield
      }) : () -> ()
      "tpu.region"() ({
        %run_scoped3A = tpu.sem_alloc : memref<!tpu.dma_semaphore, #tpu.memory_space<semaphore_mem>>
        %dma_start3A = arith.constant 0 : i32
        %dma_start3A_41 = tpu.memref_slice %arg5[%arg0, %add3A_39, %dma_start3A] : memref<2x10240x16xf32, #tpu.memory_space<hbm>> -> memref<1x128x16xf32, #tpu.memory_space<hbm>>
        %dma_start3A_42 = tpu.memref_squeeze %dma_start3A_41 : memref<1x128x16xf32, #tpu.memory_space<hbm>> -> memref<128x16xf32, #tpu.memory_space<hbm>>
        %dma_start3A_43 = arith.constant 0 : i32
        %dma_start3A_44 = tpu.memref_slice %arg5[%arg0, %add3A_39, %dma_start3A_43] : memref<2x10240x16xf32, #tpu.memory_space<hbm>> -> memref<1x128x16xf32, #tpu.memory_space<hbm>>
        %dma_start3A_45 = tpu.memref_squeeze %dma_start3A_44 : memref<1x128x16xf32, #tpu.memory_space<hbm>> -> memref<128x16xf32, #tpu.memory_space<hbm>>
        tpu.enqueue_dma source(%arg9 : memref<128x16xf32, #tpu.memory_space<vmem>>) target(%dma_start3A_45 : memref<128x16xf32, #tpu.memory_space<hbm>>) target_semaphore(%run_scoped3A : memref<!tpu.dma_semaphore, #tpu.memory_space<semaphore_mem>>)
        %dma_wait3A = arith.constant 0 : i32
        %dma_wait3A_46 = tpu.memref_slice %arg5[%arg0, %add3A_39, %dma_wait3A] : memref<2x10240x16xf32, #tpu.memory_space<hbm>> -> memref<1x128x16xf32, #tpu.memory_space<hbm>>
        %dma_wait3A_47 = tpu.memref_squeeze %dma_wait3A_46 : memref<1x128x16xf32, #tpu.memory_space<hbm>> -> memref<128x16xf32, #tpu.memory_space<hbm>>
        %dma_wait3A_48 = arith.constant 0 : i32
        %dma_wait3A_49 = tpu.memref_slice %arg5[%arg0, %add3A_39, %dma_wait3A_48] : memref<2x10240x16xf32, #tpu.memory_space<hbm>> -> memref<1x128x16xf32, #tpu.memory_space<hbm>>
        %dma_wait3A_50 = tpu.memref_squeeze %dma_wait3A_49 : memref<1x128x16xf32, #tpu.memory_space<hbm>> -> memref<128x16xf32, #tpu.memory_space<hbm>>
        tpu.wait_dma2 semaphore(%run_scoped3A : memref<!tpu.dma_semaphore, #tpu.memory_space<semaphore_mem>>) src(%arg9 : memref<128x16xf32, #tpu.memory_space<vmem>>) dst(%dma_wait3A_50 : memref<128x16xf32, #tpu.memory_space<hbm>>)
        tpu.yield
      }) : () -> ()
      %scan3A_40 = arith.constant 0 : i32
      scf.yield %scan3A_40 : i32
    }
    %scan3A_32 = arith.constant 5 : i32
    return
  }
}

module attributes {stable_mosaic.version = 14 : i64} {
  func.func @_tc1_body(%arg0: i32, %arg1: memref<512x128xf32, #tpu.memory_space<vmem>>, %arg2: memref<128x128xf32, #tpu.memory_space<vmem>>, %arg3: memref<512x1xf32, #tpu.memory_space<vmem>>, %arg4: memref<512x1xf32, #tpu.memory_space<vmem>>, %arg5: memref<2x512x128xf32, #tpu.memory_space<vmem>>) attributes {dimension_semantics = [#tpu.dimension_semantics<arbitrary>], iteration_bounds = array<i64: 20>, scalar_prefetch = 0 : i64, scratch_operands = 0 : i64, tpu.core_type = #tpu.core_type<tc>, window_params = [{transform_indices = @transform_0, window_bounds = array<i64: 512, 128>}, {pipeline_mode = #tpu.pipeline_mode<synchronous>, transform_indices = @transform_1, window_bounds = array<i64: 128, 128>}, {transform_indices = @transform_2, window_bounds = array<i64: 512, 1>}, {transform_indices = @transform_3, window_bounds = array<i64: 512, 1>}, {transform_indices = @transform_4, window_bounds = array<i64: 2, 512, 128>}]} {
    %get3A = arith.constant 0 : index
    %get3A_0 = arith.constant 0 : index
    %get3A_1 = vector.load %arg1[%get3A, %get3A_0] : memref<512x128xf32, #tpu.memory_space<vmem>>, vector<512x128xf32>
    %get3A_2 = arith.constant 0 : index
    %get3A_3 = arith.constant 0 : index
    %get3A_4 = vector.load %arg2[%get3A_2, %get3A_3] : memref<128x128xf32, #tpu.memory_space<vmem>>, vector<128x128xf32>
    %dot_general3A = arith.constant dense<0.000000e+00> : vector<512x128xf32>
    %dot_general3A_5 = tpu.matmul %get3A_1, %get3A_4, %dot_general3A {dimension_numbers = #tpu.dot_dimension_numbers<[1], [0], [0], [1], [0, 0, 1, 1], [], []>, transpose_lhs_hint = false} : vector<512x128xf32>, vector<128x128xf32>, vector<512x128xf32> -> vector<512x128xf32>
    %get3A_6 = arith.constant 0 : index
    %get3A_7 = arith.constant 0 : index
    %get3A_8 = vector.load %arg3[%get3A_6, %get3A_7] : memref<512x1xf32, #tpu.memory_space<vmem>>, vector<512x1xf32>
    %mul3A = vector.broadcast %get3A_8 : vector<512x1xf32> to vector<512x128xf32>
    %mul3A_9 = arith.mulf %dot_general3A_5, %mul3A : vector<512x128xf32>
    %swap3A = arith.constant 0 : index
    %swap3A_10 = arith.constant 0 : index
    %swap3A_11 = arith.constant 0 : index
    %swap3A_12 = vector.load %arg5[%swap3A, %swap3A_10, %swap3A_11] : memref<2x512x128xf32, #tpu.memory_space<vmem>>, vector<1x512x128xf32>
    %swap3A_13 = vector.shape_cast %swap3A_12 : vector<1x512x128xf32> to vector<512x128xf32>
    %swap3A_14 = vector.shape_cast %mul3A_9 : vector<512x128xf32> to vector<1x512x128xf32>
    tpu.vector_store %arg5[%swap3A, %swap3A_10, %swap3A_11], %swap3A_14 {strides = array<i32>} : memref<2x512x128xf32, #tpu.memory_space<vmem>>, vector<1x512x128xf32>,
    %get3A_15 = arith.constant 0 : index
    %get3A_16 = arith.constant 0 : index
    %get3A_17 = vector.load %arg4[%get3A_15, %get3A_16] : memref<512x1xf32, #tpu.memory_space<vmem>>, vector<512x1xf32>
    %mul3A_18 = vector.broadcast %get3A_17 : vector<512x1xf32> to vector<512x128xf32>
    %mul3A_19 = arith.mulf %dot_general3A_5, %mul3A_18 : vector<512x128xf32>
    %swap3A_20 = arith.constant 1 : index
    %swap3A_21 = arith.constant 0 : index
    %swap3A_22 = arith.constant 0 : index
    %swap3A_23 = vector.load %arg5[%swap3A_20, %swap3A_21, %swap3A_22] : memref<2x512x128xf32, #tpu.memory_space<vmem>>, vector<1x512x128xf32>
    %swap3A_24 = vector.shape_cast %swap3A_23 : vector<1x512x128xf32> to vector<512x128xf32>
    %swap3A_25 = vector.shape_cast %mul3A_19 : vector<512x128xf32> to vector<1x512x128xf32>
    tpu.vector_store %arg5[%swap3A_20, %swap3A_21, %swap3A_22], %swap3A_25 {strides = array<i32>} : memref<2x512x128xf32, #tpu.memory_space<vmem>>, vector<1x512x128xf32>,
    return
  }
  func.func @transform_0(%arg0: i32) -> (i32, i32) {
    %c0_i32 = arith.constant 0 : i32
    %c0_i32_0 = arith.constant 0 : i32
    return %arg0, %c0_i32 : i32, i32
  }
  func.func @transform_1(%arg0: i32) -> (i32, i32) {
    %c0_i32 = arith.constant 0 : i32
    %c0_i32_0 = arith.constant 0 : i32
    %c0_i32_1 = arith.constant 0 : i32
    return %c0_i32, %c0_i32_0 : i32, i32
  }
  func.func @transform_2(%arg0: i32) -> (i32, i32) {
    %c0_i32 = arith.constant 0 : i32
    %c0_i32_0 = arith.constant 0 : i32
    return %arg0, %c0_i32 : i32, i32
  }
  func.func @transform_3(%arg0: i32) -> (i32, i32) {
    %c0_i32 = arith.constant 0 : i32
    %c0_i32_0 = arith.constant 0 : i32
    return %arg0, %c0_i32 : i32, i32
  }
  func.func @transform_4(%arg0: i32) -> (i32, i32, i32) {
    %c0_i32 = arith.constant 0 : i32
    %c0_i32_0 = arith.constant 0 : i32
    %c0_i32_1 = arith.constant 0 : i32
    return %c0_i32, %arg0, %c0_i32_0 : i32, i32, i32
  }
}

module attributes {stable_mosaic.version = 14 : i64} {
  func.func @_tc2_body(%arg0: i32, %arg1: memref<2x512x128xf32, #tpu.memory_space<vmem>>, %arg2: memref<128x128xf32, #tpu.memory_space<vmem>>, %arg3: memref<512x1xf32, #tpu.memory_space<vmem>>, %arg4: memref<1x128xf32, #tpu.memory_space<vmem>>, %arg5: memref<1x1xf32, #tpu.memory_space<vmem>>, %arg6: memref<2x512x128xf32, #tpu.memory_space<vmem>>) attributes {dimension_semantics = [#tpu.dimension_semantics<arbitrary>], iteration_bounds = array<i64: 20>, scalar_prefetch = 0 : i64, scratch_operands = 0 : i64, tpu.core_type = #tpu.core_type<tc>, window_params = [{transform_indices = @transform_0, window_bounds = array<i64: 2, 512, 128>}, {pipeline_mode = #tpu.pipeline_mode<synchronous>, transform_indices = @transform_1, window_bounds = array<i64: 128, 128>}, {transform_indices = @transform_2, window_bounds = array<i64: 512, 1>}, {pipeline_mode = #tpu.pipeline_mode<synchronous>, transform_indices = @transform_3, window_bounds = array<i64: 1, 128>}, {pipeline_mode = #tpu.pipeline_mode<synchronous>, transform_indices = @transform_4, window_bounds = array<i64: 1, 1>}, {transform_indices = @transform_5, window_bounds = array<i64: 2, 512, 128>}]} {
    %get3A = arith.constant 0 : index
    %get3A_0 = arith.constant 0 : index
    %get3A_1 = vector.load %arg3[%get3A, %get3A_0] : memref<512x1xf32, #tpu.memory_space<vmem>>, vector<512x1xf32>
    %get3A_2 = arith.constant 0 : index
    %get3A_3 = arith.constant 0 : index
    %get3A_4 = vector.load %arg5[%get3A_2, %get3A_3] : memref<1x1xf32, #tpu.memory_space<vmem>>, vector<1x1xf32>
    %get3A_5 = vector.extract %get3A_4[0, 0] : f32 from vector<1x1xf32>
    %get3A_6 = arith.constant 0 : index
    %get3A_7 = arith.constant 0 : index
    %get3A_8 = arith.constant 0 : index
    %get3A_9 = vector.load %arg1[%get3A_6, %get3A_7, %get3A_8] : memref<2x512x128xf32, #tpu.memory_space<vmem>>, vector<1x512x128xf32>
    %get3A_10 = vector.shape_cast %get3A_9 : vector<1x512x128xf32> to vector<512x128xf32>
    %mul3A = vector.broadcast %get3A_1 : vector<512x1xf32> to vector<512x128xf32>
    %mul3A_11 = arith.mulf %get3A_10, %mul3A : vector<512x128xf32>
    %get3A_12 = arith.constant 0 : index
    %get3A_13 = arith.constant 0 : index
    %get3A_14 = vector.load %arg4[%get3A_12, %get3A_13] : memref<1x128xf32, #tpu.memory_space<vmem>>, vector<1x128xf32>
    %add3A = vector.broadcast %get3A_14 : vector<1x128xf32> to vector<512x128xf32>
    %add3A_15 = arith.addf %mul3A_11, %add3A : vector<512x128xf32>
    %gt3A = arith.constant 0.000000e+00 : f32
    %gt3A_16 = vector.broadcast %gt3A : f32 to vector<512x128xf32>
    %gt3A_17 = arith.cmpf ogt, %add3A_15, %gt3A_16 : vector<512x128xf32>
    %mul3A_18 = vector.broadcast %get3A_5 : f32 to vector<512x128xf32>
    %mul3A_19 = arith.mulf %mul3A_18, %add3A_15 : vector<512x128xf32>
    %select_n3A = arith.select %gt3A_17, %add3A_15, %mul3A_19 : vector<512x128xi1>, vector<512x128xf32>
    %get3A_20 = arith.constant 1 : index
    %get3A_21 = arith.constant 0 : index
    %get3A_22 = arith.constant 0 : index
    %get3A_23 = vector.load %arg1[%get3A_20, %get3A_21, %get3A_22] : memref<2x512x128xf32, #tpu.memory_space<vmem>>, vector<1x512x128xf32>
    %get3A_24 = vector.shape_cast %get3A_23 : vector<1x512x128xf32> to vector<512x128xf32>
    %mul3A_25 = vector.broadcast %get3A_1 : vector<512x1xf32> to vector<512x128xf32>
    %mul3A_26 = arith.mulf %get3A_24, %mul3A_25 : vector<512x128xf32>
    %get3A_27 = arith.constant 0 : index
    %get3A_28 = arith.constant 0 : index
    %get3A_29 = vector.load %arg4[%get3A_27, %get3A_28] : memref<1x128xf32, #tpu.memory_space<vmem>>, vector<1x128xf32>
    %add3A_30 = vector.broadcast %get3A_29 : vector<1x128xf32> to vector<512x128xf32>
    %add3A_31 = arith.addf %mul3A_26, %add3A_30 : vector<512x128xf32>
    %gt3A_32 = arith.constant 0.000000e+00 : f32
    %gt3A_33 = vector.broadcast %gt3A_32 : f32 to vector<512x128xf32>
    %gt3A_34 = arith.cmpf ogt, %add3A_31, %gt3A_33 : vector<512x128xf32>
    %mul3A_35 = vector.broadcast %get3A_5 : f32 to vector<512x128xf32>
    %mul3A_36 = arith.mulf %mul3A_35, %add3A_31 : vector<512x128xf32>
    %select_n3A_37 = arith.select %gt3A_34, %add3A_31, %mul3A_36 : vector<512x128xi1>, vector<512x128xf32>
    %get3A_38 = arith.constant 0 : index
    %get3A_39 = arith.constant 0 : index
    %get3A_40 = vector.load %arg2[%get3A_38, %get3A_39] : memref<128x128xf32, #tpu.memory_space<vmem>>, vector<128x128xf32>
    %dot_general3A = arith.constant dense<0.000000e+00> : vector<512x128xf32>
    %dot_general3A_41 = tpu.matmul %select_n3A, %get3A_40, %dot_general3A {dimension_numbers = #tpu.dot_dimension_numbers<[1], [0], [0], [1], [0, 0, 1, 1], [], []>, transpose_lhs_hint = false} : vector<512x128xf32>, vector<128x128xf32>, vector<512x128xf32> -> vector<512x128xf32>
    %mul3A_42 = vector.broadcast %get3A_1 : vector<512x1xf32> to vector<512x128xf32>
    %mul3A_43 = arith.mulf %dot_general3A_41, %mul3A_42 : vector<512x128xf32>
    %swap3A = arith.constant 0 : index
    %swap3A_44 = arith.constant 0 : index
    %swap3A_45 = arith.constant 0 : index
    %swap3A_46 = vector.load %arg6[%swap3A, %swap3A_44, %swap3A_45] : memref<2x512x128xf32, #tpu.memory_space<vmem>>, vector<1x512x128xf32>
    %swap3A_47 = vector.shape_cast %swap3A_46 : vector<1x512x128xf32> to vector<512x128xf32>
    %swap3A_48 = vector.shape_cast %mul3A_43 : vector<512x128xf32> to vector<1x512x128xf32>
    tpu.vector_store %arg6[%swap3A, %swap3A_44, %swap3A_45], %swap3A_48 {strides = array<i32>} : memref<2x512x128xf32, #tpu.memory_space<vmem>>, vector<1x512x128xf32>,
    %get3A_49 = arith.constant 0 : index
    %get3A_50 = arith.constant 0 : index
    %get3A_51 = vector.load %arg2[%get3A_49, %get3A_50] : memref<128x128xf32, #tpu.memory_space<vmem>>, vector<128x128xf32>
    %dot_general3A_52 = arith.constant dense<0.000000e+00> : vector<512x128xf32>
    %dot_general3A_53 = tpu.matmul %select_n3A_37, %get3A_51, %dot_general3A_52 {dimension_numbers = #tpu.dot_dimension_numbers<[1], [0], [0], [1], [0, 0, 1, 1], [], []>, transpose_lhs_hint = false} : vector<512x128xf32>, vector<128x128xf32>, vector<512x128xf32> -> vector<512x128xf32>
    %mul3A_54 = vector.broadcast %get3A_1 : vector<512x1xf32> to vector<512x128xf32>
    %mul3A_55 = arith.mulf %dot_general3A_53, %mul3A_54 : vector<512x128xf32>
    %swap3A_56 = arith.constant 1 : index
    %swap3A_57 = arith.constant 0 : index
    %swap3A_58 = arith.constant 0 : index
    %swap3A_59 = vector.load %arg6[%swap3A_56, %swap3A_57, %swap3A_58] : memref<2x512x128xf32, #tpu.memory_space<vmem>>, vector<1x512x128xf32>
    %swap3A_60 = vector.shape_cast %swap3A_59 : vector<1x512x128xf32> to vector<512x128xf32>
    %swap3A_61 = vector.shape_cast %mul3A_55 : vector<512x128xf32> to vector<1x512x128xf32>
    tpu.vector_store %arg6[%swap3A_56, %swap3A_57, %swap3A_58], %swap3A_61 {strides = array<i32>} : memref<2x512x128xf32, #tpu.memory_space<vmem>>, vector<1x512x128xf32>,
    return
  }
  func.func @transform_0(%arg0: i32) -> (i32, i32, i32) {
    %c0_i32 = arith.constant 0 : i32
    %c0_i32_0 = arith.constant 0 : i32
    %c0_i32_1 = arith.constant 0 : i32
    return %c0_i32, %arg0, %c0_i32_0 : i32, i32, i32
  }
  func.func @transform_1(%arg0: i32) -> (i32, i32) {
    %c0_i32 = arith.constant 0 : i32
    %c0_i32_0 = arith.constant 0 : i32
    %c0_i32_1 = arith.constant 0 : i32
    return %c0_i32, %c0_i32_0 : i32, i32
  }
  func.func @transform_2(%arg0: i32) -> (i32, i32) {
    %c0_i32 = arith.constant 0 : i32
    %c0_i32_0 = arith.constant 0 : i32
    return %arg0, %c0_i32 : i32, i32
  }
  func.func @transform_3(%arg0: i32) -> (i32, i32) {
    %c0_i32 = arith.constant 0 : i32
    %c0_i32_0 = arith.constant 0 : i32
    %c0_i32_1 = arith.constant 0 : i32
    return %c0_i32, %c0_i32_0 : i32, i32
  }
  func.func @transform_4(%arg0: i32) -> (i32, i32) {
    %c0_i32 = arith.constant 0 : i32
    %c0_i32_0 = arith.constant 0 : i32
    %c0_i32_1 = arith.constant 0 : i32
    return %c0_i32, %c0_i32_0 : i32, i32
  }
  func.func @transform_5(%arg0: i32) -> (i32, i32, i32) {
    %c0_i32 = arith.constant 0 : i32
    %c0_i32_0 = arith.constant 0 : i32
    %c0_i32_1 = arith.constant 0 : i32
    return %c0_i32, %arg0, %c0_i32_0 : i32, i32, i32
  }
}

module attributes {stable_mosaic.version = 14 : i64} {
  func.func @_tc3_body(%arg0: i32, %arg1: memref<2x80x128xf32, #tpu.memory_space<vmem>>, %arg2: memref<80x1xf32, #tpu.memory_space<vmem>>, %arg3: memref<1x128xf32, #tpu.memory_space<vmem>>, %arg4: memref<80x128xf32, #tpu.memory_space<vmem>>, %arg5: memref<80x128xf32, #tpu.memory_space<vmem>>, %arg6: memref<1x128xf32, #tpu.memory_space<vmem>>) attributes {dimension_semantics = [#tpu.dimension_semantics<arbitrary>], iteration_bounds = array<i64: 125>, scalar_prefetch = 0 : i64, scratch_operands = 0 : i64, tpu.core_type = #tpu.core_type<tc>, window_params = [{transform_indices = @transform_0, window_bounds = array<i64: 2, 80, 128>}, {transform_indices = @transform_1, window_bounds = array<i64: 80, 1>}, {pipeline_mode = #tpu.pipeline_mode<synchronous>, transform_indices = @transform_2, window_bounds = array<i64: 1, 128>}, {transform_indices = @transform_3, window_bounds = array<i64: 80, 128>}, {transform_indices = @transform_4, window_bounds = array<i64: 80, 128>}, {pipeline_mode = #tpu.pipeline_mode<synchronous>, transform_indices = @transform_5, window_bounds = array<i64: 1, 128>}]} {
    %get3A = arith.constant 0 : index
    %get3A_0 = arith.constant 0 : index
    %get3A_1 = vector.load %arg2[%get3A, %get3A_0] : memref<80x1xf32, #tpu.memory_space<vmem>>, vector<80x1xf32>
    %get3A_2 = arith.constant 0 : index
    %get3A_3 = arith.constant 0 : index
    %get3A_4 = vector.load %arg3[%get3A_2, %get3A_3] : memref<1x128xf32, #tpu.memory_space<vmem>>, vector<1x128xf32>
    %get3A_5 = arith.constant 0 : index
    %get3A_6 = arith.constant 0 : index
    %get3A_7 = arith.constant 0 : index
    %get3A_8 = vector.load %arg1[%get3A_5, %get3A_6, %get3A_7] : memref<2x80x128xf32, #tpu.memory_space<vmem>>, vector<1x80x128xf32>
    %get3A_9 = vector.shape_cast %get3A_8 : vector<1x80x128xf32> to vector<80x128xf32>
    %mul3A = vector.broadcast %get3A_1 : vector<80x1xf32> to vector<80x128xf32>
    %mul3A_10 = arith.mulf %get3A_9, %mul3A : vector<80x128xf32>
    %add3A = vector.broadcast %get3A_4 : vector<1x128xf32> to vector<80x128xf32>
    %add3A_11 = arith.addf %mul3A_10, %add3A : vector<80x128xf32>
    %get3A_12 = arith.constant 1 : index
    %get3A_13 = arith.constant 0 : index
    %get3A_14 = arith.constant 0 : index
    %get3A_15 = vector.load %arg1[%get3A_12, %get3A_13, %get3A_14] : memref<2x80x128xf32, #tpu.memory_space<vmem>>, vector<1x80x128xf32>
    %get3A_16 = vector.shape_cast %get3A_15 : vector<1x80x128xf32> to vector<80x128xf32>
    %mul3A_17 = vector.broadcast %get3A_1 : vector<80x1xf32> to vector<80x128xf32>
    %mul3A_18 = arith.mulf %get3A_16, %mul3A_17 : vector<80x128xf32>
    %add3A_19 = vector.broadcast %get3A_4 : vector<1x128xf32> to vector<80x128xf32>
    %add3A_20 = arith.addf %mul3A_18, %add3A_19 : vector<80x128xf32>
    %swap3A = arith.constant 0 : index
    %swap3A_21 = arith.constant 0 : index
    %swap3A_22 = vector.load %arg4[%swap3A, %swap3A_21] : memref<80x128xf32, #tpu.memory_space<vmem>>, vector<80x128xf32>
    tpu.vector_store %arg4[%swap3A, %swap3A_21], %add3A_11 {strides = array<i32>} : memref<80x128xf32, #tpu.memory_space<vmem>>, vector<80x128xf32>,
    %swap3A_23 = arith.constant 0 : index
    %swap3A_24 = arith.constant 0 : index
    %swap3A_25 = vector.load %arg5[%swap3A_23, %swap3A_24] : memref<80x128xf32, #tpu.memory_space<vmem>>, vector<80x128xf32>
    tpu.vector_store %arg5[%swap3A_23, %swap3A_24], %add3A_20 {strides = array<i32>} : memref<80x128xf32, #tpu.memory_space<vmem>>, vector<80x128xf32>,
    %reduce_sum3A = arith.constant dense<0.000000e+00> : vector<128xf32>
    %reduce_sum3A_26 = vector.multi_reduction <add>, %add3A_11, %reduce_sum3A [0] : vector<80x128xf32> to vector<128xf32>
    %broadcast_in_dim3A = vector.shape_cast %reduce_sum3A_26 : vector<128xf32> to vector<1x128xf32>
    %eq3A = arith.constant 0 : i32
    %eq3A_27 = arith.cmpi eq, %arg0, %eq3A : i32
    %broadcast_in_dim3A_28 = arith.constant 0.000000e+00 : f32
    %broadcast_in_dim3A_29 = vector.broadcast %broadcast_in_dim3A_28 : f32 to vector<1x128xf32>
    %get3A_30 = arith.constant 0 : index
    %get3A_31 = arith.constant 0 : index
    %get3A_32 = vector.load %arg6[%get3A_30, %get3A_31] : memref<1x128xf32, #tpu.memory_space<vmem>>, vector<1x128xf32>
    %select_n3A = arith.select %eq3A_27, %broadcast_in_dim3A_29, %get3A_32 : vector<1x128xf32>
    %add3A_33 = arith.addf %select_n3A, %broadcast_in_dim3A : vector<1x128xf32>
    %eq3A_34 = arith.constant 124 : i32
    %eq3A_35 = arith.cmpi eq, %arg0, %eq3A_34 : i32
    %mul3A_36 = arith.constant 9.99999974E-5 : f32
    %mul3A_37 = vector.broadcast %mul3A_36 : f32 to vector<1x128xf32>
    %mul3A_38 = arith.mulf %add3A_33, %mul3A_37 : vector<1x128xf32>
    %logistic3A = arith.negf %mul3A_38 : vector<1x128xf32>
    %logistic3A_39 = math.exp %logistic3A : vector<1x128xf32>
    %logistic3A_40 = arith.constant 1.000000e+00 : f32
    %logistic3A_41 = vector.broadcast %logistic3A_40 : f32 to vector<1x128xf32>
    %logistic3A_42 = arith.addf %logistic3A_41, %logistic3A_39 : vector<1x128xf32>
    %logistic3A_43 = arith.divf %logistic3A_41, %logistic3A_42 : vector<1x128xf32>
    %select_n3A_44 = arith.select %eq3A_35, %logistic3A_43, %add3A_33 : vector<1x128xf32>
    %swap3A_45 = arith.constant 0 : index
    %swap3A_46 = arith.constant 0 : index
    %swap3A_47 = vector.load %arg6[%swap3A_45, %swap3A_46] : memref<1x128xf32, #tpu.memory_space<vmem>>, vector<1x128xf32>
    tpu.vector_store %arg6[%swap3A_45, %swap3A_46], %select_n3A_44 {strides = array<i32>} : memref<1x128xf32, #tpu.memory_space<vmem>>, vector<1x128xf32>,
    return
  }
  func.func @transform_0(%arg0: i32) -> (i32, i32, i32) {
    %c0_i32 = arith.constant 0 : i32
    %c0_i32_0 = arith.constant 0 : i32
    %c0_i32_1 = arith.constant 0 : i32
    return %c0_i32, %arg0, %c0_i32_0 : i32, i32, i32
  }
  func.func @transform_1(%arg0: i32) -> (i32, i32) {
    %c0_i32 = arith.constant 0 : i32
    %c0_i32_0 = arith.constant 0 : i32
    return %arg0, %c0_i32 : i32, i32
  }
  func.func @transform_2(%arg0: i32) -> (i32, i32) {
    %c0_i32 = arith.constant 0 : i32
    %c0_i32_0 = arith.constant 0 : i32
    %c0_i32_1 = arith.constant 0 : i32
    return %c0_i32, %c0_i32_0 : i32, i32
  }
  func.func @transform_3(%arg0: i32) -> (i32, i32) {
    %c0_i32 = arith.constant 0 : i32
    %c0_i32_0 = arith.constant 0 : i32
    return %arg0, %c0_i32 : i32, i32
  }
  func.func @transform_4(%arg0: i32) -> (i32, i32) {
    %c0_i32 = arith.constant 0 : i32
    %c0_i32_0 = arith.constant 0 : i32
    return %arg0, %c0_i32 : i32, i32
  }
  func.func @transform_5(%arg0: i32) -> (i32, i32) {
    %c0_i32 = arith.constant 0 : i32
    %c0_i32_0 = arith.constant 0 : i32
    %c0_i32_1 = arith.constant 0 : i32
    return %c0_i32, %c0_i32_0 : i32, i32
  }
}

</mosaic_0001>

<sc_bundles>
// kernel: gather_offload_async_start
scs
__scs_entry_jumppad:
0x0: {  	(pc) =	sbr.rel $0x88, $3  }
0x1: {  	(tag) =	ssettag $0x0;
	lr =	simm.s32 $0x1  }
0x2: {  	[smem:$0x3F9A] =	sst lr;
	_ =	strace $0xD0000000  }
0x3: {  	_ = 	snop  }
0x4: {  	_ = 	snop  }
0x5: {  	_ = 	snop  }
0x6: {  	_ = 	snop  }
0x7: {  	_ = 	snop  }
__scs_overlays_trampoline_lowered:
0x8: {  	[smem:$0x3FA9] =	sst s0  }
0x9: {  	[smem:$0x3FAA] =	sst s1  }
0xa: {  	[smem:$0x3FAB] =	sst s2  }
0xb: {  	[smem:$0x3FAC] =	sst s3  }
0xc: {  	[smem:$0x3FAD] =	sst s4  }
0xd: {  	[smem:$0x3FAE] =	sst s5  }
0xe: {  	[smem:$0x3FAF] =	sst s6  }
0xf: {  	[smem:$0x3FB0] =	sst s7  }
0x10: {  	[smem:$0x3FB1] =	sst s8  }
0x11: {  	[smem:$0x3FB2] =	sst s9;
	s0 =	simm.s32 @!p0 $0x0  }
0x12: {  	s1 =	sld [smem:$0x3F98];
	s0 =	simm.s32 @p0 $0x1  }
0x13: {  	[smem:$0x3FB3] =	sst s0;
	s0 =	simm.s32 @!p1 $0x0  }
0x14: {  	s2 =	sld [smem:$0x3F97];
	s0 =	simm.s32 @p1 $0x1  }
0x15: {  	[smem:$0x3FB4] =	sst s0;
	s0 =	simm.s32 @!p2 $0x0  }
0x16: {  	s3 =	sld [smem:$0x3FDB];
	s0 =	simm.s32 @p2 $0x1  }
0x17: {  	s4 =	simm.s32 $0x1BF5;
	[smem:$0x3FB6] =	sst s0  }
0x18: {  	s0 =	sld [smem:$0x3F99];
	_ =	swait.ge [sflag:s4], $0x0  }
0x19: {  	s7 =	sld [smem:$0x3F9A]  }
0x1a: {  	s8 =	sadd.s32 $0xFFFFE003, lr  }
0x1b: {  	s9 =	sadd.s32 $0xFFFFFEF7, lr;
	s5 =	simm.s32 $0xFFFFFFFF;
	p2 =	slt.u32 s8, $0xFFFFF086  }
0x1c: {  	p1 =	slt.u32 s9, $0xF7A;
	s5 =	simm.s32 @!p2 $0x0  }
0x1d: {  	s5 =	simm.s32 @p1 $0x1;
	p0 =	seq.s32 s7, s2  }
0x1e: {  	s7 =	smul.u32 @!p0 $0xF7A, s2;
	p2 =	seq.s32 @!p0 s5, $0x0  }
0x1f: {  	s9 =	smul.u32 $0xF7A, s1;
	s8 =	simm.s32 @!p0 $0x1BF5;
	p2 =	por !p2, p0  }
0x20: {  	[sflag:s8] =	ssyncset.s32 @!p0 $0xFFFFF086;
	s6 =	sadd.s32 @!p0 s3, s7;
	s7 =	simm.s32 @!p0 $0x108  }
0x21: {  	s3 =	sadd.s32 s3, s9;
	s6 =	sadd.s32 @!p0 $0x88, s6;
	s7 =	simm.s32 @p2 $0x1082  }
0x22: {  	[simem:s7], [sflag:s8] =	dma.local @!p0 [hbm:s6], $0xF7A  }
0x23: {  	s9 =	sor.u32 $0xD0000000, s2;
	s6 =	simm.s32 $0x108;
	_ =	swait.ge @!p0 [sflag:s8], $0x0  }
0x24: {  	s3 =	sadd.s32 $0x88, s3;
	s6 =	simm.s32 @!p1 $0x1082;
	[sflag:s4] =	ssyncset.s32 $0xFFFFF086  }
0x25: {  	[simem:s6], [sflag:s4] =	dma.local [hbm:s3], $0xF7A  }
0x26: {  	[smem:$0x3F9A] =	sst s1;
	(tag) =	ssettag s2;
	_ =	strace s9  }
0x27: {  	s1 =	sld [smem:$0x3FAA]  }
0x28: {  	s2 =	sld [smem:$0x3FAB]  }
0x29: {  	s4 =	sld [smem:$0x3FAD]  }
0x2a: {  	p0 =	seq.s32 s5, $0x0;
	s5 =	sld [smem:$0x3FAE]  }
0x2b: {  	s6 =	sld [smem:$0x3FAF]  }
0x2c: {  	s7 =	sld [smem:$0x3FB0]  }
0x2d: {  	s3 =	simm.s32 $0x108;
	s8 =	sld [smem:$0x3FB1]  }
0x2e: {  	s3 =	simm.s32 @!p0 $0x1082;
	s9 =	sld [smem:$0x3FB2]  }
0x2f: {  	lr =	sadd.s32 s0, s3;
	s0 =	sld [smem:$0x3FA9]  }
0x30: {  	s3 =	sld [smem:$0x3FAC]  }
0x31: {  	[smem:$0x3FB5] =	sst s10  }
0x32: {  	s10 =	sld [smem:$0x3FB3];
	_ =	sdelay $0x3  }
0x33: {  	p0 =	seq.s32 s10, $0x1;
	s10 =	sld [smem:$0x3FB5];
	_ =	sdelay $0x3  }
0x34: {  	[smem:$0x3FB5] =	sst s10  }
0x35: {  	s10 =	sld [smem:$0x3FB4];
	_ =	sdelay $0x3  }
0x36: {  	p1 =	seq.s32 s10, $0x1;
	s10 =	sld [smem:$0x3FB5];
	_ =	sdelay $0x3  }
0x37: {  	[smem:$0x3FB5] =	sst s10  }
0x38: {  	s10 =	sld [smem:$0x3FB6]  }
0x39: {  	_ = 	snop;
	(pc) =	sbr.ind lr, $3  }
0x3a: {  	_ = 	snop  }
0x3b: {  	_ = 	snop  }
0x3c: {  	p2 =	seq.s32 s10, $0x1;
	s10 =	sld [smem:$0x3FB5]  }
0x3d: {  	_ =	shalt  }
0x3e: {  	_ =	shalt  }
0x3f: {  	_ =	shalt  }
0x40: {  	_ =	shalt  }
0x41: {  	_ =	shalt  }
0x42: {  	_ =	shalt  }
0x43: {  	_ =	shalt  }
0x44: {  	_ =	shalt  }
0x45: {  	_ =	shalt  }
0x46: {  	_ =	shalt  }
0x47: {  	_ =	shalt  }
0x48: {  	_ =	shalt  }
0x49: {  	_ =	shalt  }
0x4a: {  	_ =	shalt  }
0x4b: {  	_ =	shalt  }
0x4c: {  	_ =	shalt  }
0x4d: {  	_ =	shalt  }
0x4e: {  	_ =	shalt  }
0x4f: {  	_ =	shalt  }
0x50: {  	_ =	shalt  }
0x51: {  	_ =	shalt  }
0x52: {  	_ =	shalt  }
0x53: {  	_ =	shalt  }
0x54: {  	_ =	shalt  }
0x55: {  	_ =	shalt  }
0x56: {  	_ =	shalt  }
0x57: {  	_ =	shalt  }
0x58: {  	_ =	shalt  }
0x59: {  	_ =	shalt  }
0x5a: {  	_ =	shalt  }
0x5b: {  	_ =	shalt  }
0x5c: {  	_ =	shalt  }
0x5d: {  	_ =	shalt  }
0x5e: {  	_ =	shalt  }
0x5f: {  	_ =	shalt  }
0x60: {  	_ =	shalt  }
0x61: {  	_ =	shalt  }
0x62: {  	_ =	shalt  }
0x63: {  	_ =	shalt  }
0x64: {  	_ =	shalt  }
0x65: {  	_ =	shalt  }
0x66: {  	_ =	shalt  }
0x67: {  	_ =	shalt  }
0x68: {  	_ =	shalt  }
0x69: {  	_ =	shalt  }
0x6a: {  	_ =	shalt  }
0x6b: {  	_ =	shalt  }
0x6c: {  	_ =	shalt  }
0x6d: {  	_ =	shalt  }
0x6e: {  	_ =	shalt  }
0x6f: {  	_ =	shalt  }
0x70: {  	_ =	shalt  }
0x71: {  	_ =	shalt  }
0x72: {  	_ =	shalt  }
0x73: {  	_ =	shalt  }
0x74: {  	_ =	shalt  }
0x75: {  	_ =	shalt  }
0x76: {  	_ =	shalt  }
0x77: {  	_ =	shalt  }
0x78: {  	_ =	shalt  }
0x79: {  	_ =	shalt  }
0x7a: {  	_ =	shalt  }
0x7b: {  	_ =	shalt  }
0x7c: {  	_ =	shalt  }
0x7d: {  	_ =	shalt  }
0x7e: {  	_ =	shalt  }
0x7f: {  	_ =	shalt  }
0x80: {  	_ =	shalt  }
0x81: {  	_ =	shalt  }
0x82: {  	_ =	shalt  }
0x83: {  	_ =	shalt  }
0x84: {  	_ =	shalt  }
0x85: {  	_ =	shalt  }
0x86: {  	_ =	shalt  }
0x87: {  	_ =	shalt  }
.Lfunc_end0:
.L_simem_size_0:
called_computation_lowered:
.L_overlay_start_0:
0x88: {  	s0 =	sld [smem:$0x3FD9]  }
0x89: {  	s1 =	sld [smem:$0x3FFE];
	_ =	sdelay $0x3  }
0x8a: {  	s0 =	sadd.s32 s1, s0  }
0x8b: {  	[smem:$0x3FC1] =	sst s0  }
0x8c: {  	_ = 	snop  }
0x8d: {  	(tm) =	ssettm $0x1  }
0x8e: {  	s15 =	sld [smem:$0x3FFB];
	_ =	sdelay $0x3  }
0x8f: {  	_ =	strace s15  }
0x90: {  	s0 =	sld [smem:$0x3FFC];
	_ =	sdelay $0x3  }
0x91: {  	_ =	strace s0  }
0x92: {  	s0 =	sld [smem:$0x3FFD];
	_ =	sdelay $0x3  }
0x93: {  	_ =	strace s0  }
0x94: {  	_ =	strace $0x8FFFFFFF  }
0x95: {  	s16 =	sld [smem:$0x3FDB];
	_ =	sdelay $0x1  }
0x96: {  	s17 =	simm.s32 $_scs_section_size  }
0x97: {  	s2 =	simm.s32 $_size__tile_overlayer_lowered;
	s3 =	simm.s32 $_tile_overlayer_lowered  }
0x98: {  	s20 =	simm.s32 $0x1BFF;
	s19 =	sshll.u32 s3, $0x1;
	s0 =	sadd.s32 s17, s16  }
0x99: {  	s4 =	simm.s32 $0x0;
	s18 =	sshll.u32 s2, $0x1;
	s2 =	sadd.s32 s19, s0  }
0x9a: {  	[timem:s4], [sflag:s20] =	dma.local [hbm:s2], s18  }
0x9b: {  	_ =	swait.ge [sflag:s20], s18  }
0x9c: {  	s1 =	ssub.s32 $0x0, s18;
	[sflag:s20] =	ssyncset.done $0x0  }
0x9d: {  	[sflag:s20] =	ssyncadd.s32 s1;
	_ =	sdelay $0x1  }
0x9e: {  	s21 =	simm.s32 $0x1B8B  }
0x9f: {  	_ =	swait.ge [sflag:s21], $0x1  }
0xa0: {  	[sflag:s21] =	ssyncset.done $0x0  }
0xa1: {  	s23 =	simm.s32 $0x1B8E;
	s22 =	sld [smem:$0x3FFE];
	[sflag:s21] =	ssyncadd.s32 $0xFFFFFFFF  }
0xa2: {  	s24 =	simm.s32 $execute0_lowered;
	[smem:$0x3FD2] =	sst s23  }
0xa3: {  	s2 =	sshll.u32 s24, $0x1;
	_ =	strace $0x80000049;
	[dreg:$0x1] =	wrdreg $0xFFFFFFFF  }
0xa4: {  	s25 =	simm.s32 $_size_execute0_lowered;
	s0 =	sadd.s32 s0, s2;
	[dreg:$0x0] =	wrdreg $0x0  }
0xa5: {  	s2 =	sshll.u32 s25, $0x1;
	[dreg:$0x2] =	wrdreg s0  }
0xa6: {  	[dreg:$0x3] =	wrdreg s2  }
0xa7: {  	[dreg:$0x4] =	wrdreg $0xC0  }
0xa8: {  	_ =	task [dreg:s4], $0x5FFFF  }
0xa9: {  	[dreg:$0x1] =	wrdreg $0xFFFFFFFF  }
0xaa: {  	[dreg:$0x0] =	wrdreg $0x60  }
0xab: {  	[dreg:$0x2] =	wrdreg s22  }
0xac: {  	[dreg:$0x3] =	wrdreg $0x9  }
0xad: {  	_ =	task.clear_ibuf [dreg:s4], $0x4FFFF;
	_ =	strace $0x90000049  }
0xae: {  	s26 =	simm.s32 $0x9;
	_ =	strace $0x8000004B  }
0xaf: {  	_ =	swait.ge [sflag:s26], $0x1  }
0xb0: {  	[sflag:s26] =	ssyncadd.s32 $0xFFFFFFFF  }
0xb1: {  	_ =	strace $0x9000004B  }
0xb2: {  	_ =	sfence  }
0xb3: {  	s28 =	sld [smem:$0x0];
	_ =	sdelay $0x1  }
0xb4: {  	s29 =	srdreg.scid  }
0xb5: {  	s30 =	sshll.u32 s29, $0xD;
	s31 =	sshrl.u32 s29, $0x2  }
0xb6: {  	s1 =	sand.u32 $0x1, s29;
	s2 =	sand.u32 $0x4000, s30;
	s0 =	sadd.s32 s31, s28  }
0xb7: {  	s1 =	sor.u32 s2, s1;
	s0 =	sshll.u32 s0, $0x11  }
0xb8: {  	s0 =	sor.u32 s0, s1  }
0xb9: {  	s0 =	sadd.s32 $0x8F2B, s0  }
0xba: {  	[sflag:s0] =	ssyncadd.remote.s32 $0x1  }
0xbb: {  	_ =	sfence.sel $0xFFFF  }
0xbc: {  	[dreg:$0x0] =	wrdreg $0xFFFFFFFF;
	(pc) =	sbr.abs _section_cstart, $3  }
0xbd: {  	[dreg:$0x1] =	wrdreg $0xFFFFFFFF  }
0xbe: {  	_ =	task.clear_ibuf [dreg:s4], $0x2FFFF;
	_ =	strace $0x9FFFFFFF  }
0xbf: {  	(tm) =	ssettm $0x7FFFFFFF  }
tec
execute0_lowered:
.L_overlay_start_1:
0x0: {  	(tag) =	ssettag $0x1  }
0x1: {  	s2 =	rddreg [dreg:$0x0]  }
0x2: {  	s0 =	rddreg [dreg:$0x1]  }
0x3: {  	_ =	strace $0x8000004A;
	s4 =	simm.s32 $0x1;
	s1 =	stileid.u32  }
0x4: {  	s7 =	simm.s32 $0x1;
	s8 =	simm.s32 $0x1;
	s6 =	simm.s32 $0x2  }
0x5: {  	s9 =	simm.s32 $0x3;
	s10 =	simm.s32 $0x0;
	s13 =	simm.s32 $0x0  }
.Ltmp0:
0x6: {  	s12 =	simm.s32 $0x0;
	p0 =	slt.u32 s1, $0xA;
	(pc) =	sbr.rel .LBB2_1-.Ltmp0, $4  }
0x7: {  	[sflag:s4] =	ssyncpa.u1 $0x0;
	s7 =	simm.s32 @!p0 $0x0;
	p0 =	sne.s32 s1, $0x9  }
0x8: {  	s5 =	smul.u32 $0x190, s1;
	[sflag:s6] =	ssyncpa.u1 $0x0;
	s8 =	simm.s32 @!p0 $0x0  }
0x9: {  	s3 =	sadd.s32 $0x64600, s2;
	[sflag:s9] =	ssyncpa.u1 $0x0;
	s7 =	sadd.s32 s8, s7  }
0xa: {  	vm0 =	vmmov $0xffff;
	s11 =	smov.u32 s5;
	s8 =	sadd.s32 $0x600, s2;
	s9 =	sadd.s32 $0x1, s7  }
.LBB2_4:
0xb: {  	v2 =	vnsel vm1, $0x0, v2  }
0xc: {  	vm1 =	vgt.s32 v0, $0x0;
	v2 =	vmin.u32 v2, $0x27FF  }
0xd: {  	v0 =	vnsel vm1, $0x0, v0  }
0xe: {  	v0 =	vmin.u32 v0, $0x27FF  }
0xf: {  	[tilespmem:s18], [sflag:$0x1] =	stream.indirect_vreg.gather [hbm4b:s2+s10], $0x1, v1, vm0, $0x4038;
	[tilespmem:$0x640] =	vst v63  }
0x10: {  	(ifvalue) =	ssetifvalue $0x7FFFFFFF  }
0x11: {  	[tilespmem:s15], [sflag:$0x1] =	stream.indirect_vreg.gather [hbm4b:s2+s10], $0x1, v2, vm0, $0x4038;
	[tilespmem:$0x640] =	vst v63  }
0x12: {  	s29 =	sadd.s32 $0x10, s15;
	(ifvalue) =	ssetifvalue $0x7FFFFFFF  }
0x13: {  	[tilespmem:s29], [sflag:$0x1] =	stream.indirect_vreg.gather [hbm4b:s2+s10], $0x1, v0, vm0, $0x4038;
	[tilespmem:$0x640] =	vst v63  }
0x14: {  	_ =	swait.ge [sflag:s4], $0x190  }
0x15: {  	s30 =	sshrl.u32 s13, $0x3;
	[sflag:s4] =	ssyncset.done $0x0  }
0x16: {  	s31 =	sand.u32 $0x7, s13;
	s15 =	sadd.s32 s8, s30;
	[sflag:s4] =	ssyncadd.s32 $0xFFFFFE70  }
0x17: {  	[hbm4b:s15+s31] =	stream.linear.scatter [tilespmem:s14], [sflag:$0x3], $0x190, $0x38;
	[tilespmem:$0x640] =	vst v63  }
.LBB2_5:
0x18: {  	s15 =	sadd.s32 $0x1900, s11  }
0x19: {  	p1 =	sgt.s32 s15, $0x270F  }
0x1a: {  	s15 =	smov.u32 @p1 s5;
	p1 =	sne.s32 s12, s9  }
.Ltmp1:
0x1b: {  	p0 =	slt.u32 s12, $0x2;
	(pc) =	sbr.rel @!p1 .LBB2_6-.Ltmp1, $4  }
0x1c: {  	s14 =	simm.s32 @!p0 $0x3  }
0x1d: {  	_ =	swait.ge @!p0 [sflag:s14], $0x190  }
0x1e: {  	s16 =	sadd.s32 $0x1, s12;
	s13 =	smov.u32 s11;
	[sflag:s14] =	ssyncset.done @!p0 $0x0  }
0x1f: {  	s12 =	smov.u32 s16;
	s11 =	smov.u32 s15;
	[sflag:s14] =	ssyncadd.s32 @!p0 $0xFFFFFE70  }
.LBB2_1:
0x20: {  	p0 =	sge.u32 s12, s7  }
0x21: {  	s14 =	sxor.u32 @!p0 $0x1, s12  }
0x22: {  	s14 =	smul.u32 @!p0 $0x640, s14  }
0x23: {  	s31 =	sadd.s32 $0xFFFFFFFF, s12;
	s15 =	sshrl.u32 @!p0 s11, $0x3  }
0x24: {  	s16 =	sand.u32 @!p0 $0x7, s11;
	s15 =	sadd.s32 @!p0 s3, s15;
	s14 =	sshra.s32 @!p0 s14, $0x2  }
0x25: {  	[tilespmem:s14], [sflag:$0x2] =	stream.linear.gather @!p0 [hbm4b:s15+s16], $0x190, $0x38;
	[tilespmem:$0x640] =	vst v63  }
0x26: {  	p0 =	sge.u32 s31, s7  }
.Ltmp2:
0x27: {  	_ = 	snop;
	(pc) =	sbr.rel @p0 .LBB2_5-.Ltmp2, $1  }
0x28: {  	_ =	sdelay $0x3  }
0x29: {  	s14 =	sand.u32 $0x1, s12  }
0x2a: {  	_ =	swait.ge [sflag:s6], $0x190;
	p0 =	seq.s32 s14, $0x1;
	s14 =	simm.s32 $0x190  }
0x2b: {  	[sflag:s6] =	ssyncset.done $0x0;
	s14 =	simm.s32 @!p0 $0x0  }
0x2c: {  	[sflag:s6] =	ssyncadd.s32 $0xFFFFFE70;
	(ifvalue) =	ssetifvalue $0x7FFFFFFF;
	v0 =	vld.msk [tilespmem:s14+$0x0 ss:$0x1], $0xffff;
	_ =	sdelay $0x4  }
0x2d: {  	s15 =	sadd.s32 $0x10, s14;
	vm1 =	vgt.s32 v0, $0x0  }
0x2e: {  	v2 =	vld.msk [tilespmem:s15+$0x0 ss:$0x1], $0xffff;
	v1 =	vnsel vm1, $0x0, v0  }
0x2f: {  	v1 =	vmin.u32 v1, $0x27FF;
	_ =	sdelay $0x2  }
0x30: {  	s17 =	simm.s32 $0x20;
	s14 =	sadd.s32 $0x320, s14;
	s16 =	sadd.s32 $0x10, s15  }
0x31: {  	s15 =	sadd.s32 $0x10, s14;
	s18 =	smov.u32 s14;
	v0 =	vld.msk [tilespmem:s16+$0x0 ss:$0x1], $0xffff;
	vm1 =	vgt.s32 v2, $0x0;
	(ifvalue) =	ssetifvalue $0x7FFFFFFF  }
.LBB2_3:
0x32: {  	[tilespmem:s18], [sflag:$0x1] =	stream.indirect_vreg.gather [hbm4b:s2+s10], $0x1, v1, vm0, $0x4038;
	[tilespmem:$0x640] =	vst v63  }
0x33: {  	s17 =	sadd.s32 $0x10, s17  }
0x34: {  	v2 =	vnsel vm1, $0x0, v2;
	p0 =	slt.u32 s17, $0x180  }
.Ltmp3:
0x35: {  	s18 =	smov.u32 s15;
	v1 =	vmin.u32 v2, $0x27FF;
	(pc) =	sbr.rel @p0 .LBB2_3-.Ltmp3, $3  }
0x36: {  	_ =	sdelay $0x1  }
0x37: {  	s16 =	sadd.s32 $0x10, s16  }
0x38: {  	vm1 =	vgt.s32 v0, $0x0;
	s15 =	sadd.s32 $0x10, s15;
	v2 =	vmov v0;
	(ifvalue) =	ssetifvalue $0x7FFFFFFF;
	v0 =	vld.msk [tilespmem:s16+$0x0 ss:$0x1], $0xffff  }
.Ltmp4:
0x39: {  	_ = 	snop;
	(pc) =	sbr.rel .LBB2_4-.Ltmp4, $1  }
0x3a: {  	_ =	sdelay $0x3  }
.LBB2_6:
0x3b: {  	_ =	sfence.sel $0x180000  }
0x3c: {  	s2 =	simm.s32 $0x2;
	[bflag:$0x0] =	sbarrier.arrive $0xFFFF  }
0x3d: {  	s30 =	simm.s32 $0x3;
	[sflag:s2] =	ssyncpa.u1 $0x1  }
0x3e: {  	s31 =	simm.s32 $0x1;
	[sflag:s30] =	ssyncpa.u1 $0x1  }
0x3f: {  	[sflag:s31] =	ssyncpa.u1 $0x1  }
0x40: {  	p0 =	sne.s32 s1, $0x0;
	_ =	strace $0x9000004A  }
0x41: {  	s0 =	sadd.s32 @!p0 $0x100000, s0;
	[bflag:$0x2] =	sbarrier.arrive $0xFFFF  }
0x42: {  	[sflag:s0] =	ssyncadd.tile.s32 @!p0 $0x1;
	_ =	shalt  }
.Lfunc_end2:
_tile_overlayer_lowered:
.L_overlay_start_2:
0x43: {  	(tag) =	ssettag $0x2  }
0x44: {  	s0 =	rddreg [dreg:$0x0];
	s2 =	stileid.u32  }
0x45: {  	s1 =	rddreg [dreg:$0x1];
	p0 =	sne.s32 s2, $0x0  }
0x46: {  	s3 =	rddreg [dreg:$0x2];
	[bflag:$0x3] =	sbarrier.arrive $0xFFFF;
	s2 =	simm.s32 @!p0 $0x1C01  }
0x47: {  	[timem:s3], [sflag:s2] =	dma.local @!p0 [hbm:s0], s1  }
0x48: {  	s0 =	simm.s32 @!p0 $0x1  }
0x49: {  	_ =	swait.ge @!p0 [sflag:s0], s1  }
0x4a: {  	s1 =	ssub.s32 @!p0 $0x0, s1;
	[sflag:s0] =	ssyncset.done @!p0 $0x0  }
0x4b: {  	[sflag:s0] =	ssyncadd.s32 @!p0 s1  }
0x4c: {  	[bflag:$0x3] =	sbarrier.arrive $0xFFFF  }
0x4d: {  	_ =	shalt  }

// kernel: kernel.11.cloned.1.call-start
scs
__scs_entry_jumppad:
0x0: {  	(pc) =	sbr.rel $0x88, $3  }
0x1: {  	(tag) =	ssettag $0x0;
	lr =	simm.s32 $0x1  }
0x2: {  	[smem:$0x3F9A] =	sst lr;
	_ =	strace $0xD0000000  }
0x3: {  	_ = 	snop  }
0x4: {  	_ = 	snop  }
0x5: {  	_ = 	snop  }
0x6: {  	_ = 	snop  }
0x7: {  	_ = 	snop  }
__scs_overlays_trampoline_lowered:
0x8: {  	[smem:$0x3FA9] =	sst s0  }
0x9: {  	[smem:$0x3FAA] =	sst s1  }
0xa: {  	[smem:$0x3FAB] =	sst s2  }
0xb: {  	[smem:$0x3FAC] =	sst s3  }
0xc: {  	[smem:$0x3FAD] =	sst s4  }
0xd: {  	[smem:$0x3FAE] =	sst s5  }
0xe: {  	[smem:$0x3FAF] =	sst s6  }
0xf: {  	[smem:$0x3FB0] =	sst s7  }
0x10: {  	[smem:$0x3FB1] =	sst s8  }
0x11: {  	[smem:$0x3FB2] =	sst s9;
	s0 =	simm.s32 @!p0 $0x0  }
0x12: {  	s1 =	sld [smem:$0x3F98];
	s0 =	simm.s32 @p0 $0x1  }
0x13: {  	[smem:$0x3FB3] =	sst s0;
	s0 =	simm.s32 @!p1 $0x0  }
0x14: {  	s2 =	sld [smem:$0x3F97];
	s0 =	simm.s32 @p1 $0x1  }
0x15: {  	[smem:$0x3FB4] =	sst s0;
	s0 =	simm.s32 @!p2 $0x0  }
0x16: {  	s3 =	sld [smem:$0x3FDB];
	s0 =	simm.s32 @p2 $0x1  }
0x17: {  	s4 =	simm.s32 $0x1BF5;
	[smem:$0x3FB6] =	sst s0  }
0x18: {  	s0 =	sld [smem:$0x3F99];
	_ =	swait.ge [sflag:s4], $0x0  }
0x19: {  	s7 =	sld [smem:$0x3F9A]  }
0x1a: {  	s8 =	sadd.s32 $0xFFFFE003, lr  }
0x1b: {  	s9 =	sadd.s32 $0xFFFFFEF7, lr;
	s5 =	simm.s32 $0xFFFFFFFF;
	p2 =	slt.u32 s8, $0xFFFFF086  }
0x1c: {  	p1 =	slt.u32 s9, $0xF7A;
	s5 =	simm.s32 @!p2 $0x0  }
0x1d: {  	s5 =	simm.s32 @p1 $0x1;
	p0 =	seq.s32 s7, s2  }
0x1e: {  	s7 =	smul.u32 @!p0 $0xF7A, s2;
	p2 =	seq.s32 @!p0 s5, $0x0  }
0x1f: {  	s9 =	smul.u32 $0xF7A, s1;
	s8 =	simm.s32 @!p0 $0x1BF5;
	p2 =	por !p2, p0  }
0x20: {  	[sflag:s8] =	ssyncset.s32 @!p0 $0xFFFFF086;
	s6 =	sadd.s32 @!p0 s3, s7;
	s7 =	simm.s32 @!p0 $0x108  }
0x21: {  	s3 =	sadd.s32 s3, s9;
	s6 =	sadd.s32 @!p0 $0x88, s6;
	s7 =	simm.s32 @p2 $0x1082  }
0x22: {  	[simem:s7], [sflag:s8] =	dma.local @!p0 [hbm:s6], $0xF7A  }
0x23: {  	s9 =	sor.u32 $0xD0000000, s2;
	s6 =	simm.s32 $0x108;
	_ =	swait.ge @!p0 [sflag:s8], $0x0  }
0x24: {  	s3 =	sadd.s32 $0x88, s3;
	s6 =	simm.s32 @!p1 $0x1082;
	[sflag:s4] =	ssyncset.s32 $0xFFFFF086  }
0x25: {  	[simem:s6], [sflag:s4] =	dma.local [hbm:s3], $0xF7A  }
0x26: {  	[smem:$0x3F9A] =	sst s1;
	(tag) =	ssettag s2;
	_ =	strace s9  }
0x27: {  	s1 =	sld [smem:$0x3FAA]  }
0x28: {  	s2 =	sld [smem:$0x3FAB]  }
0x29: {  	s4 =	sld [smem:$0x3FAD]  }
0x2a: {  	p0 =	seq.s32 s5, $0x0;
	s5 =	sld [smem:$0x3FAE]  }
0x2b: {  	s6 =	sld [smem:$0x3FAF]  }
0x2c: {  	s7 =	sld [smem:$0x3FB0]  }
0x2d: {  	s3 =	simm.s32 $0x108;
	s8 =	sld [smem:$0x3FB1]  }
0x2e: {  	s3 =	simm.s32 @!p0 $0x1082;
	s9 =	sld [smem:$0x3FB2]  }
0x2f: {  	lr =	sadd.s32 s0, s3;
	s0 =	sld [smem:$0x3FA9]  }
0x30: {  	s3 =	sld [smem:$0x3FAC]  }
0x31: {  	[smem:$0x3FB5] =	sst s10  }
0x32: {  	s10 =	sld [smem:$0x3FB3];
	_ =	sdelay $0x3  }
0x33: {  	p0 =	seq.s32 s10, $0x1;
	s10 =	sld [smem:$0x3FB5];
	_ =	sdelay $0x3  }
0x34: {  	[smem:$0x3FB5] =	sst s10  }
0x35: {  	s10 =	sld [smem:$0x3FB4];
	_ =	sdelay $0x3  }
0x36: {  	p1 =	seq.s32 s10, $0x1;
	s10 =	sld [smem:$0x3FB5];
	_ =	sdelay $0x3  }
0x37: {  	[smem:$0x3FB5] =	sst s10  }
0x38: {  	s10 =	sld [smem:$0x3FB6]  }
0x39: {  	_ = 	snop;
	(pc) =	sbr.ind lr, $3  }
0x3a: {  	_ = 	snop  }
0x3b: {  	_ = 	snop  }
0x3c: {  	p2 =	seq.s32 s10, $0x1;
	s10 =	sld [smem:$0x3FB5]  }
0x3d: {  	_ =	shalt  }
0x3e: {  	_ =	shalt  }
0x3f: {  	_ =	shalt  }
0x40: {  	_ =	shalt  }
0x41: {  	_ =	shalt  }
0x42: {  	_ =	shalt  }
0x43: {  	_ =	shalt  }
0x44: {  	_ =	shalt  }
0x45: {  	_ =	shalt  }
0x46: {  	_ =	shalt  }
0x47: {  	_ =	shalt  }
0x48: {  	_ =	shalt  }
0x49: {  	_ =	shalt  }
0x4a: {  	_ =	shalt  }
0x4b: {  	_ =	shalt  }
0x4c: {  	_ =	shalt  }
0x4d: {  	_ =	shalt  }
0x4e: {  	_ =	shalt  }
0x4f: {  	_ =	shalt  }
0x50: {  	_ =	shalt  }
0x51: {  	_ =	shalt  }
0x52: {  	_ =	shalt  }
0x53: {  	_ =	shalt  }
0x54: {  	_ =	shalt  }
0x55: {  	_ =	shalt  }
0x56: {  	_ =	shalt  }
0x57: {  	_ =	shalt  }
0x58: {  	_ =	shalt  }
0x59: {  	_ =	shalt  }
0x5a: {  	_ =	shalt  }
0x5b: {  	_ =	shalt  }
0x5c: {  	_ =	shalt  }
0x5d: {  	_ =	shalt  }
0x5e: {  	_ =	shalt  }
0x5f: {  	_ =	shalt  }
0x60: {  	_ =	shalt  }
0x61: {  	_ =	shalt  }
0x62: {  	_ =	shalt  }
0x63: {  	_ =	shalt  }
0x64: {  	_ =	shalt  }
0x65: {  	_ =	shalt  }
0x66: {  	_ =	shalt  }
0x67: {  	_ =	shalt  }
0x68: {  	_ =	shalt  }
0x69: {  	_ =	shalt  }
0x6a: {  	_ =	shalt  }
0x6b: {  	_ =	shalt  }
0x6c: {  	_ =	shalt  }
0x6d: {  	_ =	shalt  }
0x6e: {  	_ =	shalt  }
0x6f: {  	_ =	shalt  }
0x70: {  	_ =	shalt  }
0x71: {  	_ =	shalt  }
0x72: {  	_ =	shalt  }
0x73: {  	_ =	shalt  }
0x74: {  	_ =	shalt  }
0x75: {  	_ =	shalt  }
0x76: {  	_ =	shalt  }
0x77: {  	_ =	shalt  }
0x78: {  	_ =	shalt  }
0x79: {  	_ =	shalt  }
0x7a: {  	_ =	shalt  }
0x7b: {  	_ =	shalt  }
0x7c: {  	_ =	shalt  }
0x7d: {  	_ =	shalt  }
0x7e: {  	_ =	shalt  }
0x7f: {  	_ =	shalt  }
0x80: {  	_ =	shalt  }
0x81: {  	_ =	shalt  }
0x82: {  	_ =	shalt  }
0x83: {  	_ =	shalt  }
0x84: {  	_ =	shalt  }
0x85: {  	_ =	shalt  }
0x86: {  	_ =	shalt  }
0x87: {  	_ =	shalt  }
.Lfunc_end0:
.L_simem_size_0:
called_computation.2_lowered:
.L_overlay_start_0:
0x88: {  	s2 =	sld [smem:$0x3FD9]  }
0x89: {  	s3 =	sld [smem:$0x3FFE];
	_ =	sdelay $0x1  }
0x8a: {  	s1 =	srdreg.scid  }
0x8b: {  	s0 =	sand.u32 $0x1, s1  }
0x8c: {  	s14 =	sshll.u32 s0, $0xA;
	s2 =	sadd.s32 s3, s2  }
0x8d: {  	s2 =	sadd.s32 s2, s14  }
0x8e: {  	[smem:$0x3FC1] =	sst s2  }
0x8f: {  	_ = 	snop  }
0x90: {  	s2 =	sld [smem:$0x3FD0];
	_ =	sdelay $0x2  }
0x91: {  	s15 =	simm.s32 $0xA;
	s4 =	simm.s32 $0x10  }
0x92: {  	[smem:s4], [sflag:s15] =	dma.local [hbm:s2], $0x1  }
0x93: {  	_ =	swait.eq [sflag:s15], $0x1  }
0x94: {  	[sflag:s15] =	ssyncset.done $0x0  }
0x95: {  	[sflag:s15] =	ssyncadd.s32 $0xFFFFFFFF  }
0x96: {  	s16 =	sld [smem:$0x10];
	(tm) =	ssettm $0x1  }
0x97: {  	s17 =	sld [smem:$0x3FFB];
	_ =	sdelay $0x3  }
0x98: {  	_ =	strace s17  }
0x99: {  	s3 =	sld [smem:$0x3FFC];
	_ =	sdelay $0x3  }
0x9a: {  	_ =	strace s3  }
0x9b: {  	s3 =	sld [smem:$0x3FFD];
	_ =	sdelay $0x3  }
0x9c: {  	_ =	strace s3  }
0x9d: {  	_ =	strace $0x8FFFFFFF  }
0x9e: {  	s18 =	sld [smem:$0x3FDB];
	_ =	sdelay $0x1  }
0x9f: {  	s19 =	simm.s32 $_scs_section_size  }
0xa0: {  	s5 =	simm.s32 $_size__tile_overlayer_lowered;
	s6 =	simm.s32 $_tile_overlayer_lowered  }
0xa1: {  	s22 =	simm.s32 $0x1BFF;
	s21 =	sshll.u32 s6, $0x1;
	s3 =	sadd.s32 s19, s18  }
0xa2: {  	s7 =	simm.s32 $0x0;
	s20 =	sshll.u32 s5, $0x1;
	s5 =	sadd.s32 s21, s3  }
0xa3: {  	[timem:s7], [sflag:s22] =	dma.local [hbm:s5], s20  }
0xa4: {  	_ =	swait.ge [sflag:s22], s20  }
0xa5: {  	s4 =	ssub.s32 $0x0, s20;
	[sflag:s22] =	ssyncset.done $0x0  }
0xa6: {  	[sflag:s22] =	ssyncadd.s32 s4;
	_ =	sdelay $0x1  }
0xa7: {  	s23 =	simm.s32 $0x1B8B  }
0xa8: {  	_ =	swait.ge [sflag:s23], $0x1  }
0xa9: {  	[sflag:s23] =	ssyncset.done $0x0  }
0xaa: {  	s25 =	simm.s32 $0x1B8E;
	s24 =	sld [smem:$0x3FFE];
	[sflag:s23] =	ssyncadd.s32 $0xFFFFFFFF  }
0xab: {  	s26 =	simm.s32 $execute0_lowered;
	[smem:$0x3FD2] =	sst s25  }
0xac: {  	s5 =	sshll.u32 s26, $0x1;
	_ =	strace $0x8000004C;
	[dreg:$0x1] =	wrdreg $0xFFFFFFFF  }
0xad: {  	s28 =	simm.s32 $_size_execute0_lowered;
	s3 =	sadd.s32 s3, s5;
	[dreg:$0x0] =	wrdreg $0x0  }
0xae: {  	s5 =	sshll.u32 s28, $0x1;
	[dreg:$0x2] =	wrdreg s3  }
0xaf: {  	[dreg:$0x3] =	wrdreg s5  }
0xb0: {  	[dreg:$0x4] =	wrdreg $0xC0  }
0xb1: {  	_ =	task [dreg:s7], $0x5FFFF  }
0xb2: {  	[dreg:$0x1] =	wrdreg $0xFFFFFFFF  }
0xb3: {  	[dreg:$0x0] =	wrdreg $0x60  }
0xb4: {  	[dreg:$0x2] =	wrdreg s24  }
0xb5: {  	[dreg:$0x3] =	wrdreg s16  }
0xb6: {  	[dreg:$0x4] =	wrdreg $0x82000  }
0xb7: {  	[dreg:$0x5] =	wrdreg $0x9  }
0xb8: {  	_ =	task.clear_ibuf [dreg:s7], $0x6FFFF;
	_ =	strace $0x9000004C  }
0xb9: {  	s29 =	simm.s32 $0x9;
	_ =	strace $0x8000004E  }
0xba: {  	_ =	swait.ge [sflag:s29], $0x1  }
0xbb: {  	[sflag:s29] =	ssyncadd.s32 $0xFFFFFFFF  }
0xbc: {  	_ =	strace $0x9000004E  }
0xbd: {  	_ =	sfence  }
0xbe: {  	s30 =	sld [smem:$0x0];
	_ =	sdelay $0x2  }
0xbf: {  	s31 =	sshll.u32 s1, $0xD;
	s1 =	sshrl.u32 s1, $0x2  }
0xc0: {  	s3 =	sand.u32 $0x4000, s31;
	s1 =	sadd.s32 s1, s30  }
0xc1: {  	s0 =	sor.u32 s3, s0;
	s1 =	sshll.u32 s1, $0x11  }
0xc2: {  	s0 =	sor.u32 s1, s0  }
0xc3: {  	s0 =	sadd.s32 $0x8F2B, s0  }
0xc4: {  	[sflag:s0] =	ssyncadd.remote.s32 $0x1  }
0xc5: {  	_ =	sfence.sel $0xFFFF  }
0xc6: {  	[dreg:$0x0] =	wrdreg $0xFFFFFFFF;
	(pc) =	sbr.abs _section_cstart, $3  }
0xc7: {  	[dreg:$0x1] =	wrdreg $0xFFFFFFFF  }
0xc8: {  	_ =	task.clear_ibuf [dreg:s7], $0x2FFFF;
	_ =	strace $0x9FFFFFFF  }
0xc9: {  	(tm) =	ssettm $0x7FFFFFFF  }
tec
execute0_lowered:
.L_overlay_start_1:
0x0: {  	(tag) =	ssettag $0x1  }
0x1: {  	s1 =	rddreg [dreg:$0x0]  }
0x2: {  	s0 =	rddreg [dreg:$0x1]  }
0x3: {  	s2 =	rddreg [dreg:$0x2];
	s4 =	simm.s32 $0x0;
	s15 =	stileid.u32  }
0x4: {  	s3 =	srdreg.scid;
	s30 =	simm.s32 $0x1;
	s7 =	smul.u32 $0x5100, s15  }
0x5: {  	s31 =	simm.s32 $0x3;
	[smem:$0x7FF] =	sst s4;
	s9 =	smul.u32 $0xA200, s15  }
0x6: {  	s6 =	sadd.s32 $0x5A400, s1;
	s3 =	sand.u32 $0x1, s3;
	s11 =	smul.u32 $0x50000, s15  }
0x7: {  	s8 =	sadd.s32 $0x64600, s1;
	s22 =	smul.u32 $0x14000, s15;
	_ =	strace $0x8000004D  }
0x8: {  	s5 =	ssub.s32 $0x2, s3;
	s12 =	sshll.u32 s3, $0x7;
	s3 =	smul.u32 $0x140000, s3  }
0x9: {  	s10 =	sshrl.u32 s5, $0x1;
	s9 =	sor.u32 s12, s9;
	s18 =	sshrl.u32 s7, $0x7  }
0xa: {  	s11 =	sshrl.u32 s11, $0x2;
	s7 =	sshrl.u32 s7, $0x3;
	s28 =	sadd.s32 $0x4000, s22  }
0xb: {  	s16 =	sadd.s32 $0x8000, s22;
	s10 =	ssub.s32 s5, s10;
	s13 =	sshrl.u32 s9, $0x3  }
0xc: {  	s14 =	sor.u32 $0x1, s18;
	s5 =	sadd.s32 s11, s2;
	s7 =	sadd.s32 s6, s7  }
0xd: {  	s26 =	sadd.s32 s3, s22;
	s17 =	sadd.s32 s3, s16;
	s18 =	sadd.s32 $0xC000, s22  }
0xe: {  	s19 =	sadd.s32 s0, s13;
	s20 =	sshll.u32 s14, $0x8;
	s21 =	sshll.u32 s14, $0x4  }
0xf: {  	[dreg:$0x5] =	wrdreg s7;
	s25 =	smax.u32 s10, $0x1;
	s29 =	sadd.s32 $0x4000, s5  }
0x10: {  	s7 =	sshrl.u32 s26, $0x3;
	s13 =	sadd.s32 $0x10000, s22;
	s22 =	smul.u32 $0xA20, s15  }
0x11: {  	s26 =	sadd.s32 $0x10000, s5;
	s10 =	simm.s32 $0x5;
	[dreg:$0x4] =	wrdreg s19  }
0x12: {  	s11 =	sor.u32 s12, s20;
	s24 =	sadd.s32 s6, s21;
	[dreg:$0x8] =	wrdreg s25  }
0x13: {  	[dreg:$0x9] =	wrdreg s29;
	s12 =	sadd.s32 s3, s28;
	s7 =	sadd.s32 s8, s7  }
0x14: {  	s20 =	sadd.s32 s3, s18;
	s3 =	sadd.s32 s3, s13;
	[dreg:$0x11] =	wrdreg s26  }
0x15: {  	s25 =	sadd.s32 $0xC000, s5;
	s28 =	sadd.s32 s28, s2;
	[dreg:$0x7] =	wrdreg s24  }
0x16: {  	s29 =	sadd.s32 s16, s2;
	s26 =	simm.s32 $0x7;
	[dreg:$0xa] =	wrdreg s7  }
0x17: {  	s11 =	sshrl.u32 s11, $0x3;
	s14 =	sshrl.u32 s12, $0x3;
	[dreg:$0x10] =	wrdreg s25  }
0x18: {  	s21 =	sshrl.u32 s20, $0x3;
	s3 =	sshrl.u32 s3, $0x3;
	[dreg:$0x12] =	wrdreg s28  }
0x19: {  	s24 =	sadd.s32 $0x200, s9;
	s6 =	sadd.s32 s22, s6;
	[dreg:$0x13] =	wrdreg s29  }
0x1a: {  	s9 =	simm.s32 $0x4000;
	s12 =	simm.s32 $0x0;
	s23 =	sadd.s32 s0, s11  }
0x1b: {  	s7 =	sadd.s32 s8, s14;
	s3 =	sadd.s32 s8, s3;
	[dreg:$0x6] =	wrdreg s23  }
0x1c: {  	s16 =	sadd.s32 $0x20, s6;
	s6 =	simm.s32 $0x8180;
	[dreg:$0xb] =	wrdreg s7  }
0x1d: {  	s11 =	simm.s32 $0x6;
	s7 =	sshrl.u32 s17, $0x3;
	[dreg:$0xe] =	wrdreg s3  }
0x1e: {  	s23 =	sadd.s32 $0x8000, s5;
	s3 =	sshrl.u32 s24, $0x3;
	s24 =	sadd.s32 s13, s2  }
0x1f: {  	s17 =	simm.s32 $0x8100;
	s7 =	sadd.s32 s8, s7;
	[dreg:$0xf] =	wrdreg s23  }
0x20: {  	s19 =	sadd.s32 s3, s0;
	s23 =	sadd.s32 s18, s2;
	s0 =	simm.s32 $0x80  }
0x21: {  	s3 =	simm.s32 $0x8080;
	[dreg:$0xc] =	wrdreg s7;
	s7 =	sadd.s32 s8, s21  }
0x22: {  	v0 =	vimm.f32 $0.0e+00;
	s8 =	simm.s32 $0x4;
	[dreg:$0xd] =	wrdreg s7;
	s7 =	simm.s32 $0x2  }
.LBB2_1:
0x23: {  	s13 =	simm.s32 $0x0;
	s14 =	simm.s32 $0x200  }
.LBB2_2:
0x24: {  	p0 =	sne.s32 s14, $0xFE00;
	[tilespmem:s13+$0x70] =	vst v0  }
0x25: {  	[tilespmem:s13+$0x0] =	vst v0  }
0x26: {  	[tilespmem:s13+$0x10] =	vst v0  }
.Ltmp0:
0x27: {  	[tilespmem:s13+$0x20] =	vst v0;
	(pc) =	sbr.rel @p0 .LBB2_2-.Ltmp0, $4  }
0x28: {  	[tilespmem:s13+$0x30] =	vst v0  }
0x29: {  	[tilespmem:s13+$0x40] =	vst v0  }
0x2a: {  	[tilespmem:s13+$0x50] =	vst v0  }
0x2b: {  	[tilespmem:s13+$0x60] =	vst v0;
	s13 =	sshra.s32 s14, $0x2;
	s14 =	sadd.s32 $0x200, s14  }
0x2c: {  	[tilespmem:s13+$0x70] =	vst v0  }
0x2d: {  	[tilespmem:s13+$0x0] =	vst v0  }
0x2e: {  	[tilespmem:s13+$0x10] =	vst v0  }
0x2f: {  	[tilespmem:s13+$0x20] =	vst v0  }
0x30: {  	[tilespmem:s13+$0x30] =	vst v0  }
0x31: {  	[tilespmem:s13+$0x40] =	vst v0  }
0x32: {  	[tilespmem:s13+$0x50] =	vst v0  }
0x33: {  	[tilespmem:s13+$0x60] =	vst v0;
	s29 =	simm.s32 $0x0  }
0x34: {  	[spmem:s5] =	stream.linear.scatter [tilespmem:s29], [sflag:$0x7], $0x4000, $0x38;
	[tilespmem:$0x1C200] =	vst v63  }
0x35: {  	_ =	swait.ge [sflag:s26], $0x4000  }
0x36: {  	[sflag:s26] =	ssyncset.done $0x0  }
0x37: {  	s14 =	rddreg [dreg:$0x9];
	[sflag:s26] =	ssyncadd.s32 $0xFFFFC000  }
0x38: {  	[spmem:s14] =	stream.linear.scatter [tilespmem:s29], [sflag:$0x7], $0x4000, $0x38;
	[tilespmem:$0x1C200] =	vst v63  }
0x39: {  	_ =	swait.ge [sflag:s26], $0x4000  }
0x3a: {  	[sflag:s26] =	ssyncset.done $0x0  }
0x3b: {  	s15 =	rddreg [dreg:$0xf];
	[sflag:s26] =	ssyncadd.s32 $0xFFFFC000  }
0x3c: {  	[spmem:s15] =	stream.linear.scatter [tilespmem:s29], [sflag:$0x7], $0x4000, $0x38;
	[tilespmem:$0x1C200] =	vst v63  }
0x3d: {  	_ =	swait.ge [sflag:s26], $0x4000  }
0x3e: {  	[sflag:s26] =	ssyncset.done $0x0  }
0x3f: {  	s18 =	rddreg [dreg:$0x10];
	[sflag:s26] =	ssyncadd.s32 $0xFFFFC000  }
0x40: {  	[spmem:s18] =	stream.linear.scatter [tilespmem:s29], [sflag:$0x7], $0x4000, $0x38;
	[tilespmem:$0x1C200] =	vst v63  }
0x41: {  	_ =	swait.ge [sflag:s26], $0x4000  }
0x42: {  	[sflag:s26] =	ssyncset.done $0x0  }
0x43: {  	s20 =	rddreg [dreg:$0x11];
	[sflag:s26] =	ssyncadd.s32 $0xFFFFC000  }
0x44: {  	[spmem:s20] =	stream.linear.scatter [tilespmem:s29], [sflag:$0x7], $0x4000, $0x38;
	[tilespmem:$0x1C200] =	vst v63  }
0x45: {  	_ =	swait.ge [sflag:s26], $0x4000  }
0x46: {  	[sflag:s26] =	ssyncset.done $0x0  }
0x47: {  	[sflag:s26] =	ssyncadd.s32 $0xFFFFC000  }
0x48: {  	[bflag:$0x0] =	sbarrier.arrive $0xFFFF  }
0x49: {  	s15 =	simm.s32 $0x8000;
	s21 =	rddreg [dreg:$0x4]  }
0x4a: {  	[tilespmem:s15], [sflag:$0x1] =	stream.linear.gather [hbm4b:s21+s29], $0x80, $0x38;
	[tilespmem:$0x1C200] =	vst v63  }
0x4b: {  	s22 =	rddreg [dreg:$0x5]  }
0x4c: {  	[tilespmem:s17], [sflag:$0x3] =	stream.linear.gather [hbm4b:s22+s29], $0x80, $0x38;
	[tilespmem:$0x1C200] =	vst v63  }
0x4d: {  	_ =	swait.ge [sflag:s30], $0x80  }
0x4e: {  	[sflag:s30] =	ssyncset.done $0x0  }
0x4f: {  	[sflag:s30] =	ssyncadd.s32 $0xFFFFFF80  }
0x50: {  	_ =	swait.ge [sflag:s31], $0x80  }
0x51: {  	[sflag:s31] =	ssyncset.done $0x0  }
0x52: {  	s13 =	sand.u32 $0x1, s29;
	[sflag:s31] =	ssyncadd.s32 $0xFFFFFF80  }
0x53: {  	[tilespmem:s29], [sflag:$0x5] =	stream.indirect.gather [hbm4b:s1+s0], $0x80, s15, s0, $0xb8;
	[tilespmem:$0x1C200] =	vst v63  }
0x54: {  	p0 =	seq.s32 s13, $0x1;
	s25 =	rddreg [dreg:$0x6]  }
0x55: {  	[tilespmem:s3], [sflag:$0x2] =	stream.linear.gather [hbm4b:s25+s29], $0x80, $0x38;
	[tilespmem:$0x1C200] =	vst v63  }
0x56: {  	s13 =	simm.s32 @p0 $0x1;
	s28 =	rddreg [dreg:$0x7]  }
0x57: {  	[tilespmem:s6], [sflag:$0x4] =	stream.linear.gather [hbm4b:s28+s29], $0x80, $0x38;
	[tilespmem:$0x1C200] =	vst v63  }
0x58: {  	_ =	swait.ge @p0 [sflag:s13], $0x80;
	p0 =	por p0, p0  }
0x59: {  	[sflag:s13] =	ssyncset.done @p0 $0x0  }
0x5a: {  	[sflag:s13] =	ssyncadd.s32 @p0 $0xFFFFFF80;
	s13 =	simm.s32 @p0 $0x3  }
0x5b: {  	_ =	swait.ge @p0 [sflag:s13], $0x80  }
0x5c: {  	s14 =	simm.s32 @p0 $0x0;
	s15 =	simm.s32 @p0 $0x6;
	[sflag:s13] =	ssyncset.done @p0 $0x0  }
0x5d: {  	s17 =	simm.s32 @p0 $0x8000;
	[sflag:s13] =	ssyncadd.s32 @p0 $0xFFFFFF80;
	s13 =	simm.s32 @p0 $0x80  }
0x5e: {  	[tilespmem:s14], [sflag:$0x5] =	stream.indirect.gather @p0 [hbm4b:s1+s13], $0x80, s17, s13, $0xb8;
	[tilespmem:$0x1C200] =	vst v63  }
0x5f: {  	_ =	swait.ge @p0 [sflag:s15], $0x4000  }
0x60: {  	s18 =	simm.s32 @p0 $0x4000;
	[sflag:s15] =	ssyncset.done @p0 $0x0  }
0x61: {  	s17 =	simm.s32 @p0 $0x7;
	[sflag:s15] =	ssyncadd.s32 @p0 $0xFFFFC000;
	s15 =	simm.s32 @p0 $0x8180  }
0x62: {  	[spmem:s2] =	stream.indirect.scatter.add.f32 @p0 [tilespmem:s18], [sflag:$0x7], $0x80, s15, s13, $0xb8;
	[tilespmem:$0x1C200] =	vst v63  }
0x63: {  	_ =	swait.ge @p0 [sflag:s17], $0x4000  }
0x64: {  	[sflag:s17] =	ssyncset.done @p0 $0x0  }
0x65: {  	s13 =	simm.s32 @p0 $0x8080;
	[sflag:s17] =	ssyncadd.s32 @p0 $0xFFFFC000  }
0x66: {  	[tilespmem:s13], [sflag:$0x2] =	stream.linear.gather @p0 [hbm4b:s19+s14], $0x80, $0x38;
	[tilespmem:$0x1C200] =	vst v63  }
0x67: {  	s13 =	simm.s32 @!p0 $0x2  }
0x68: {  	[tilespmem:s15], [sflag:$0x4] =	stream.linear.gather @p0 [hbm4b:s16+s14], $0x80, $0x38;
	[tilespmem:$0x1C200] =	vst v63  }
0x69: {  	_ =	swait.ge @!p0 [sflag:s13], $0x80  }
0x6a: {  	[sflag:s13] =	ssyncset.done @!p0 $0x0  }
0x6b: {  	[sflag:s13] =	ssyncadd.s32 @!p0 $0xFFFFFF80;
	s13 =	simm.s32 @!p0 $0x4  }
0x6c: {  	_ =	swait.ge @!p0 [sflag:s13], $0x80  }
0x6d: {  	s17 =	simm.s32 @!p0 $0x8080;
	s14 =	simm.s32 @!p0 $0x4000;
	[sflag:s13] =	ssyncset.done @!p0 $0x0  }
0x6e: {  	s15 =	simm.s32 @!p0 $0x5;
	[sflag:s13] =	ssyncadd.s32 @!p0 $0xFFFFFF80;
	s13 =	simm.s32 @!p0 $0x80  }
0x6f: {  	[tilespmem:s14], [sflag:$0x6] =	stream.indirect.gather @!p0 [hbm4b:s1+s13], $0x80, s17, s13, $0xb8;
	[tilespmem:$0x1C200] =	vst v63  }
0x70: {  	_ =	swait.ge @!p0 [sflag:s15], $0x4000  }
0x71: {  	s20 =	simm.s32 @!p0 $0x8100;
	[sflag:s15] =	ssyncset.done @!p0 $0x0  }
0x72: {  	s21 =	simm.s32 @!p0 $0x0;
	s14 =	simm.s32 @!p0 $0x7;
	[sflag:s15] =	ssyncadd.s32 @!p0 $0xFFFFC000  }
0x73: {  	[spmem:s2] =	stream.indirect.scatter.add.f32 @!p0 [tilespmem:s21], [sflag:$0x7], $0x80, s20, s13, $0xb8;
	[tilespmem:$0x1C200] =	vst v63  }
0x74: {  	_ =	swait.ge @!p0 [sflag:s14], $0x4000  }
0x75: {  	s25 =	smov.u32 s16;
	s29 =	simm.s32 $0x1;
	[sflag:s14] =	ssyncset.done @!p0 $0x0  }
0x76: {  	s18 =	sand.u32 $0x1, s29;
	s13 =	simm.s32 @!p0 $0x8000;
	[sflag:s14] =	ssyncadd.s32 @!p0 $0xFFFFC000  }
0x77: {  	[tilespmem:s13], [sflag:$0x1] =	stream.linear.gather @!p0 [hbm4b:s19+s21], $0x80, $0x38;
	[tilespmem:$0x1C200] =	vst v63  }
0x78: {  	s15 =	simm.s32 $0x2;
	s14 =	smov.u32 s16;
	s13 =	sadd.s32 $0x20, s19  }
.LBB2_4:
0x79: {  	p2 =	seq.s32 s18, $0x1;
	s25 =	sadd.s32 $0x10, s25  }
0x7a: {  	s18 =	smov.u32 s15;
	s15 =	sadd.s32 $0x1, s15;
	s17 =	smov.u32 s13  }
0x7b: {  	p1 =	sne.s32 s15, $0xA0;
	s28 =	simm.s32 @p2 $0x1  }
0x7c: {  	[tilespmem:s20], [sflag:$0x3] =	stream.linear.gather @!p0 [hbm4b:s14+s21], $0x80, $0x38;
	[tilespmem:$0x1C200] =	vst v63  }
0x7d: {  	s14 =	smov.u32 s25;
	p0 =	por p2, p2;
	_ =	swait.ge @p2 [sflag:s28], $0x80  }
0x7e: {  	[sflag:s28] =	ssyncset.done @p0 $0x0  }
0x7f: {  	s20 =	simm.s32 @p0 $0x3;
	[sflag:s28] =	ssyncadd.s32 @p0 $0xFFFFFF80  }
0x80: {  	_ =	swait.ge @p0 [sflag:s20], $0x80  }
0x81: {  	s21 =	simm.s32 @p0 $0x0;
	s28 =	simm.s32 @p0 $0x6;
	[sflag:s20] =	ssyncset.done @p0 $0x0  }
0x82: {  	s22 =	simm.s32 @p0 $0x8000;
	[sflag:s20] =	ssyncadd.s32 @p0 $0xFFFFFF80;
	s20 =	simm.s32 @p0 $0x80  }
0x83: {  	[tilespmem:s21], [sflag:$0x5] =	stream.indirect.gather @p0 [hbm4b:s1+s20], $0x80, s22, s20, $0xb8;
	[tilespmem:$0x1C200] =	vst v63  }
0x84: {  	_ =	swait.ge @p0 [sflag:s28], $0x4000  }
0x85: {  	s22 =	simm.s32 @p0 $0x7;
	[sflag:s28] =	ssyncset.done @p0 $0x0  }
0x86: {  	s29 =	simm.s32 @p0 $0x4000;
	[sflag:s28] =	ssyncadd.s32 @p0 $0xFFFFC000;
	s28 =	simm.s32 @p0 $0x8180  }
0x87: {  	[spmem:s2] =	stream.indirect.scatter.add.f32 @p0 [tilespmem:s29], [sflag:$0x7], $0x80, s28, s20, $0xb8;
	[tilespmem:$0x1C200] =	vst v63  }
0x88: {  	_ =	swait.ge @p0 [sflag:s22], $0x4000  }
0x89: {  	[sflag:s22] =	ssyncset.done @p0 $0x0  }
0x8a: {  	s20 =	simm.s32 @p0 $0x8080;
	[sflag:s22] =	ssyncadd.s32 @p0 $0xFFFFC000  }
0x8b: {  	[tilespmem:s20], [sflag:$0x2] =	stream.linear.gather @p0 [hbm4b:s13+s21], $0x80, $0x38;
	[tilespmem:$0x1C200] =	vst v63  }
0x8c: {  	s20 =	simm.s32 @!p0 $0x2  }
0x8d: {  	[tilespmem:s28], [sflag:$0x4] =	stream.linear.gather @p0 [hbm4b:s25+s21], $0x80, $0x38;
	[tilespmem:$0x1C200] =	vst v63  }
0x8e: {  	_ =	swait.ge @!p0 [sflag:s20], $0x80  }
0x8f: {  	[sflag:s20] =	ssyncset.done @!p0 $0x0  }
0x90: {  	[sflag:s20] =	ssyncadd.s32 @!p0 $0xFFFFFF80;
	s20 =	simm.s32 @!p0 $0x4  }
0x91: {  	_ =	swait.ge @!p0 [sflag:s20], $0x80  }
0x92: {  	s22 =	simm.s32 @!p0 $0x5;
	s21 =	simm.s32 @!p0 $0x4000;
	[sflag:s20] =	ssyncset.done @!p0 $0x0  }
0x93: {  	s28 =	simm.s32 @!p0 $0x80;
	[sflag:s20] =	ssyncadd.s32 @!p0 $0xFFFFFF80;
	s20 =	simm.s32 @!p0 $0x8080  }
0x94: {  	[tilespmem:s21], [sflag:$0x6] =	stream.indirect.gather @!p0 [hbm4b:s1+s28], $0x80, s20, s28, $0xb8;
	[tilespmem:$0x1C200] =	vst v63  }
0x95: {  	_ =	swait.ge @!p0 [sflag:s22], $0x4000  }
0x96: {  	s29 =	simm.s32 @!p0 $0x7;
	[sflag:s22] =	ssyncset.done @!p0 $0x0  }
0x97: {  	s20 =	simm.s32 @!p0 $0x8100;
	s21 =	simm.s32 @!p0 $0x0;
	[sflag:s22] =	ssyncadd.s32 @!p0 $0xFFFFC000  }
0x98: {  	[spmem:s2] =	stream.indirect.scatter.add.f32 @!p0 [tilespmem:s21], [sflag:$0x7], $0x80, s20, s28, $0xb8;
	[tilespmem:$0x1C200] =	vst v63  }
.Ltmp1:
0x99: {  	_ = 	snop;
	(pc) =	sbr.rel @p1 .LBB2_4-.Ltmp1, $4  }
0x9a: {  	_ =	swait.ge @!p0 [sflag:s29], $0x4000  }
0x9b: {  	s13 =	sadd.s32 $0x20, s13;
	[sflag:s29] =	ssyncset.done @!p0 $0x0  }
0x9c: {  	s18 =	sand.u32 $0x1, s18;
	s22 =	simm.s32 @!p0 $0x8000;
	[sflag:s29] =	ssyncadd.s32 @!p0 $0xFFFFC000  }
0x9d: {  	[tilespmem:s22], [sflag:$0x1] =	stream.linear.gather @!p0 [hbm4b:s17+s21], $0x80, $0x38;
	[tilespmem:$0x1C200] =	vst v63  }
0x9e: {  	p1 =	seq.s32 s18, $0x1  }
0x9f: {  	[tilespmem:s20], [sflag:$0x3] =	stream.linear.gather @!p0 [hbm4b:s14+s21], $0x80, $0x38;
	[tilespmem:$0x1C200] =	vst v63  }
0xa0: {  	s15 =	simm.s32 @p1 $0x1  }
0xa1: {  	p0 =	por p1, p1;
	_ =	swait.ge @p1 [sflag:s15], $0x80  }
0xa2: {  	[sflag:s15] =	ssyncset.done @p0 $0x0  }
0xa3: {  	s14 =	simm.s32 @p0 $0x3;
	[sflag:s15] =	ssyncadd.s32 @p0 $0xFFFFFF80  }
0xa4: {  	_ =	swait.ge @p0 [sflag:s14], $0x80  }
0xa5: {  	s17 =	simm.s32 @p0 $0x6;
	s18 =	simm.s32 @p0 $0x8000;
	[sflag:s14] =	ssyncset.done @p0 $0x0  }
0xa6: {  	s15 =	simm.s32 @p0 $0x0;
	[sflag:s14] =	ssyncadd.s32 @p0 $0xFFFFFF80;
	s14 =	simm.s32 @p0 $0x80  }
0xa7: {  	[tilespmem:s15], [sflag:$0x5] =	stream.indirect.gather @p0 [hbm4b:s1+s14], $0x80, s18, s14, $0xb8;
	[tilespmem:$0x1C200] =	vst v63  }
0xa8: {  	_ =	swait.ge @p0 [sflag:s17], $0x4000  }
0xa9: {  	[sflag:s17] =	ssyncset.done @p0 $0x0  }
0xaa: {  	s18 =	simm.s32 @p0 $0x4000;
	[sflag:s17] =	ssyncadd.s32 @p0 $0xFFFFC000;
	s17 =	simm.s32 @p0 $0x8180  }
0xab: {  	[spmem:s2] =	stream.indirect.scatter.add.f32 @p0 [tilespmem:s18], [sflag:$0x7], $0x80, s17, s14, $0xb8;
	[tilespmem:$0x1C200] =	vst v63  }
0xac: {  	s14 =	simm.s32 @p0 $0x7  }
0xad: {  	_ =	swait.ge @p0 [sflag:s14], $0x4000  }
0xae: {  	[sflag:s14] =	ssyncset.done @p0 $0x0  }
0xaf: {  	[sflag:s14] =	ssyncadd.s32 @p0 $0xFFFFC000;
	s14 =	simm.s32 @p0 $0x8080  }
0xb0: {  	[tilespmem:s14], [sflag:$0x2] =	stream.linear.gather @p0 [hbm4b:s13+s15], $0x80, $0x38;
	[tilespmem:$0x1C200] =	vst v63  }
0xb1: {  	s18 =	simm.s32 @!p0 $0x2;
	s14 =	sadd.s32 $0x10, s25  }
0xb2: {  	[tilespmem:s17], [sflag:$0x4] =	stream.linear.gather @p0 [hbm4b:s14+s15], $0x80, $0x38;
	[tilespmem:$0x1C200] =	vst v63  }
0xb3: {  	_ =	swait.ge @!p0 [sflag:s18], $0x80  }
0xb4: {  	[sflag:s18] =	ssyncset.done @!p0 $0x0  }
0xb5: {  	s15 =	simm.s32 @!p0 $0x4;
	[sflag:s18] =	ssyncadd.s32 @!p0 $0xFFFFFF80  }
0xb6: {  	_ =	swait.ge @!p0 [sflag:s15], $0x80  }
0xb7: {  	s17 =	simm.s32 @!p0 $0x4000;
	[sflag:s15] =	ssyncset.done @!p0 $0x0  }
0xb8: {  	s18 =	simm.s32 @!p0 $0x8080;
	[sflag:s15] =	ssyncadd.s32 @!p0 $0xFFFFFF80;
	s15 =	simm.s32 @!p0 $0x80  }
0xb9: {  	[tilespmem:s17], [sflag:$0x6] =	stream.indirect.gather @!p0 [hbm4b:s1+s15], $0x80, s18, s15, $0xb8;
	[tilespmem:$0x1C200] =	vst v63  }
0xba: {  	s17 =	simm.s32 @!p0 $0x5  }
0xbb: {  	_ =	swait.ge @!p0 [sflag:s17], $0x4000  }
0xbc: {  	[sflag:s17] =	ssyncset.done @!p0 $0x0  }
0xbd: {  	s18 =	simm.s32 @!p0 $0x0;
	[sflag:s17] =	ssyncadd.s32 @!p0 $0xFFFFC000;
	s17 =	simm.s32 @!p0 $0x8100  }
0xbe: {  	[spmem:s2] =	stream.indirect.scatter.add.f32 @!p0 [tilespmem:s18], [sflag:$0x7], $0x80, s17, s15, $0xb8;
	[tilespmem:$0x1C200] =	vst v63  }
0xbf: {  	s15 =	simm.s32 @!p0 $0x7  }
0xc0: {  	_ =	swait.ge @!p0 [sflag:s15], $0x4000  }
0xc1: {  	[sflag:s15] =	ssyncset.done @!p0 $0x0  }
0xc2: {  	[sflag:s15] =	ssyncadd.s32 @!p0 $0xFFFFC000;
	s15 =	simm.s32 @!p0 $0x8000  }
0xc3: {  	[tilespmem:s15], [sflag:$0x1] =	stream.linear.gather @!p0 [hbm4b:s13+s18], $0x80, $0x38;
	[tilespmem:$0x1C200] =	vst v63  }
0xc4: {  	_ = 	snop  }
0xc5: {  	[tilespmem:s17], [sflag:$0x3] =	stream.linear.gather @!p0 [hbm4b:s14+s18], $0x80, $0x38;
	[tilespmem:$0x1C200] =	vst v63  }
0xc6: {  	_ =	swait.ge [sflag:s7], $0x80  }
0xc7: {  	[sflag:s7] =	ssyncset.done $0x0  }
0xc8: {  	[sflag:s7] =	ssyncadd.s32 $0xFFFFFF80  }
0xc9: {  	_ =	swait.ge [sflag:s8], $0x80  }
0xca: {  	[sflag:s8] =	ssyncset.done $0x0  }
0xcb: {  	[sflag:s8] =	ssyncadd.s32 $0xFFFFFF80  }
0xcc: {  	[tilespmem:s9], [sflag:$0x6] =	stream.indirect.gather [hbm4b:s1+s0], $0x80, s3, s0, $0xb8;
	[tilespmem:$0x1C200] =	vst v63  }
0xcd: {  	_ =	swait.ge [sflag:s10], $0x4000  }
0xce: {  	[sflag:s10] =	ssyncset.done $0x0  }
0xcf: {  	s17 =	simm.s32 $0x8100;
	[sflag:s10] =	ssyncadd.s32 $0xFFFFC000  }
0xd0: {  	[spmem:s2] =	stream.indirect.scatter.add.f32 [tilespmem:s4], [sflag:$0x7], $0x80, s17, s0, $0xb8;
	[tilespmem:$0x1C200] =	vst v63  }
0xd1: {  	_ =	swait.ge [sflag:s26], $0x4000  }
0xd2: {  	[sflag:s26] =	ssyncset.done $0x0  }
0xd3: {  	[sflag:s26] =	ssyncadd.s32 $0xFFFFC000  }
0xd4: {  	_ =	swait.ge [sflag:s11], $0x4000  }
0xd5: {  	[sflag:s11] =	ssyncset.done $0x0  }
0xd6: {  	[sflag:s11] =	ssyncadd.s32 $0xFFFFC000  }
0xd7: {  	[spmem:s2] =	stream.indirect.scatter.add.f32 [tilespmem:s9], [sflag:$0x7], $0x80, s6, s0, $0xb8;
	[tilespmem:$0x1C200] =	vst v63  }
0xd8: {  	_ =	swait.ge [sflag:s26], $0x4000  }
0xd9: {  	[sflag:s26] =	ssyncset.done $0x0  }
0xda: {  	[sflag:s26] =	ssyncadd.s32 $0xFFFFC000  }
0xdb: {  	[bflag:$0x0] =	sbarrier.arrive $0xFFFF  }
0xdc: {  	[tilespmem:s4], [sflag:$0x7] =	stream.linear.gather [spmem:s5], $0x4000, $0x38;
	[tilespmem:$0x1C200] =	vst v63  }
0xdd: {  	_ =	swait.ge [sflag:s26], $0x4000  }
0xde: {  	[sflag:s26] =	ssyncset.done $0x0  }
0xdf: {  	s15 =	rddreg [dreg:$0xa];
	[sflag:s26] =	ssyncadd.s32 $0xFFFFC000  }
0xe0: {  	[hbm4b:s15+s4] =	stream.linear.scatter [tilespmem:s4], [sflag:$0x7], $0x4000, $0x38;
	[tilespmem:$0x1C200] =	vst v63  }
0xe1: {  	_ =	swait.ge [sflag:s26], $0x4000  }
0xe2: {  	[sflag:s26] =	ssyncset.done $0x0  }
0xe3: {  	s18 =	rddreg [dreg:$0x12];
	[sflag:s26] =	ssyncadd.s32 $0xFFFFC000  }
0xe4: {  	[tilespmem:s4], [sflag:$0x7] =	stream.linear.gather [spmem:s18], $0x4000, $0x38;
	[tilespmem:$0x1C200] =	vst v63  }
0xe5: {  	_ =	swait.ge [sflag:s26], $0x4000  }
0xe6: {  	[sflag:s26] =	ssyncset.done $0x0  }
0xe7: {  	s20 =	rddreg [dreg:$0xb];
	[sflag:s26] =	ssyncadd.s32 $0xFFFFC000  }
0xe8: {  	[hbm4b:s20+s4] =	stream.linear.scatter [tilespmem:s4], [sflag:$0x7], $0x4000, $0x38;
	[tilespmem:$0x1C200] =	vst v63  }
0xe9: {  	_ =	swait.ge [sflag:s26], $0x4000  }
0xea: {  	[sflag:s26] =	ssyncset.done $0x0  }
0xeb: {  	s21 =	rddreg [dreg:$0x13];
	[sflag:s26] =	ssyncadd.s32 $0xFFFFC000  }
0xec: {  	[tilespmem:s4], [sflag:$0x7] =	stream.linear.gather [spmem:s21], $0x4000, $0x38;
	[tilespmem:$0x1C200] =	vst v63  }
0xed: {  	_ =	swait.ge [sflag:s26], $0x4000  }
0xee: {  	[sflag:s26] =	ssyncset.done $0x0  }
0xef: {  	s22 =	rddreg [dreg:$0xc];
	[sflag:s26] =	ssyncadd.s32 $0xFFFFC000  }
0xf0: {  	[hbm4b:s22+s4] =	stream.linear.scatter [tilespmem:s4], [sflag:$0x7], $0x4000, $0x38;
	[tilespmem:$0x1C200] =	vst v63  }
0xf1: {  	_ =	swait.ge [sflag:s26], $0x4000  }
0xf2: {  	[sflag:s26] =	ssyncset.done $0x0  }
0xf3: {  	[sflag:s26] =	ssyncadd.s32 $0xFFFFC000  }
0xf4: {  	[tilespmem:s4], [sflag:$0x7] =	stream.linear.gather [spmem:s23], $0x4000, $0x38;
	[tilespmem:$0x1C200] =	vst v63  }
0xf5: {  	_ =	swait.ge [sflag:s26], $0x4000  }
0xf6: {  	[sflag:s26] =	ssyncset.done $0x0  }
0xf7: {  	s25 =	rddreg [dreg:$0xd];
	[sflag:s26] =	ssyncadd.s32 $0xFFFFC000  }
0xf8: {  	[hbm4b:s25+s4] =	stream.linear.scatter [tilespmem:s4], [sflag:$0x7], $0x4000, $0x38;
	[tilespmem:$0x1C200] =	vst v63  }
0xf9: {  	_ =	swait.ge [sflag:s26], $0x4000  }
0xfa: {  	[sflag:s26] =	ssyncset.done $0x0  }
0xfb: {  	[sflag:s26] =	ssyncadd.s32 $0xFFFFC000  }
0xfc: {  	[tilespmem:s4], [sflag:$0x7] =	stream.linear.gather [spmem:s24], $0x4000, $0x38;
	[tilespmem:$0x1C200] =	vst v63  }
0xfd: {  	_ =	swait.ge [sflag:s26], $0x4000  }
0xfe: {  	[sflag:s26] =	ssyncset.done $0x0  }
0xff: {  	s28 =	rddreg [dreg:$0xe];
	[sflag:s26] =	ssyncadd.s32 $0xFFFFC000  }
0x100: {  	[hbm4b:s28+s4] =	stream.linear.scatter [tilespmem:s4], [sflag:$0x7], $0x4000, $0x38;
	[tilespmem:$0x1C200] =	vst v63  }
0x101: {  	_ =	swait.ge [sflag:s26], $0x4000  }
0x102: {  	s12 =	sadd.s32 $0x1, s12;
	s29 =	rddreg [dreg:$0x8]  }
0x103: {  	p0 =	sne.s32 s12, s29  }
.Ltmp2:
0x104: {  	_ = 	snop;
	(pc) =	sbr.rel @p0 .LBB2_1-.Ltmp2, $3  }
0x105: {  	_ =	sdelay $0x1  }
0x106: {  	[sflag:s26] =	ssyncset.done $0x0  }
0x107: {  	[sflag:s26] =	ssyncadd.s32 $0xFFFFC000  }
0x108: {  	_ =	sfence.sel $0x180000  }
0x109: {  	[bflag:$0x0] =	sbarrier.arrive $0xFFFF  }
0x10a: {  	_ =	strace $0x9000004D  }
0x10b: {  	s0 =	stileid.u32;
	[bflag:$0x2] =	sbarrier.arrive $0xFFFF  }
0x10c: {  	p0 =	sne.s32 s0, $0x0;
	s0 =	rddreg [dreg:$0x3]  }
0x10d: {  	s0 =	sadd.s32 @!p0 $0x100000, s0  }
0x10e: {  	[sflag:s0] =	ssyncadd.tile.s32 @!p0 $0x1;
	_ =	shalt  }
.Lfunc_end2:
_tile_overlayer_lowered:
.L_overlay_start_2:
0x10f: {  	(tag) =	ssettag $0x2  }
0x110: {  	s0 =	rddreg [dreg:$0x0];
	s2 =	stileid.u32  }
0x111: {  	s1 =	rddreg [dreg:$0x1];
	p0 =	sne.s32 s2, $0x0  }
0x112: {  	s3 =	rddreg [dreg:$0x2];
	[bflag:$0x3] =	sbarrier.arrive $0xFFFF;
	s2 =	simm.s32 @!p0 $0x1C07  }
0x113: {  	[timem:s3], [sflag:s2] =	dma.local @!p0 [hbm:s0], s1  }
0x114: {  	s0 =	simm.s32 @!p0 $0x7  }
0x115: {  	_ =	swait.ge @!p0 [sflag:s0], s1  }
0x116: {  	s1 =	ssub.s32 @!p0 $0x0, s1;
	[sflag:s0] =	ssyncset.done @!p0 $0x0  }
0x117: {  	[sflag:s0] =	ssyncadd.s32 @!p0 s1  }
0x118: {  	[bflag:$0x3] =	sbarrier.arrive $0xFFFF  }
0x119: {  	_ =	shalt  }

// kernel: kernel.14.cloned.1.call-start
scs
__scs_entry_jumppad:
0x0: {  	(pc) =	sbr.rel $0x88, $3  }
0x1: {  	(tag) =	ssettag $0x0;
	lr =	simm.s32 $0x1  }
0x2: {  	[smem:$0x3F9A] =	sst lr;
	_ =	strace $0xD0000000  }
0x3: {  	_ = 	snop  }
0x4: {  	_ = 	snop  }
0x5: {  	_ = 	snop  }
0x6: {  	_ = 	snop  }
0x7: {  	_ = 	snop  }
__scs_overlays_trampoline_lowered:
0x8: {  	[smem:$0x3FA9] =	sst s0  }
0x9: {  	[smem:$0x3FAA] =	sst s1  }
0xa: {  	[smem:$0x3FAB] =	sst s2  }
0xb: {  	[smem:$0x3FAC] =	sst s3  }
0xc: {  	[smem:$0x3FAD] =	sst s4  }
0xd: {  	[smem:$0x3FAE] =	sst s5  }
0xe: {  	[smem:$0x3FAF] =	sst s6  }
0xf: {  	[smem:$0x3FB0] =	sst s7  }
0x10: {  	[smem:$0x3FB1] =	sst s8  }
0x11: {  	[smem:$0x3FB2] =	sst s9;
	s0 =	simm.s32 @!p0 $0x0  }
0x12: {  	s1 =	sld [smem:$0x3F98];
	s0 =	simm.s32 @p0 $0x1  }
0x13: {  	[smem:$0x3FB3] =	sst s0;
	s0 =	simm.s32 @!p1 $0x0  }
0x14: {  	s2 =	sld [smem:$0x3F97];
	s0 =	simm.s32 @p1 $0x1  }
0x15: {  	[smem:$0x3FB4] =	sst s0;
	s0 =	simm.s32 @!p2 $0x0  }
0x16: {  	s3 =	sld [smem:$0x3FDB];
	s0 =	simm.s32 @p2 $0x1  }
0x17: {  	s4 =	simm.s32 $0x1BF5;
	[smem:$0x3FB6] =	sst s0  }
0x18: {  	s0 =	sld [smem:$0x3F99];
	_ =	swait.ge [sflag:s4], $0x0  }
0x19: {  	s7 =	sld [smem:$0x3F9A]  }
0x1a: {  	s8 =	sadd.s32 $0xFFFFE003, lr  }
0x1b: {  	s9 =	sadd.s32 $0xFFFFFEF7, lr;
	s5 =	simm.s32 $0xFFFFFFFF;
	p2 =	slt.u32 s8, $0xFFFFF086  }
0x1c: {  	p1 =	slt.u32 s9, $0xF7A;
	s5 =	simm.s32 @!p2 $0x0  }
0x1d: {  	s5 =	simm.s32 @p1 $0x1;
	p0 =	seq.s32 s7, s2  }
0x1e: {  	s7 =	smul.u32 @!p0 $0xF7A, s2;
	p2 =	seq.s32 @!p0 s5, $0x0  }
0x1f: {  	s9 =	smul.u32 $0xF7A, s1;
	s8 =	simm.s32 @!p0 $0x1BF5;
	p2 =	por !p2, p0  }
0x20: {  	[sflag:s8] =	ssyncset.s32 @!p0 $0xFFFFF086;
	s6 =	sadd.s32 @!p0 s3, s7;
	s7 =	simm.s32 @!p0 $0x108  }
0x21: {  	s3 =	sadd.s32 s3, s9;
	s6 =	sadd.s32 @!p0 $0x88, s6;
	s7 =	simm.s32 @p2 $0x1082  }
0x22: {  	[simem:s7], [sflag:s8] =	dma.local @!p0 [hbm:s6], $0xF7A  }
0x23: {  	s9 =	sor.u32 $0xD0000000, s2;
	s6 =	simm.s32 $0x108;
	_ =	swait.ge @!p0 [sflag:s8], $0x0  }
0x24: {  	s3 =	sadd.s32 $0x88, s3;
	s6 =	simm.s32 @!p1 $0x1082;
	[sflag:s4] =	ssyncset.s32 $0xFFFFF086  }
0x25: {  	[simem:s6], [sflag:s4] =	dma.local [hbm:s3], $0xF7A  }
0x26: {  	[smem:$0x3F9A] =	sst s1;
	(tag) =	ssettag s2;
	_ =	strace s9  }
0x27: {  	s1 =	sld [smem:$0x3FAA]  }
0x28: {  	s2 =	sld [smem:$0x3FAB]  }
0x29: {  	s4 =	sld [smem:$0x3FAD]  }
0x2a: {  	p0 =	seq.s32 s5, $0x0;
	s5 =	sld [smem:$0x3FAE]  }
0x2b: {  	s6 =	sld [smem:$0x3FAF]  }
0x2c: {  	s7 =	sld [smem:$0x3FB0]  }
0x2d: {  	s3 =	simm.s32 $0x108;
	s8 =	sld [smem:$0x3FB1]  }
0x2e: {  	s3 =	simm.s32 @!p0 $0x1082;
	s9 =	sld [smem:$0x3FB2]  }
0x2f: {  	lr =	sadd.s32 s0, s3;
	s0 =	sld [smem:$0x3FA9]  }
0x30: {  	s3 =	sld [smem:$0x3FAC]  }
0x31: {  	[smem:$0x3FB5] =	sst s10  }
0x32: {  	s10 =	sld [smem:$0x3FB3];
	_ =	sdelay $0x3  }
0x33: {  	p0 =	seq.s32 s10, $0x1;
	s10 =	sld [smem:$0x3FB5];
	_ =	sdelay $0x3  }
0x34: {  	[smem:$0x3FB5] =	sst s10  }
0x35: {  	s10 =	sld [smem:$0x3FB4];
	_ =	sdelay $0x3  }
0x36: {  	p1 =	seq.s32 s10, $0x1;
	s10 =	sld [smem:$0x3FB5];
	_ =	sdelay $0x3  }
0x37: {  	[smem:$0x3FB5] =	sst s10  }
0x38: {  	s10 =	sld [smem:$0x3FB6]  }
0x39: {  	_ = 	snop;
	(pc) =	sbr.ind lr, $3  }
0x3a: {  	_ = 	snop  }
0x3b: {  	_ = 	snop  }
0x3c: {  	p2 =	seq.s32 s10, $0x1;
	s10 =	sld [smem:$0x3FB5]  }
0x3d: {  	_ =	shalt  }
0x3e: {  	_ =	shalt  }
0x3f: {  	_ =	shalt  }
0x40: {  	_ =	shalt  }
0x41: {  	_ =	shalt  }
0x42: {  	_ =	shalt  }
0x43: {  	_ =	shalt  }
0x44: {  	_ =	shalt  }
0x45: {  	_ =	shalt  }
0x46: {  	_ =	shalt  }
0x47: {  	_ =	shalt  }
0x48: {  	_ =	shalt  }
0x49: {  	_ =	shalt  }
0x4a: {  	_ =	shalt  }
0x4b: {  	_ =	shalt  }
0x4c: {  	_ =	shalt  }
0x4d: {  	_ =	shalt  }
0x4e: {  	_ =	shalt  }
0x4f: {  	_ =	shalt  }
0x50: {  	_ =	shalt  }
0x51: {  	_ =	shalt  }
0x52: {  	_ =	shalt  }
0x53: {  	_ =	shalt  }
0x54: {  	_ =	shalt  }
0x55: {  	_ =	shalt  }
0x56: {  	_ =	shalt  }
0x57: {  	_ =	shalt  }
0x58: {  	_ =	shalt  }
0x59: {  	_ =	shalt  }
0x5a: {  	_ =	shalt  }
0x5b: {  	_ =	shalt  }
0x5c: {  	_ =	shalt  }
0x5d: {  	_ =	shalt  }
0x5e: {  	_ =	shalt  }
0x5f: {  	_ =	shalt  }
0x60: {  	_ =	shalt  }
0x61: {  	_ =	shalt  }
0x62: {  	_ =	shalt  }
0x63: {  	_ =	shalt  }
0x64: {  	_ =	shalt  }
0x65: {  	_ =	shalt  }
0x66: {  	_ =	shalt  }
0x67: {  	_ =	shalt  }
0x68: {  	_ =	shalt  }
0x69: {  	_ =	shalt  }
0x6a: {  	_ =	shalt  }
0x6b: {  	_ =	shalt  }
0x6c: {  	_ =	shalt  }
0x6d: {  	_ =	shalt  }
0x6e: {  	_ =	shalt  }
0x6f: {  	_ =	shalt  }
0x70: {  	_ =	shalt  }
0x71: {  	_ =	shalt  }
0x72: {  	_ =	shalt  }
0x73: {  	_ =	shalt  }
0x74: {  	_ =	shalt  }
0x75: {  	_ =	shalt  }
0x76: {  	_ =	shalt  }
0x77: {  	_ =	shalt  }
0x78: {  	_ =	shalt  }
0x79: {  	_ =	shalt  }
0x7a: {  	_ =	shalt  }
0x7b: {  	_ =	shalt  }
0x7c: {  	_ =	shalt  }
0x7d: {  	_ =	shalt  }
0x7e: {  	_ =	shalt  }
0x7f: {  	_ =	shalt  }
0x80: {  	_ =	shalt  }
0x81: {  	_ =	shalt  }
0x82: {  	_ =	shalt  }
0x83: {  	_ =	shalt  }
0x84: {  	_ =	shalt  }
0x85: {  	_ =	shalt  }
0x86: {  	_ =	shalt  }
0x87: {  	_ =	shalt  }
.Lfunc_end0:
.L_simem_size_0:
called_computation.3_lowered:
.L_overlay_start_0:
0x88: {  	s2 =	sld [smem:$0x3FD9]  }
0x89: {  	s3 =	sld [smem:$0x3FFE];
	_ =	sdelay $0x1  }
0x8a: {  	s1 =	srdreg.scid  }
0x8b: {  	s0 =	sand.u32 $0x1, s1  }
0x8c: {  	s14 =	sshll.u32 s0, $0xA;
	s2 =	sadd.s32 s3, s2  }
0x8d: {  	s2 =	sadd.s32 s2, s14  }
0x8e: {  	[smem:$0x3FC1] =	sst s2  }
0x8f: {  	_ = 	snop  }
0x90: {  	s2 =	sld [smem:$0x3FD0];
	_ =	sdelay $0x2  }
0x91: {  	s15 =	simm.s32 $0xA;
	s4 =	simm.s32 $0x10  }
0x92: {  	[smem:s4], [sflag:s15] =	dma.local [hbm:s2], $0x1  }
0x93: {  	_ =	swait.eq [sflag:s15], $0x1  }
0x94: {  	[sflag:s15] =	ssyncset.done $0x0  }
0x95: {  	[sflag:s15] =	ssyncadd.s32 $0xFFFFFFFF  }
0x96: {  	s16 =	sld [smem:$0x11];
	(tm) =	ssettm $0x1  }
0x97: {  	s17 =	sld [smem:$0x3FFB];
	_ =	sdelay $0x3  }
0x98: {  	_ =	strace s17  }
0x99: {  	s3 =	sld [smem:$0x3FFC];
	_ =	sdelay $0x3  }
0x9a: {  	_ =	strace s3  }
0x9b: {  	s3 =	sld [smem:$0x3FFD];
	_ =	sdelay $0x3  }
0x9c: {  	_ =	strace s3  }
0x9d: {  	_ =	strace $0x8FFFFFFF  }
0x9e: {  	s18 =	sld [smem:$0x3FDB];
	_ =	sdelay $0x1  }
0x9f: {  	s19 =	simm.s32 $_scs_section_size  }
0xa0: {  	s5 =	simm.s32 $_size__tile_overlayer_lowered;
	s6 =	simm.s32 $_tile_overlayer_lowered  }
0xa1: {  	s22 =	simm.s32 $0x1BFF;
	s21 =	sshll.u32 s6, $0x1;
	s3 =	sadd.s32 s19, s18  }
0xa2: {  	s7 =	simm.s32 $0x0;
	s20 =	sshll.u32 s5, $0x1;
	s5 =	sadd.s32 s21, s3  }
0xa3: {  	[timem:s7], [sflag:s22] =	dma.local [hbm:s5], s20  }
0xa4: {  	_ =	swait.ge [sflag:s22], s20  }
0xa5: {  	s4 =	ssub.s32 $0x0, s20;
	[sflag:s22] =	ssyncset.done $0x0  }
0xa6: {  	[sflag:s22] =	ssyncadd.s32 s4;
	_ =	sdelay $0x1  }
0xa7: {  	s23 =	simm.s32 $0x1B8B  }
0xa8: {  	_ =	swait.ge [sflag:s23], $0x1  }
0xa9: {  	[sflag:s23] =	ssyncset.done $0x0  }
0xaa: {  	s25 =	simm.s32 $0x1B8E;
	s24 =	sld [smem:$0x3FFE];
	[sflag:s23] =	ssyncadd.s32 $0xFFFFFFFF  }
0xab: {  	s26 =	simm.s32 $execute0_lowered;
	[smem:$0x3FD2] =	sst s25  }
0xac: {  	s5 =	sshll.u32 s26, $0x1;
	_ =	strace $0x8000004F;
	[dreg:$0x1] =	wrdreg $0xFFFFFFFF  }
0xad: {  	s28 =	simm.s32 $_size_execute0_lowered;
	s3 =	sadd.s32 s3, s5;
	[dreg:$0x0] =	wrdreg $0x0  }
0xae: {  	s5 =	sshll.u32 s28, $0x1;
	[dreg:$0x2] =	wrdreg s3  }
0xaf: {  	[dreg:$0x3] =	wrdreg s5  }
0xb0: {  	[dreg:$0x4] =	wrdreg $0xC0  }
0xb1: {  	_ =	task [dreg:s7], $0x5FFFF  }
0xb2: {  	[dreg:$0x1] =	wrdreg $0xFFFFFFFF  }
0xb3: {  	[dreg:$0x0] =	wrdreg $0x60  }
0xb4: {  	[dreg:$0x2] =	wrdreg s24  }
0xb5: {  	[dreg:$0x3] =	wrdreg s16  }
0xb6: {  	[dreg:$0x4] =	wrdreg $0x82000  }
0xb7: {  	[dreg:$0x5] =	wrdreg $0x9  }
0xb8: {  	_ =	task.clear_ibuf [dreg:s7], $0x6FFFF;
	_ =	strace $0x9000004F  }
0xb9: {  	s29 =	simm.s32 $0x9;
	_ =	strace $0x80000051  }
0xba: {  	_ =	swait.ge [sflag:s29], $0x1  }
0xbb: {  	[sflag:s29] =	ssyncadd.s32 $0xFFFFFFFF  }
0xbc: {  	_ =	strace $0x90000051  }
0xbd: {  	_ =	sfence  }
0xbe: {  	s30 =	sld [smem:$0x0];
	_ =	sdelay $0x2  }
0xbf: {  	s31 =	sshll.u32 s1, $0xD;
	s1 =	sshrl.u32 s1, $0x2  }
0xc0: {  	s3 =	sand.u32 $0x4000, s31;
	s1 =	sadd.s32 s1, s30  }
0xc1: {  	s0 =	sor.u32 s3, s0;
	s1 =	sshll.u32 s1, $0x11  }
0xc2: {  	s0 =	sor.u32 s1, s0  }
0xc3: {  	s0 =	sadd.s32 $0x8F2B, s0  }
0xc4: {  	[sflag:s0] =	ssyncadd.remote.s32 $0x1  }
0xc5: {  	_ =	sfence.sel $0xFFFF  }
0xc6: {  	[dreg:$0x0] =	wrdreg $0xFFFFFFFF;
	(pc) =	sbr.abs _section_cstart, $3  }
0xc7: {  	[dreg:$0x1] =	wrdreg $0xFFFFFFFF  }
0xc8: {  	_ =	task.clear_ibuf [dreg:s7], $0x2FFFF;
	_ =	strace $0x9FFFFFFF  }
0xc9: {  	(tm) =	ssettm $0x7FFFFFFF  }
tec
execute0_lowered:
.L_overlay_start_1:
0x0: {  	(tag) =	ssettag $0x1  }
0x1: {  	s1 =	rddreg [dreg:$0x0]  }
0x2: {  	s0 =	rddreg [dreg:$0x1]  }
0x3: {  	s2 =	rddreg [dreg:$0x2];
	s4 =	simm.s32 $0x0;
	s15 =	stileid.u32  }
0x4: {  	s3 =	srdreg.scid;
	s30 =	simm.s32 $0x1;
	s7 =	smul.u32 $0x5100, s15  }
0x5: {  	s31 =	simm.s32 $0x3;
	[smem:$0x7FF] =	sst s4;
	s9 =	smul.u32 $0xA200, s15  }
0x6: {  	s6 =	sadd.s32 $0x5A400, s1;
	s3 =	sand.u32 $0x1, s3;
	s11 =	smul.u32 $0x50000, s15  }
0x7: {  	s8 =	sadd.s32 $0x64600, s1;
	s22 =	smul.u32 $0x14000, s15;
	_ =	strace $0x80000050  }
0x8: {  	s5 =	ssub.s32 $0x2, s3;
	s12 =	sshll.u32 s3, $0x7;
	s3 =	smul.u32 $0x140000, s3  }
0x9: {  	s10 =	sshrl.u32 s5, $0x1;
	s9 =	sor.u32 s12, s9;
	s18 =	sshrl.u32 s7, $0x7  }
0xa: {  	s11 =	sshrl.u32 s11, $0x2;
	s7 =	sshrl.u32 s7, $0x3;
	s28 =	sadd.s32 $0x4000, s22  }
0xb: {  	s16 =	sadd.s32 $0x8000, s22;
	s10 =	ssub.s32 s5, s10;
	s13 =	sshrl.u32 s9, $0x3  }
0xc: {  	s14 =	sor.u32 $0x1, s18;
	s5 =	sadd.s32 s11, s2;
	s7 =	sadd.s32 s6, s7  }
0xd: {  	s26 =	sadd.s32 s3, s22;
	s17 =	sadd.s32 s3, s16;
	s18 =	sadd.s32 $0xC000, s22  }
0xe: {  	s19 =	sadd.s32 s0, s13;
	s20 =	sshll.u32 s14, $0x8;
	s21 =	sshll.u32 s14, $0x4  }
0xf: {  	[dreg:$0x5] =	wrdreg s7;
	s25 =	smax.u32 s10, $0x1;
	s29 =	sadd.s32 $0x4000, s5  }
0x10: {  	s7 =	sshrl.u32 s26, $0x3;
	s13 =	sadd.s32 $0x10000, s22;
	s22 =	smul.u32 $0xA20, s15  }
0x11: {  	s26 =	sadd.s32 $0x10000, s5;
	s10 =	simm.s32 $0x5;
	[dreg:$0x4] =	wrdreg s19  }
0x12: {  	s11 =	sor.u32 s12, s20;
	s24 =	sadd.s32 s6, s21;
	[dreg:$0x8] =	wrdreg s25  }
0x13: {  	[dreg:$0x9] =	wrdreg s29;
	s12 =	sadd.s32 s3, s28;
	s7 =	sadd.s32 s8, s7  }
0x14: {  	s20 =	sadd.s32 s3, s18;
	s3 =	sadd.s32 s3, s13;
	[dreg:$0x11] =	wrdreg s26  }
0x15: {  	s25 =	sadd.s32 $0xC000, s5;
	s28 =	sadd.s32 s28, s2;
	[dreg:$0x7] =	wrdreg s24  }
0x16: {  	s29 =	sadd.s32 s16, s2;
	s26 =	simm.s32 $0x7;
	[dreg:$0xa] =	wrdreg s7  }
0x17: {  	s11 =	sshrl.u32 s11, $0x3;
	s14 =	sshrl.u32 s12, $0x3;
	[dreg:$0x10] =	wrdreg s25  }
0x18: {  	s21 =	sshrl.u32 s20, $0x3;
	s3 =	sshrl.u32 s3, $0x3;
	[dreg:$0x12] =	wrdreg s28  }
0x19: {  	s24 =	sadd.s32 $0x200, s9;
	s6 =	sadd.s32 s22, s6;
	[dreg:$0x13] =	wrdreg s29  }
0x1a: {  	s9 =	simm.s32 $0x4000;
	s12 =	simm.s32 $0x0;
	s23 =	sadd.s32 s0, s11  }
0x1b: {  	s7 =	sadd.s32 s8, s14;
	s3 =	sadd.s32 s8, s3;
	[dreg:$0x6] =	wrdreg s23  }
0x1c: {  	s16 =	sadd.s32 $0x20, s6;
	s6 =	simm.s32 $0x8180;
	[dreg:$0xb] =	wrdreg s7  }
0x1d: {  	s11 =	simm.s32 $0x6;
	s7 =	sshrl.u32 s17, $0x3;
	[dreg:$0xe] =	wrdreg s3  }
0x1e: {  	s23 =	sadd.s32 $0x8000, s5;
	s3 =	sshrl.u32 s24, $0x3;
	s24 =	sadd.s32 s13, s2  }
0x1f: {  	s17 =	simm.s32 $0x8100;
	s7 =	sadd.s32 s8, s7;
	[dreg:$0xf] =	wrdreg s23  }
0x20: {  	s19 =	sadd.s32 s3, s0;
	s23 =	sadd.s32 s18, s2;
	s0 =	simm.s32 $0x80  }
0x21: {  	s3 =	simm.s32 $0x8080;
	[dreg:$0xc] =	wrdreg s7;
	s7 =	sadd.s32 s8, s21  }
0x22: {  	v0 =	vimm.f32 $0.0e+00;
	s8 =	simm.s32 $0x4;
	[dreg:$0xd] =	wrdreg s7;
	s7 =	simm.s32 $0x2  }
.LBB2_1:
0x23: {  	s13 =	simm.s32 $0x0;
	s14 =	simm.s32 $0x200  }
.LBB2_2:
0x24: {  	p0 =	sne.s32 s14, $0xFE00;
	[tilespmem:s13+$0x70] =	vst v0  }
0x25: {  	[tilespmem:s13+$0x0] =	vst v0  }
0x26: {  	[tilespmem:s13+$0x10] =	vst v0  }
.Ltmp0:
0x27: {  	[tilespmem:s13+$0x20] =	vst v0;
	(pc) =	sbr.rel @p0 .LBB2_2-.Ltmp0, $4  }
0x28: {  	[tilespmem:s13+$0x30] =	vst v0  }
0x29: {  	[tilespmem:s13+$0x40] =	vst v0  }
0x2a: {  	[tilespmem:s13+$0x50] =	vst v0  }
0x2b: {  	[tilespmem:s13+$0x60] =	vst v0;
	s13 =	sshra.s32 s14, $0x2;
	s14 =	sadd.s32 $0x200, s14  }
0x2c: {  	[tilespmem:s13+$0x70] =	vst v0  }
0x2d: {  	[tilespmem:s13+$0x0] =	vst v0  }
0x2e: {  	[tilespmem:s13+$0x10] =	vst v0  }
0x2f: {  	[tilespmem:s13+$0x20] =	vst v0  }
0x30: {  	[tilespmem:s13+$0x30] =	vst v0  }
0x31: {  	[tilespmem:s13+$0x40] =	vst v0  }
0x32: {  	[tilespmem:s13+$0x50] =	vst v0  }
0x33: {  	[tilespmem:s13+$0x60] =	vst v0;
	s29 =	simm.s32 $0x0  }
0x34: {  	[spmem:s5] =	stream.linear.scatter [tilespmem:s29], [sflag:$0x7], $0x4000, $0x38;
	[tilespmem:$0x1C200] =	vst v63  }
0x35: {  	_ =	swait.ge [sflag:s26], $0x4000  }
0x36: {  	[sflag:s26] =	ssyncset.done $0x0  }
0x37: {  	s14 =	rddreg [dreg:$0x9];
	[sflag:s26] =	ssyncadd.s32 $0xFFFFC000  }
0x38: {  	[spmem:s14] =	stream.linear.scatter [tilespmem:s29], [sflag:$0x7], $0x4000, $0x38;
	[tilespmem:$0x1C200] =	vst v63  }
0x39: {  	_ =	swait.ge [sflag:s26], $0x4000  }
0x3a: {  	[sflag:s26] =	ssyncset.done $0x0  }
0x3b: {  	s15 =	rddreg [dreg:$0xf];
	[sflag:s26] =	ssyncadd.s32 $0xFFFFC000  }
0x3c: {  	[spmem:s15] =	stream.linear.scatter [tilespmem:s29], [sflag:$0x7], $0x4000, $0x38;
	[tilespmem:$0x1C200] =	vst v63  }
0x3d: {  	_ =	swait.ge [sflag:s26], $0x4000  }
0x3e: {  	[sflag:s26] =	ssyncset.done $0x0  }
0x3f: {  	s18 =	rddreg [dreg:$0x10];
	[sflag:s26] =	ssyncadd.s32 $0xFFFFC000  }
0x40: {  	[spmem:s18] =	stream.linear.scatter [tilespmem:s29], [sflag:$0x7], $0x4000, $0x38;
	[tilespmem:$0x1C200] =	vst v63  }
0x41: {  	_ =	swait.ge [sflag:s26], $0x4000  }
0x42: {  	[sflag:s26] =	ssyncset.done $0x0  }
0x43: {  	s20 =	rddreg [dreg:$0x11];
	[sflag:s26] =	ssyncadd.s32 $0xFFFFC000  }
0x44: {  	[spmem:s20] =	stream.linear.scatter [tilespmem:s29], [sflag:$0x7], $0x4000, $0x38;
	[tilespmem:$0x1C200] =	vst v63  }
0x45: {  	_ =	swait.ge [sflag:s26], $0x4000  }
0x46: {  	[sflag:s26] =	ssyncset.done $0x0  }
0x47: {  	[sflag:s26] =	ssyncadd.s32 $0xFFFFC000  }
0x48: {  	[bflag:$0x0] =	sbarrier.arrive $0xFFFF  }
0x49: {  	s15 =	simm.s32 $0x8000;
	s21 =	rddreg [dreg:$0x4]  }
0x4a: {  	[tilespmem:s15], [sflag:$0x1] =	stream.linear.gather [hbm4b:s21+s29], $0x80, $0x38;
	[tilespmem:$0x1C200] =	vst v63  }
0x4b: {  	s22 =	rddreg [dreg:$0x5]  }
0x4c: {  	[tilespmem:s17], [sflag:$0x3] =	stream.linear.gather [hbm4b:s22+s29], $0x80, $0x38;
	[tilespmem:$0x1C200] =	vst v63  }
0x4d: {  	_ =	swait.ge [sflag:s30], $0x80  }
0x4e: {  	[sflag:s30] =	ssyncset.done $0x0  }
0x4f: {  	[sflag:s30] =	ssyncadd.s32 $0xFFFFFF80  }
0x50: {  	_ =	swait.ge [sflag:s31], $0x80  }
0x51: {  	[sflag:s31] =	ssyncset.done $0x0  }
0x52: {  	s13 =	sand.u32 $0x1, s29;
	[sflag:s31] =	ssyncadd.s32 $0xFFFFFF80  }
0x53: {  	[tilespmem:s29], [sflag:$0x5] =	stream.indirect.gather [hbm4b:s1+s0], $0x80, s15, s0, $0xb8;
	[tilespmem:$0x1C200] =	vst v63  }
0x54: {  	p0 =	seq.s32 s13, $0x1;
	s25 =	rddreg [dreg:$0x6]  }
0x55: {  	[tilespmem:s3], [sflag:$0x2] =	stream.linear.gather [hbm4b:s25+s29], $0x80, $0x38;
	[tilespmem:$0x1C200] =	vst v63  }
0x56: {  	s13 =	simm.s32 @p0 $0x1;
	s28 =	rddreg [dreg:$0x7]  }
0x57: {  	[tilespmem:s6], [sflag:$0x4] =	stream.linear.gather [hbm4b:s28+s29], $0x80, $0x38;
	[tilespmem:$0x1C200] =	vst v63  }
0x58: {  	_ =	swait.ge @p0 [sflag:s13], $0x80;
	p0 =	por p0, p0  }
0x59: {  	[sflag:s13] =	ssyncset.done @p0 $0x0  }
0x5a: {  	[sflag:s13] =	ssyncadd.s32 @p0 $0xFFFFFF80;
	s13 =	simm.s32 @p0 $0x3  }
0x5b: {  	_ =	swait.ge @p0 [sflag:s13], $0x80  }
0x5c: {  	s14 =	simm.s32 @p0 $0x0;
	s15 =	simm.s32 @p0 $0x6;
	[sflag:s13] =	ssyncset.done @p0 $0x0  }
0x5d: {  	s17 =	simm.s32 @p0 $0x8000;
	[sflag:s13] =	ssyncadd.s32 @p0 $0xFFFFFF80;
	s13 =	simm.s32 @p0 $0x80  }
0x5e: {  	[tilespmem:s14], [sflag:$0x5] =	stream.indirect.gather @p0 [hbm4b:s1+s13], $0x80, s17, s13, $0xb8;
	[tilespmem:$0x1C200] =	vst v63  }
0x5f: {  	_ =	swait.ge @p0 [sflag:s15], $0x4000  }
0x60: {  	s18 =	simm.s32 @p0 $0x4000;
	[sflag:s15] =	ssyncset.done @p0 $0x0  }
0x61: {  	s17 =	simm.s32 @p0 $0x7;
	[sflag:s15] =	ssyncadd.s32 @p0 $0xFFFFC000;
	s15 =	simm.s32 @p0 $0x8180  }
0x62: {  	[spmem:s2] =	stream.indirect.scatter.add.f32 @p0 [tilespmem:s18], [sflag:$0x7], $0x80, s15, s13, $0xb8;
	[tilespmem:$0x1C200] =	vst v63  }
0x63: {  	_ =	swait.ge @p0 [sflag:s17], $0x4000  }
0x64: {  	[sflag:s17] =	ssyncset.done @p0 $0x0  }
0x65: {  	s13 =	simm.s32 @p0 $0x8080;
	[sflag:s17] =	ssyncadd.s32 @p0 $0xFFFFC000  }
0x66: {  	[tilespmem:s13], [sflag:$0x2] =	stream.linear.gather @p0 [hbm4b:s19+s14], $0x80, $0x38;
	[tilespmem:$0x1C200] =	vst v63  }
0x67: {  	s13 =	simm.s32 @!p0 $0x2  }
0x68: {  	[tilespmem:s15], [sflag:$0x4] =	stream.linear.gather @p0 [hbm4b:s16+s14], $0x80, $0x38;
	[tilespmem:$0x1C200] =	vst v63  }
0x69: {  	_ =	swait.ge @!p0 [sflag:s13], $0x80  }
0x6a: {  	[sflag:s13] =	ssyncset.done @!p0 $0x0  }
0x6b: {  	[sflag:s13] =	ssyncadd.s32 @!p0 $0xFFFFFF80;
	s13 =	simm.s32 @!p0 $0x4  }
0x6c: {  	_ =	swait.ge @!p0 [sflag:s13], $0x80  }
0x6d: {  	s17 =	simm.s32 @!p0 $0x8080;
	s14 =	simm.s32 @!p0 $0x4000;
	[sflag:s13] =	ssyncset.done @!p0 $0x0  }
0x6e: {  	s15 =	simm.s32 @!p0 $0x5;
	[sflag:s13] =	ssyncadd.s32 @!p0 $0xFFFFFF80;
	s13 =	simm.s32 @!p0 $0x80  }
0x6f: {  	[tilespmem:s14], [sflag:$0x6] =	stream.indirect.gather @!p0 [hbm4b:s1+s13], $0x80, s17, s13, $0xb8;
	[tilespmem:$0x1C200] =	vst v63  }
0x70: {  	_ =	swait.ge @!p0 [sflag:s15], $0x4000  }
0x71: {  	s20 =	simm.s32 @!p0 $0x8100;
	[sflag:s15] =	ssyncset.done @!p0 $0x0  }
0x72: {  	s21 =	simm.s32 @!p0 $0x0;
	s14 =	simm.s32 @!p0 $0x7;
	[sflag:s15] =	ssyncadd.s32 @!p0 $0xFFFFC000  }
0x73: {  	[spmem:s2] =	stream.indirect.scatter.add.f32 @!p0 [tilespmem:s21], [sflag:$0x7], $0x80, s20, s13, $0xb8;
	[tilespmem:$0x1C200] =	vst v63  }
0x74: {  	_ =	swait.ge @!p0 [sflag:s14], $0x4000  }
0x75: {  	s25 =	smov.u32 s16;
	s29 =	simm.s32 $0x1;
	[sflag:s14] =	ssyncset.done @!p0 $0x0  }
0x76: {  	s18 =	sand.u32 $0x1, s29;
	s13 =	simm.s32 @!p0 $0x8000;
	[sflag:s14] =	ssyncadd.s32 @!p0 $0xFFFFC000  }
0x77: {  	[tilespmem:s13], [sflag:$0x1] =	stream.linear.gather @!p0 [hbm4b:s19+s21], $0x80, $0x38;
	[tilespmem:$0x1C200] =	vst v63  }
0x78: {  	s15 =	simm.s32 $0x2;
	s14 =	smov.u32 s16;
	s13 =	sadd.s32 $0x20, s19  }
.LBB2_4:
0x79: {  	p2 =	seq.s32 s18, $0x1;
	s25 =	sadd.s32 $0x10, s25  }
0x7a: {  	s18 =	smov.u32 s15;
	s15 =	sadd.s32 $0x1, s15;
	s17 =	smov.u32 s13  }
0x7b: {  	p1 =	sne.s32 s15, $0xA0;
	s28 =	simm.s32 @p2 $0x1  }
0x7c: {  	[tilespmem:s20], [sflag:$0x3] =	stream.linear.gather @!p0 [hbm4b:s14+s21], $0x80, $0x38;
	[tilespmem:$0x1C200] =	vst v63  }
0x7d: {  	s14 =	smov.u32 s25;
	p0 =	por p2, p2;
	_ =	swait.ge @p2 [sflag:s28], $0x80  }
0x7e: {  	[sflag:s28] =	ssyncset.done @p0 $0x0  }
0x7f: {  	s20 =	simm.s32 @p0 $0x3;
	[sflag:s28] =	ssyncadd.s32 @p0 $0xFFFFFF80  }
0x80: {  	_ =	swait.ge @p0 [sflag:s20], $0x80  }
0x81: {  	s21 =	simm.s32 @p0 $0x0;
	s28 =	simm.s32 @p0 $0x6;
	[sflag:s20] =	ssyncset.done @p0 $0x0  }
0x82: {  	s22 =	simm.s32 @p0 $0x8000;
	[sflag:s20] =	ssyncadd.s32 @p0 $0xFFFFFF80;
	s20 =	simm.s32 @p0 $0x80  }
0x83: {  	[tilespmem:s21], [sflag:$0x5] =	stream.indirect.gather @p0 [hbm4b:s1+s20], $0x80, s22, s20, $0xb8;
	[tilespmem:$0x1C200] =	vst v63  }
0x84: {  	_ =	swait.ge @p0 [sflag:s28], $0x4000  }
0x85: {  	s22 =	simm.s32 @p0 $0x7;
	[sflag:s28] =	ssyncset.done @p0 $0x0  }
0x86: {  	s29 =	simm.s32 @p0 $0x4000;
	[sflag:s28] =	ssyncadd.s32 @p0 $0xFFFFC000;
	s28 =	simm.s32 @p0 $0x8180  }
0x87: {  	[spmem:s2] =	stream.indirect.scatter.add.f32 @p0 [tilespmem:s29], [sflag:$0x7], $0x80, s28, s20, $0xb8;
	[tilespmem:$0x1C200] =	vst v63  }
0x88: {  	_ =	swait.ge @p0 [sflag:s22], $0x4000  }
0x89: {  	[sflag:s22] =	ssyncset.done @p0 $0x0  }
0x8a: {  	s20 =	simm.s32 @p0 $0x8080;
	[sflag:s22] =	ssyncadd.s32 @p0 $0xFFFFC000  }
0x8b: {  	[tilespmem:s20], [sflag:$0x2] =	stream.linear.gather @p0 [hbm4b:s13+s21], $0x80, $0x38;
	[tilespmem:$0x1C200] =	vst v63  }
0x8c: {  	s20 =	simm.s32 @!p0 $0x2  }
0x8d: {  	[tilespmem:s28], [sflag:$0x4] =	stream.linear.gather @p0 [hbm4b:s25+s21], $0x80, $0x38;
	[tilespmem:$0x1C200] =	vst v63  }
0x8e: {  	_ =	swait.ge @!p0 [sflag:s20], $0x80  }
0x8f: {  	[sflag:s20] =	ssyncset.done @!p0 $0x0  }
0x90: {  	[sflag:s20] =	ssyncadd.s32 @!p0 $0xFFFFFF80;
	s20 =	simm.s32 @!p0 $0x4  }
0x91: {  	_ =	swait.ge @!p0 [sflag:s20], $0x80  }
0x92: {  	s22 =	simm.s32 @!p0 $0x5;
	s21 =	simm.s32 @!p0 $0x4000;
	[sflag:s20] =	ssyncset.done @!p0 $0x0  }
0x93: {  	s28 =	simm.s32 @!p0 $0x80;
	[sflag:s20] =	ssyncadd.s32 @!p0 $0xFFFFFF80;
	s20 =	simm.s32 @!p0 $0x8080  }
0x94: {  	[tilespmem:s21], [sflag:$0x6] =	stream.indirect.gather @!p0 [hbm4b:s1+s28], $0x80, s20, s28, $0xb8;
	[tilespmem:$0x1C200] =	vst v63  }
0x95: {  	_ =	swait.ge @!p0 [sflag:s22], $0x4000  }
0x96: {  	s29 =	simm.s32 @!p0 $0x7;
	[sflag:s22] =	ssyncset.done @!p0 $0x0  }
0x97: {  	s20 =	simm.s32 @!p0 $0x8100;
	s21 =	simm.s32 @!p0 $0x0;
	[sflag:s22] =	ssyncadd.s32 @!p0 $0xFFFFC000  }
0x98: {  	[spmem:s2] =	stream.indirect.scatter.add.f32 @!p0 [tilespmem:s21], [sflag:$0x7], $0x80, s20, s28, $0xb8;
	[tilespmem:$0x1C200] =	vst v63  }
.Ltmp1:
0x99: {  	_ = 	snop;
	(pc) =	sbr.rel @p1 .LBB2_4-.Ltmp1, $4  }
0x9a: {  	_ =	swait.ge @!p0 [sflag:s29], $0x4000  }
0x9b: {  	s13 =	sadd.s32 $0x20, s13;
	[sflag:s29] =	ssyncset.done @!p0 $0x0  }
0x9c: {  	s18 =	sand.u32 $0x1, s18;
	s22 =	simm.s32 @!p0 $0x8000;
	[sflag:s29] =	ssyncadd.s32 @!p0 $0xFFFFC000  }
0x9d: {  	[tilespmem:s22], [sflag:$0x1] =	stream.linear.gather @!p0 [hbm4b:s17+s21], $0x80, $0x38;
	[tilespmem:$0x1C200] =	vst v63  }
0x9e: {  	p1 =	seq.s32 s18, $0x1  }
0x9f: {  	[tilespmem:s20], [sflag:$0x3] =	stream.linear.gather @!p0 [hbm4b:s14+s21], $0x80, $0x38;
	[tilespmem:$0x1C200] =	vst v63  }
0xa0: {  	s15 =	simm.s32 @p1 $0x1  }
0xa1: {  	p0 =	por p1, p1;
	_ =	swait.ge @p1 [sflag:s15], $0x80  }
0xa2: {  	[sflag:s15] =	ssyncset.done @p0 $0x0  }
0xa3: {  	s14 =	simm.s32 @p0 $0x3;
	[sflag:s15] =	ssyncadd.s32 @p0 $0xFFFFFF80  }
0xa4: {  	_ =	swait.ge @p0 [sflag:s14], $0x80  }
0xa5: {  	s17 =	simm.s32 @p0 $0x6;
	s18 =	simm.s32 @p0 $0x8000;
	[sflag:s14] =	ssyncset.done @p0 $0x0  }
0xa6: {  	s15 =	simm.s32 @p0 $0x0;
	[sflag:s14] =	ssyncadd.s32 @p0 $0xFFFFFF80;
	s14 =	simm.s32 @p0 $0x80  }
0xa7: {  	[tilespmem:s15], [sflag:$0x5] =	stream.indirect.gather @p0 [hbm4b:s1+s14], $0x80, s18, s14, $0xb8;
	[tilespmem:$0x1C200] =	vst v63  }
0xa8: {  	_ =	swait.ge @p0 [sflag:s17], $0x4000  }
0xa9: {  	[sflag:s17] =	ssyncset.done @p0 $0x0  }
0xaa: {  	s18 =	simm.s32 @p0 $0x4000;
	[sflag:s17] =	ssyncadd.s32 @p0 $0xFFFFC000;
	s17 =	simm.s32 @p0 $0x8180  }
0xab: {  	[spmem:s2] =	stream.indirect.scatter.add.f32 @p0 [tilespmem:s18], [sflag:$0x7], $0x80, s17, s14, $0xb8;
	[tilespmem:$0x1C200] =	vst v63  }
0xac: {  	s14 =	simm.s32 @p0 $0x7  }
0xad: {  	_ =	swait.ge @p0 [sflag:s14], $0x4000  }
0xae: {  	[sflag:s14] =	ssyncset.done @p0 $0x0  }
0xaf: {  	[sflag:s14] =	ssyncadd.s32 @p0 $0xFFFFC000;
	s14 =	simm.s32 @p0 $0x8080  }
0xb0: {  	[tilespmem:s14], [sflag:$0x2] =	stream.linear.gather @p0 [hbm4b:s13+s15], $0x80, $0x38;
	[tilespmem:$0x1C200] =	vst v63  }
0xb1: {  	s18 =	simm.s32 @!p0 $0x2;
	s14 =	sadd.s32 $0x10, s25  }
0xb2: {  	[tilespmem:s17], [sflag:$0x4] =	stream.linear.gather @p0 [hbm4b:s14+s15], $0x80, $0x38;
	[tilespmem:$0x1C200] =	vst v63  }
0xb3: {  	_ =	swait.ge @!p0 [sflag:s18], $0x80  }
0xb4: {  	[sflag:s18] =	ssyncset.done @!p0 $0x0  }
0xb5: {  	s15 =	simm.s32 @!p0 $0x4;
	[sflag:s18] =	ssyncadd.s32 @!p0 $0xFFFFFF80  }
0xb6: {  	_ =	swait.ge @!p0 [sflag:s15], $0x80  }
0xb7: {  	s17 =	simm.s32 @!p0 $0x4000;
	[sflag:s15] =	ssyncset.done @!p0 $0x0  }
0xb8: {  	s18 =	simm.s32 @!p0 $0x8080;
	[sflag:s15] =	ssyncadd.s32 @!p0 $0xFFFFFF80;
	s15 =	simm.s32 @!p0 $0x80  }
0xb9: {  	[tilespmem:s17], [sflag:$0x6] =	stream.indirect.gather @!p0 [hbm4b:s1+s15], $0x80, s18, s15, $0xb8;
	[tilespmem:$0x1C200] =	vst v63  }
0xba: {  	s17 =	simm.s32 @!p0 $0x5  }
0xbb: {  	_ =	swait.ge @!p0 [sflag:s17], $0x4000  }
0xbc: {  	[sflag:s17] =	ssyncset.done @!p0 $0x0  }
0xbd: {  	s18 =	simm.s32 @!p0 $0x0;
	[sflag:s17] =	ssyncadd.s32 @!p0 $0xFFFFC000;
	s17 =	simm.s32 @!p0 $0x8100  }
0xbe: {  	[spmem:s2] =	stream.indirect.scatter.add.f32 @!p0 [tilespmem:s18], [sflag:$0x7], $0x80, s17, s15, $0xb8;
	[tilespmem:$0x1C200] =	vst v63  }
0xbf: {  	s15 =	simm.s32 @!p0 $0x7  }
0xc0: {  	_ =	swait.ge @!p0 [sflag:s15], $0x4000  }
0xc1: {  	[sflag:s15] =	ssyncset.done @!p0 $0x0  }
0xc2: {  	[sflag:s15] =	ssyncadd.s32 @!p0 $0xFFFFC000;
	s15 =	simm.s32 @!p0 $0x8000  }
0xc3: {  	[tilespmem:s15], [sflag:$0x1] =	stream.linear.gather @!p0 [hbm4b:s13+s18], $0x80, $0x38;
	[tilespmem:$0x1C200] =	vst v63  }
0xc4: {  	_ = 	snop  }
0xc5: {  	[tilespmem:s17], [sflag:$0x3] =	stream.linear.gather @!p0 [hbm4b:s14+s18], $0x80, $0x38;
	[tilespmem:$0x1C200] =	vst v63  }
0xc6: {  	_ =	swait.ge [sflag:s7], $0x80  }
0xc7: {  	[sflag:s7] =	ssyncset.done $0x0  }
0xc8: {  	[sflag:s7] =	ssyncadd.s32 $0xFFFFFF80  }
0xc9: {  	_ =	swait.ge [sflag:s8], $0x80  }
0xca: {  	[sflag:s8] =	ssyncset.done $0x0  }
0xcb: {  	[sflag:s8] =	ssyncadd.s32 $0xFFFFFF80  }
0xcc: {  	[tilespmem:s9], [sflag:$0x6] =	stream.indirect.gather [hbm4b:s1+s0], $0x80, s3, s0, $0xb8;
	[tilespmem:$0x1C200] =	vst v63  }
0xcd: {  	_ =	swait.ge [sflag:s10], $0x4000  }
0xce: {  	[sflag:s10] =	ssyncset.done $0x0  }
0xcf: {  	s17 =	simm.s32 $0x8100;
	[sflag:s10] =	ssyncadd.s32 $0xFFFFC000  }
0xd0: {  	[spmem:s2] =	stream.indirect.scatter.add.f32 [tilespmem:s4], [sflag:$0x7], $0x80, s17, s0, $0xb8;
	[tilespmem:$0x1C200] =	vst v63  }
0xd1: {  	_ =	swait.ge [sflag:s26], $0x4000  }
0xd2: {  	[sflag:s26] =	ssyncset.done $0x0  }
0xd3: {  	[sflag:s26] =	ssyncadd.s32 $0xFFFFC000  }
0xd4: {  	_ =	swait.ge [sflag:s11], $0x4000  }
0xd5: {  	[sflag:s11] =	ssyncset.done $0x0  }
0xd6: {  	[sflag:s11] =	ssyncadd.s32 $0xFFFFC000  }
0xd7: {  	[spmem:s2] =	stream.indirect.scatter.add.f32 [tilespmem:s9], [sflag:$0x7], $0x80, s6, s0, $0xb8;
	[tilespmem:$0x1C200] =	vst v63  }
0xd8: {  	_ =	swait.ge [sflag:s26], $0x4000  }
0xd9: {  	[sflag:s26] =	ssyncset.done $0x0  }
0xda: {  	[sflag:s26] =	ssyncadd.s32 $0xFFFFC000  }
0xdb: {  	[bflag:$0x0] =	sbarrier.arrive $0xFFFF  }
0xdc: {  	[tilespmem:s4], [sflag:$0x7] =	stream.linear.gather [spmem:s5], $0x4000, $0x38;
	[tilespmem:$0x1C200] =	vst v63  }
0xdd: {  	_ =	swait.ge [sflag:s26], $0x4000  }
0xde: {  	[sflag:s26] =	ssyncset.done $0x0  }
0xdf: {  	s15 =	rddreg [dreg:$0xa];
	[sflag:s26] =	ssyncadd.s32 $0xFFFFC000  }
0xe0: {  	[hbm4b:s15+s4] =	stream.linear.scatter [tilespmem:s4], [sflag:$0x7], $0x4000, $0x38;
	[tilespmem:$0x1C200] =	vst v63  }
0xe1: {  	_ =	swait.ge [sflag:s26], $0x4000  }
0xe2: {  	[sflag:s26] =	ssyncset.done $0x0  }
0xe3: {  	s18 =	rddreg [dreg:$0x12];
	[sflag:s26] =	ssyncadd.s32 $0xFFFFC000  }
0xe4: {  	[tilespmem:s4], [sflag:$0x7] =	stream.linear.gather [spmem:s18], $0x4000, $0x38;
	[tilespmem:$0x1C200] =	vst v63  }
0xe5: {  	_ =	swait.ge [sflag:s26], $0x4000  }
0xe6: {  	[sflag:s26] =	ssyncset.done $0x0  }
0xe7: {  	s20 =	rddreg [dreg:$0xb];
	[sflag:s26] =	ssyncadd.s32 $0xFFFFC000  }
0xe8: {  	[hbm4b:s20+s4] =	stream.linear.scatter [tilespmem:s4], [sflag:$0x7], $0x4000, $0x38;
	[tilespmem:$0x1C200] =	vst v63  }
0xe9: {  	_ =	swait.ge [sflag:s26], $0x4000  }
0xea: {  	[sflag:s26] =	ssyncset.done $0x0  }
0xeb: {  	s21 =	rddreg [dreg:$0x13];
	[sflag:s26] =	ssyncadd.s32 $0xFFFFC000  }
0xec: {  	[tilespmem:s4], [sflag:$0x7] =	stream.linear.gather [spmem:s21], $0x4000, $0x38;
	[tilespmem:$0x1C200] =	vst v63  }
0xed: {  	_ =	swait.ge [sflag:s26], $0x4000  }
0xee: {  	[sflag:s26] =	ssyncset.done $0x0  }
0xef: {  	s22 =	rddreg [dreg:$0xc];
	[sflag:s26] =	ssyncadd.s32 $0xFFFFC000  }
0xf0: {  	[hbm4b:s22+s4] =	stream.linear.scatter [tilespmem:s4], [sflag:$0x7], $0x4000, $0x38;
	[tilespmem:$0x1C200] =	vst v63  }
0xf1: {  	_ =	swait.ge [sflag:s26], $0x4000  }
0xf2: {  	[sflag:s26] =	ssyncset.done $0x0  }
0xf3: {  	[sflag:s26] =	ssyncadd.s32 $0xFFFFC000  }
0xf4: {  	[tilespmem:s4], [sflag:$0x7] =	stream.linear.gather [spmem:s23], $0x4000, $0x38;
	[tilespmem:$0x1C200] =	vst v63  }
0xf5: {  	_ =	swait.ge [sflag:s26], $0x4000  }
0xf6: {  	[sflag:s26] =	ssyncset.done $0x0  }
0xf7: {  	s25 =	rddreg [dreg:$0xd];
	[sflag:s26] =	ssyncadd.s32 $0xFFFFC000  }
0xf8: {  	[hbm4b:s25+s4] =	stream.linear.scatter [tilespmem:s4], [sflag:$0x7], $0x4000, $0x38;
	[tilespmem:$0x1C200] =	vst v63  }
0xf9: {  	_ =	swait.ge [sflag:s26], $0x4000  }
0xfa: {  	[sflag:s26] =	ssyncset.done $0x0  }
0xfb: {  	[sflag:s26] =	ssyncadd.s32 $0xFFFFC000  }
0xfc: {  	[tilespmem:s4], [sflag:$0x7] =	stream.linear.gather [spmem:s24], $0x4000, $0x38;
	[tilespmem:$0x1C200] =	vst v63  }
0xfd: {  	_ =	swait.ge [sflag:s26], $0x4000  }
0xfe: {  	[sflag:s26] =	ssyncset.done $0x0  }
0xff: {  	s28 =	rddreg [dreg:$0xe];
	[sflag:s26] =	ssyncadd.s32 $0xFFFFC000  }
0x100: {  	[hbm4b:s28+s4] =	stream.linear.scatter [tilespmem:s4], [sflag:$0x7], $0x4000, $0x38;
	[tilespmem:$0x1C200] =	vst v63  }
0x101: {  	_ =	swait.ge [sflag:s26], $0x4000  }
0x102: {  	s12 =	sadd.s32 $0x1, s12;
	s29 =	rddreg [dreg:$0x8]  }
0x103: {  	p0 =	sne.s32 s12, s29  }
.Ltmp2:
0x104: {  	_ = 	snop;
	(pc) =	sbr.rel @p0 .LBB2_1-.Ltmp2, $3  }
0x105: {  	_ =	sdelay $0x1  }
0x106: {  	[sflag:s26] =	ssyncset.done $0x0  }
0x107: {  	[sflag:s26] =	ssyncadd.s32 $0xFFFFC000  }
0x108: {  	_ =	sfence.sel $0x180000  }
0x109: {  	[bflag:$0x0] =	sbarrier.arrive $0xFFFF  }
0x10a: {  	_ =	strace $0x90000050  }
0x10b: {  	s0 =	stileid.u32;
	[bflag:$0x2] =	sbarrier.arrive $0xFFFF  }
0x10c: {  	p0 =	sne.s32 s0, $0x0;
	s0 =	rddreg [dreg:$0x3]  }
0x10d: {  	s0 =	sadd.s32 @!p0 $0x100000, s0  }
0x10e: {  	[sflag:s0] =	ssyncadd.tile.s32 @!p0 $0x1;
	_ =	shalt  }
.Lfunc_end2:
_tile_overlayer_lowered:
.L_overlay_start_2:
0x10f: {  	(tag) =	ssettag $0x2  }
0x110: {  	s0 =	rddreg [dreg:$0x0];
	s2 =	stileid.u32  }
0x111: {  	s1 =	rddreg [dreg:$0x1];
	p0 =	sne.s32 s2, $0x0  }
0x112: {  	s3 =	rddreg [dreg:$0x2];
	[bflag:$0x3] =	sbarrier.arrive $0xFFFF;
	s2 =	simm.s32 @!p0 $0x1C07  }
0x113: {  	[timem:s3], [sflag:s2] =	dma.local @!p0 [hbm:s0], s1  }
0x114: {  	s0 =	simm.s32 @!p0 $0x7  }
0x115: {  	_ =	swait.ge @!p0 [sflag:s0], s1  }
0x116: {  	s1 =	ssub.s32 @!p0 $0x0, s1;
	[sflag:s0] =	ssyncset.done @!p0 $0x0  }
0x117: {  	[sflag:s0] =	ssyncadd.s32 @!p0 s1  }
0x118: {  	[bflag:$0x3] =	sbarrier.arrive $0xFFFF  }
0x119: {  	_ =	shalt  }

// kernel: kernel.8.cloned.1.call-start
scs
__scs_entry_jumppad:
0x0: {  	(pc) =	sbr.rel $0x88, $3  }
0x1: {  	(tag) =	ssettag $0x0;
	lr =	simm.s32 $0x1  }
0x2: {  	[smem:$0x3F9A] =	sst lr;
	_ =	strace $0xD0000000  }
0x3: {  	_ = 	snop  }
0x4: {  	_ = 	snop  }
0x5: {  	_ = 	snop  }
0x6: {  	_ = 	snop  }
0x7: {  	_ = 	snop  }
__scs_overlays_trampoline_lowered:
0x8: {  	[smem:$0x3FA9] =	sst s0  }
0x9: {  	[smem:$0x3FAA] =	sst s1  }
0xa: {  	[smem:$0x3FAB] =	sst s2  }
0xb: {  	[smem:$0x3FAC] =	sst s3  }
0xc: {  	[smem:$0x3FAD] =	sst s4  }
0xd: {  	[smem:$0x3FAE] =	sst s5  }
0xe: {  	[smem:$0x3FAF] =	sst s6  }
0xf: {  	[smem:$0x3FB0] =	sst s7  }
0x10: {  	[smem:$0x3FB1] =	sst s8  }
0x11: {  	[smem:$0x3FB2] =	sst s9;
	s0 =	simm.s32 @!p0 $0x0  }
0x12: {  	s1 =	sld [smem:$0x3F98];
	s0 =	simm.s32 @p0 $0x1  }
0x13: {  	[smem:$0x3FB3] =	sst s0;
	s0 =	simm.s32 @!p1 $0x0  }
0x14: {  	s2 =	sld [smem:$0x3F97];
	s0 =	simm.s32 @p1 $0x1  }
0x15: {  	[smem:$0x3FB4] =	sst s0;
	s0 =	simm.s32 @!p2 $0x0  }
0x16: {  	s3 =	sld [smem:$0x3FDB];
	s0 =	simm.s32 @p2 $0x1  }
0x17: {  	s4 =	simm.s32 $0x1BF5;
	[smem:$0x3FB6] =	sst s0  }
0x18: {  	s0 =	sld [smem:$0x3F99];
	_ =	swait.ge [sflag:s4], $0x0  }
0x19: {  	s7 =	sld [smem:$0x3F9A]  }
0x1a: {  	s8 =	sadd.s32 $0xFFFFE003, lr  }
0x1b: {  	s9 =	sadd.s32 $0xFFFFFEF7, lr;
	s5 =	simm.s32 $0xFFFFFFFF;
	p2 =	slt.u32 s8, $0xFFFFF086  }
0x1c: {  	p1 =	slt.u32 s9, $0xF7A;
	s5 =	simm.s32 @!p2 $0x0  }
0x1d: {  	s5 =	simm.s32 @p1 $0x1;
	p0 =	seq.s32 s7, s2  }
0x1e: {  	s7 =	smul.u32 @!p0 $0xF7A, s2;
	p2 =	seq.s32 @!p0 s5, $0x0  }
0x1f: {  	s9 =	smul.u32 $0xF7A, s1;
	s8 =	simm.s32 @!p0 $0x1BF5;
	p2 =	por !p2, p0  }
0x20: {  	[sflag:s8] =	ssyncset.s32 @!p0 $0xFFFFF086;
	s6 =	sadd.s32 @!p0 s3, s7;
	s7 =	simm.s32 @!p0 $0x108  }
0x21: {  	s3 =	sadd.s32 s3, s9;
	s6 =	sadd.s32 @!p0 $0x88, s6;
	s7 =	simm.s32 @p2 $0x1082  }
0x22: {  	[simem:s7], [sflag:s8] =	dma.local @!p0 [hbm:s6], $0xF7A  }
0x23: {  	s9 =	sor.u32 $0xD0000000, s2;
	s6 =	simm.s32 $0x108;
	_ =	swait.ge @!p0 [sflag:s8], $0x0  }
0x24: {  	s3 =	sadd.s32 $0x88, s3;
	s6 =	simm.s32 @!p1 $0x1082;
	[sflag:s4] =	ssyncset.s32 $0xFFFFF086  }
0x25: {  	[simem:s6], [sflag:s4] =	dma.local [hbm:s3], $0xF7A  }
0x26: {  	[smem:$0x3F9A] =	sst s1;
	(tag) =	ssettag s2;
	_ =	strace s9  }
0x27: {  	s1 =	sld [smem:$0x3FAA]  }
0x28: {  	s2 =	sld [smem:$0x3FAB]  }
0x29: {  	s4 =	sld [smem:$0x3FAD]  }
0x2a: {  	p0 =	seq.s32 s5, $0x0;
	s5 =	sld [smem:$0x3FAE]  }
0x2b: {  	s6 =	sld [smem:$0x3FAF]  }
0x2c: {  	s7 =	sld [smem:$0x3FB0]  }
0x2d: {  	s3 =	simm.s32 $0x108;
	s8 =	sld [smem:$0x3FB1]  }
0x2e: {  	s3 =	simm.s32 @!p0 $0x1082;
	s9 =	sld [smem:$0x3FB2]  }
0x2f: {  	lr =	sadd.s32 s0, s3;
	s0 =	sld [smem:$0x3FA9]  }
0x30: {  	s3 =	sld [smem:$0x3FAC]  }
0x31: {  	[smem:$0x3FB5] =	sst s10  }
0x32: {  	s10 =	sld [smem:$0x3FB3];
	_ =	sdelay $0x3  }
0x33: {  	p0 =	seq.s32 s10, $0x1;
	s10 =	sld [smem:$0x3FB5];
	_ =	sdelay $0x3  }
0x34: {  	[smem:$0x3FB5] =	sst s10  }
0x35: {  	s10 =	sld [smem:$0x3FB4];
	_ =	sdelay $0x3  }
0x36: {  	p1 =	seq.s32 s10, $0x1;
	s10 =	sld [smem:$0x3FB5];
	_ =	sdelay $0x3  }
0x37: {  	[smem:$0x3FB5] =	sst s10  }
0x38: {  	s10 =	sld [smem:$0x3FB6]  }
0x39: {  	_ = 	snop;
	(pc) =	sbr.ind lr, $3  }
0x3a: {  	_ = 	snop  }
0x3b: {  	_ = 	snop  }
0x3c: {  	p2 =	seq.s32 s10, $0x1;
	s10 =	sld [smem:$0x3FB5]  }
0x3d: {  	_ =	shalt  }
0x3e: {  	_ =	shalt  }
0x3f: {  	_ =	shalt  }
0x40: {  	_ =	shalt  }
0x41: {  	_ =	shalt  }
0x42: {  	_ =	shalt  }
0x43: {  	_ =	shalt  }
0x44: {  	_ =	shalt  }
0x45: {  	_ =	shalt  }
0x46: {  	_ =	shalt  }
0x47: {  	_ =	shalt  }
0x48: {  	_ =	shalt  }
0x49: {  	_ =	shalt  }
0x4a: {  	_ =	shalt  }
0x4b: {  	_ =	shalt  }
0x4c: {  	_ =	shalt  }
0x4d: {  	_ =	shalt  }
0x4e: {  	_ =	shalt  }
0x4f: {  	_ =	shalt  }
0x50: {  	_ =	shalt  }
0x51: {  	_ =	shalt  }
0x52: {  	_ =	shalt  }
0x53: {  	_ =	shalt  }
0x54: {  	_ =	shalt  }
0x55: {  	_ =	shalt  }
0x56: {  	_ =	shalt  }
0x57: {  	_ =	shalt  }
0x58: {  	_ =	shalt  }
0x59: {  	_ =	shalt  }
0x5a: {  	_ =	shalt  }
0x5b: {  	_ =	shalt  }
0x5c: {  	_ =	shalt  }
0x5d: {  	_ =	shalt  }
0x5e: {  	_ =	shalt  }
0x5f: {  	_ =	shalt  }
0x60: {  	_ =	shalt  }
0x61: {  	_ =	shalt  }
0x62: {  	_ =	shalt  }
0x63: {  	_ =	shalt  }
0x64: {  	_ =	shalt  }
0x65: {  	_ =	shalt  }
0x66: {  	_ =	shalt  }
0x67: {  	_ =	shalt  }
0x68: {  	_ =	shalt  }
0x69: {  	_ =	shalt  }
0x6a: {  	_ =	shalt  }
0x6b: {  	_ =	shalt  }
0x6c: {  	_ =	shalt  }
0x6d: {  	_ =	shalt  }
0x6e: {  	_ =	shalt  }
0x6f: {  	_ =	shalt  }
0x70: {  	_ =	shalt  }
0x71: {  	_ =	shalt  }
0x72: {  	_ =	shalt  }
0x73: {  	_ =	shalt  }
0x74: {  	_ =	shalt  }
0x75: {  	_ =	shalt  }
0x76: {  	_ =	shalt  }
0x77: {  	_ =	shalt  }
0x78: {  	_ =	shalt  }
0x79: {  	_ =	shalt  }
0x7a: {  	_ =	shalt  }
0x7b: {  	_ =	shalt  }
0x7c: {  	_ =	shalt  }
0x7d: {  	_ =	shalt  }
0x7e: {  	_ =	shalt  }
0x7f: {  	_ =	shalt  }
0x80: {  	_ =	shalt  }
0x81: {  	_ =	shalt  }
0x82: {  	_ =	shalt  }
0x83: {  	_ =	shalt  }
0x84: {  	_ =	shalt  }
0x85: {  	_ =	shalt  }
0x86: {  	_ =	shalt  }
0x87: {  	_ =	shalt  }
.Lfunc_end0:
.L_simem_size_0:
called_computation.1_lowered:
.L_overlay_start_0:
0x88: {  	s2 =	sld [smem:$0x3FD9]  }
0x89: {  	s3 =	sld [smem:$0x3FFE];
	_ =	sdelay $0x1  }
0x8a: {  	s1 =	srdreg.scid  }
0x8b: {  	s0 =	sand.u32 $0x1, s1  }
0x8c: {  	s14 =	sshll.u32 s0, $0xA;
	s2 =	sadd.s32 s3, s2  }
0x8d: {  	s2 =	sadd.s32 s2, s14  }
0x8e: {  	[smem:$0x3FC1] =	sst s2  }
0x8f: {  	_ = 	snop  }
0x90: {  	s2 =	sld [smem:$0x3FD0];
	_ =	sdelay $0x2  }
0x91: {  	s15 =	simm.s32 $0xA;
	s4 =	simm.s32 $0x10  }
0x92: {  	[smem:s4], [sflag:s15] =	dma.local [hbm:s2], $0x1  }
0x93: {  	_ =	swait.eq [sflag:s15], $0x1  }
0x94: {  	[sflag:s15] =	ssyncset.done $0x0  }
0x95: {  	s16 =	sld [smem:$0x10];
	[sflag:s15] =	ssyncadd.s32 $0xFFFFFFFF  }
0x96: {  	s17 =	sld [smem:$0x11];
	(tm) =	ssettm $0x1  }
0x97: {  	s18 =	sld [smem:$0x3FFB];
	_ =	sdelay $0x3  }
0x98: {  	_ =	strace s18  }
0x99: {  	s4 =	sld [smem:$0x3FFC];
	_ =	sdelay $0x3  }
0x9a: {  	_ =	strace s4  }
0x9b: {  	s4 =	sld [smem:$0x3FFD];
	_ =	sdelay $0x3  }
0x9c: {  	_ =	strace s4  }
0x9d: {  	_ =	strace $0x8FFFFFFF  }
0x9e: {  	s19 =	sld [smem:$0x3FDB];
	_ =	sdelay $0x1  }
0x9f: {  	s5 =	simm.s32 $_scs_section_size  }
0xa0: {  	s6 =	simm.s32 $_size__tile_overlayer_lowered;
	s7 =	simm.s32 $_tile_overlayer_lowered  }
0xa1: {  	s22 =	simm.s32 $0x1BFF;
	s21 =	sshll.u32 s7, $0x1;
	s4 =	sadd.s32 s5, s19  }
0xa2: {  	s8 =	simm.s32 $0x0;
	s20 =	sshll.u32 s6, $0x1;
	s6 =	sadd.s32 s21, s4  }
0xa3: {  	[timem:s8], [sflag:s22] =	dma.local [hbm:s6], s20  }
0xa4: {  	_ =	swait.ge [sflag:s22], s20  }
0xa5: {  	s5 =	ssub.s32 $0x0, s20;
	[sflag:s22] =	ssyncset.done $0x0  }
0xa6: {  	[sflag:s22] =	ssyncadd.s32 s5;
	_ =	sdelay $0x1  }
0xa7: {  	s23 =	simm.s32 $0x1B8B  }
0xa8: {  	_ =	swait.ge [sflag:s23], $0x1  }
0xa9: {  	[sflag:s23] =	ssyncset.done $0x0  }
0xaa: {  	s25 =	simm.s32 $0x1B8E;
	s24 =	sld [smem:$0x3FFE];
	[sflag:s23] =	ssyncadd.s32 $0xFFFFFFFF  }
0xab: {  	s26 =	simm.s32 $execute0_lowered;
	[smem:$0x3FD2] =	sst s25  }
0xac: {  	s6 =	sshll.u32 s26, $0x1;
	_ =	strace $0x80000046;
	[dreg:$0x1] =	wrdreg $0xFFFFFFFF  }
0xad: {  	s28 =	simm.s32 $_size_execute0_lowered;
	s4 =	sadd.s32 s4, s6;
	[dreg:$0x0] =	wrdreg $0x0  }
0xae: {  	s6 =	sshll.u32 s28, $0x1;
	[dreg:$0x2] =	wrdreg s4  }
0xaf: {  	[dreg:$0x3] =	wrdreg s6  }
0xb0: {  	[dreg:$0x4] =	wrdreg $0xC0  }
0xb1: {  	_ =	task [dreg:s8], $0x5FFFF  }
0xb2: {  	[dreg:$0x1] =	wrdreg $0xFFFFFFFF  }
0xb3: {  	[dreg:$0x0] =	wrdreg $0x60  }
0xb4: {  	[dreg:$0x2] =	wrdreg s17  }
0xb5: {  	[dreg:$0x3] =	wrdreg s16  }
0xb6: {  	[dreg:$0x4] =	wrdreg s24  }
0xb7: {  	[dreg:$0x5] =	wrdreg $0xA9800  }
0xb8: {  	[dreg:$0x6] =	wrdreg $0x9  }
0xb9: {  	_ =	task.clear_ibuf [dreg:s8], $0x7FFFF;
	_ =	strace $0x90000046  }
0xba: {  	s29 =	simm.s32 $0x9;
	_ =	strace $0x80000048  }
0xbb: {  	_ =	swait.ge [sflag:s29], $0x1  }
0xbc: {  	[sflag:s29] =	ssyncadd.s32 $0xFFFFFFFF  }
0xbd: {  	_ =	strace $0x90000048  }
0xbe: {  	_ =	sfence  }
0xbf: {  	s30 =	sld [smem:$0x0];
	_ =	sdelay $0x2  }
0xc0: {  	s31 =	sshll.u32 s1, $0xD;
	s1 =	sshrl.u32 s1, $0x2  }
0xc1: {  	s3 =	sand.u32 $0x4000, s31;
	s1 =	sadd.s32 s1, s30  }
0xc2: {  	s0 =	sor.u32 s3, s0;
	s1 =	sshll.u32 s1, $0x11  }
0xc3: {  	s0 =	sor.u32 s1, s0  }
0xc4: {  	s0 =	sadd.s32 $0x8F2B, s0  }
0xc5: {  	[sflag:s0] =	ssyncadd.remote.s32 $0x1  }
0xc6: {  	_ =	sfence.sel $0xFFFF  }
0xc7: {  	[dreg:$0x0] =	wrdreg $0xFFFFFFFF;
	(pc) =	sbr.abs _section_cstart, $3  }
0xc8: {  	[dreg:$0x1] =	wrdreg $0xFFFFFFFF  }
0xc9: {  	_ =	task.clear_ibuf [dreg:s8], $0x2FFFF;
	_ =	strace $0x9FFFFFFF  }
0xca: {  	(tm) =	ssettm $0x7FFFFFFF  }
0xcb: {  	_ =	shalt  }
tec
execute0_lowered:
.L_overlay_start_1:
0x0: {  	(tag) =	ssettag $0x1  }
0x1: {  	s0 =	rddreg [dreg:$0x0]  }
0x2: {  	s1 =	rddreg [dreg:$0x1]  }
0x3: {  	s8 =	rddreg [dreg:$0x2]  }
0x4: {  	s2 =	rddreg [dreg:$0x3];
	s3 =	simm.s32 $0x0;
	s22 =	stileid.u32  }
0x5: {  	s4 =	srdreg.scid;
	s28 =	simm.s32 $0x80;
	s7 =	smul.u32 $0x50000, s22  }
0x6: {  	s29 =	simm.s32 $0x2800;
	s30 =	simm.s32 $0xA900;
	s17 =	smul.u32 $0x14000, s22  }
0x7: {  	s31 =	simm.s32 $0x0;
	s4 =	sand.u32 $0x1, s4;
	s22 =	smul.u32 $0x4F0, s22  }
0x8: {  	[smem:$0x7FF] =	sst s3;
	s19 =	sadd.s32 $0x600, s8;
	s6 =	smul.u32 $0x4F00, s4  }
0x9: {  	_ =	strace $0x80000047;
	s5 =	ssub.s32 $0x2, s4;
	s4 =	smul.u32 $0x140000, s4  }
0xa: {  	s18 =	sshrl.u32 s5, $0x1;
	s21 =	sshrl.u32 s7, $0x2;
	s12 =	sadd.s32 $0x4000, s17  }
0xb: {  	s14 =	sadd.s32 $0x8000, s17;
	s20 =	sadd.s32 s6, s8;
	s8 =	ssub.s32 s5, s18  }
0xc: {  	s5 =	sadd.s32 s21, s2;
	s11 =	sadd.s32 s4, s17;
	s13 =	sadd.s32 s4, s12  }
0xd: {  	s15 =	sadd.s32 s4, s14;
	s12 =	sadd.s32 s12, s2;
	s14 =	sadd.s32 s14, s2  }
0xe: {  	s18 =	sadd.s32 $0xC000, s17;
	s21 =	sadd.s32 $0x10000, s17;
	s1 =	sadd.s32 s6, s1  }
0xf: {  	s0 =	sadd.s32 s6, s0;
	s23 =	smax.u32 s8, $0x1;
	s24 =	sadd.s32 $0x4000, s5  }
0x10: {  	s8 =	sadd.s32 $0x8000, s5;
	s9 =	sadd.s32 $0xC000, s5;
	s10 =	sadd.s32 $0x10000, s5  }
0x11: {  	s11 =	sshrl.u32 s11, $0x3;
	s13 =	sshrl.u32 s13, $0x3;
	s15 =	sshrl.u32 s15, $0x3  }
0x12: {  	s16 =	sadd.s32 s18, s2;
	s18 =	sadd.s32 s4, s18;
	[dreg:$0x5] =	wrdreg s23  }
0x13: {  	s4 =	sadd.s32 s4, s21;
	s26 =	sadd.s32 s22, s20;
	[dreg:$0x6] =	wrdreg s24  }
0x14: {  	s11 =	sadd.s32 s19, s11;
	s13 =	sadd.s32 s19, s13;
	s15 =	sadd.s32 s19, s15  }
0x15: {  	s25 =	sshrl.u32 s18, $0x3;
	s18 =	sadd.s32 s21, s2;
	s4 =	sshrl.u32 s4, $0x3  }
0x16: {  	s20 =	sadd.s32 $0x50600, s26;
	s21 =	sadd.s32 s22, s1;
	s22 =	sadd.s32 s22, s0  }
0x17: {  	s23 =	simm.s32 $0x6800;
	s24 =	simm.s32 $0x1;
	s26 =	simm.s32 $0xA880  }
0x18: {  	v0 =	vimm.f32 $1.000000000e+00;
	v1 =	vimm.f32 $0.0e+00;
	s17 =	sadd.s32 s19, s25;
	s19 =	sadd.s32 s19, s4;
	s25 =	simm.s32 $0xA800  }
.LBB2_1:
0x19: {  	s0 =	simm.s32 $0x200;
	s1 =	simm.s32 $0x0  }
.LBB2_2:
0x1a: {  	p0 =	sne.s32 s0, $0xFE00;
	[tilespmem:s1+$0x2800] =	vst v0;
	s4 =	smov.u32 s0;
	s0 =	sadd.s32 $0x200, s0  }
.Ltmp0:
0x1b: {  	[tilespmem:s1+$0x6800] =	vst v1;
	(pc) =	sbr.rel @p0 .LBB2_2-.Ltmp0, $2  }
0x1c: {  	_ =	sdelay $0x2  }
0x1d: {  	s1 =	sshra.s32 s4, $0x2  }
0x1e: {  	[tilespmem:s1+$0x2800] =	vst v0  }
0x1f: {  	[tilespmem:s1+$0x6800] =	vst v1  }
0x20: {  	[spmem:s5] =	stream.linear.scatter [tilespmem:s23], [sflag:$0x1], $0x4000, $0x38;
	[tilespmem:$0xD180] =	vst v63  }
0x21: {  	_ =	swait.ge [sflag:s24], $0x4000  }
0x22: {  	[sflag:s24] =	ssyncset.done $0x0  }
0x23: {  	s0 =	rddreg [dreg:$0x6];
	[sflag:s24] =	ssyncadd.s32 $0xFFFFC000  }
0x24: {  	[spmem:s0] =	stream.linear.scatter [tilespmem:s23], [sflag:$0x1], $0x4000, $0x38;
	[tilespmem:$0xD180] =	vst v63  }
0x25: {  	_ =	swait.ge [sflag:s24], $0x4000  }
0x26: {  	[sflag:s24] =	ssyncset.done $0x0  }
0x27: {  	[sflag:s24] =	ssyncadd.s32 $0xFFFFC000  }
0x28: {  	[spmem:s8] =	stream.linear.scatter [tilespmem:s23], [sflag:$0x1], $0x4000, $0x38;
	[tilespmem:$0xD180] =	vst v63  }
0x29: {  	_ =	swait.ge [sflag:s24], $0x4000  }
0x2a: {  	[sflag:s24] =	ssyncset.done $0x0  }
0x2b: {  	[sflag:s24] =	ssyncadd.s32 $0xFFFFC000  }
0x2c: {  	[spmem:s9] =	stream.linear.scatter [tilespmem:s23], [sflag:$0x1], $0x4000, $0x38;
	[tilespmem:$0xD180] =	vst v63  }
0x2d: {  	_ =	swait.ge [sflag:s24], $0x4000  }
0x2e: {  	[sflag:s24] =	ssyncset.done $0x0  }
0x2f: {  	[sflag:s24] =	ssyncadd.s32 $0xFFFFC000  }
0x30: {  	[spmem:s10] =	stream.linear.scatter [tilespmem:s23], [sflag:$0x1], $0x4000, $0x38;
	[tilespmem:$0xD180] =	vst v63  }
0x31: {  	_ =	swait.ge [sflag:s24], $0x4000  }
0x32: {  	[sflag:s24] =	ssyncset.done $0x0  }
0x33: {  	[sflag:s24] =	ssyncadd.s32 $0xFFFFC000  }
0x34: {  	s6 =	simm.s32 $0x0;
	s7 =	rddreg [dreg:$0x2]  }
0x35: {  	[tilespmem:s6], [sflag:$0x1] =	stream.linear.gather [hbm4b:s7+s6], $0x2800, $0x38;
	[tilespmem:$0xD180] =	vst v63  }
0x36: {  	_ =	swait.ge [sflag:s24], $0x2800  }
0x37: {  	[sflag:s24] =	ssyncset.done $0x0  }
0x38: {  	[sflag:s24] =	ssyncadd.s32 $0xFFFFD800  }
0x39: {  	s4 =	sadd.s32 $0x0, s22;
	[bflag:$0x0] =	sbarrier.arrive $0xFFFF  }
0x3a: {  	[tilespmem:s25], [sflag:$0x1] =	stream.linear.gather [hbm4b:s4+s3], $0x80, $0x38;
	[tilespmem:$0xD180] =	vst v63  }
0x3b: {  	_ =	swait.ge [sflag:s24], $0x80  }
0x3c: {  	[sflag:s24] =	ssyncset.done $0x0  }
0x3d: {  	s6 =	sadd.s32 $0x0, s21;
	[sflag:s24] =	ssyncadd.s32 $0xFFFFFF80  }
0x3e: {  	[tilespmem:s26], [sflag:$0x1] =	stream.linear.gather [hbm4b:s6+s3], $0x80, $0x38;
	[tilespmem:$0xD180] =	vst v63  }
0x3f: {  	_ =	swait.ge [sflag:s24], $0x80  }
0x40: {  	[sflag:s24] =	ssyncset.done $0x0  }
0x41: {  	[sflag:s24] =	ssyncadd.s32 $0xFFFFFF80  }
0x42: {  	[spmem:s2] =	stream.indirect.scatter.add.f32 [tilespmem:s29], [sflag:$0x1], $0x10, s26, s28, $0xb8;
	[tilespmem:$0xD180] =	vst v63  }
0x43: {  	_ =	swait.ge [sflag:s24], $0x800  }
0x44: {  	[sflag:s24] =	ssyncset.done $0x0  }
0x45: {  	[sflag:s24] =	ssyncadd.s32 $0xFFFFF800  }
0x46: {  	v2 =	vld [tilespmem:$0xA800];
	_ =	sdelay $0x5  }
0x47: {  	v3 =	vld [tilespmem:$0xA810];
	_ =	sdelay $0x1  }
0x48: {  	v2 =	vld.idx.msk [tilespmem:v2+s3+$0x0], $0xffff;
	_ =	sdelay $0x3  }
0x49: {  	v4 =	vld [tilespmem:$0xA820]  }
0x4a: {  	[tilespmem:$0xA900] =	vst v2  }
0x4b: {  	v2 =	vld.idx.msk [tilespmem:v3+s3+$0x0], $0xffff;
	_ =	sdelay $0x3  }
0x4c: {  	v3 =	vld [tilespmem:$0xA830]  }
0x4d: {  	[tilespmem:$0xA910] =	vst v2  }
0x4e: {  	v2 =	vld.idx.msk [tilespmem:v4+s3+$0x0], $0xffff;
	_ =	sdelay $0x3  }
0x4f: {  	v62 =	vld [tilespmem:$0xA840]  }
0x50: {  	[tilespmem:$0xA920] =	vst v2  }
0x51: {  	v2 =	vld.idx.msk [tilespmem:v3+s3+$0x0], $0xffff;
	_ =	sdelay $0x3  }
0x52: {  	v3 =	vld [tilespmem:$0xA850]  }
0x53: {  	[tilespmem:$0xA930] =	vst v2  }
0x54: {  	v2 =	vld.idx.msk [tilespmem:v62+s3+$0x0], $0xffff;
	_ =	sdelay $0x3  }
0x55: {  	v63 =	vld [tilespmem:$0xA860]  }
0x56: {  	[tilespmem:$0xA940] =	vst v2  }
0x57: {  	v2 =	vld.idx.msk [tilespmem:v3+s3+$0x0], $0xffff;
	_ =	sdelay $0x3  }
0x58: {  	v3 =	vld [tilespmem:$0xA870]  }
0x59: {  	[tilespmem:$0xA950] =	vst v2  }
0x5a: {  	v2 =	vld.idx.msk [tilespmem:v63+s3+$0x0], $0xffff;
	_ =	sdelay $0x4  }
0x5b: {  	[tilespmem:$0xA960] =	vst v2  }
0x5c: {  	v2 =	vld.idx.msk [tilespmem:v3+s3+$0x0], $0xffff;
	_ =	sdelay $0x4  }
0x5d: {  	s7 =	sadd.s32 $0x0, s20;
	[tilespmem:$0xA970] =	vst v2  }
0x5e: {  	[hbm4b:s7+s3] =	stream.linear.scatter [tilespmem:s30], [sflag:$0x1], $0x80, $0x38;
	[tilespmem:$0xD180] =	vst v63  }
0x5f: {  	_ =	swait.ge [sflag:s24], $0x80  }
0x60: {  	s0 =	simm.s32 $0x10;
	s4 =	simm.s32 $0x20;
	[sflag:s24] =	ssyncset.done $0x0  }
.LBB2_4:
0x61: {  	s7 =	sadd.s32 s0, s22  }
0x62: {  	[sflag:s24] =	ssyncadd.s32 $0xFFFFFF80;
	s1 =	smov.u32 s4;
	s6 =	sadd.s32 $0x10, s4  }
0x63: {  	[tilespmem:s25], [sflag:$0x1] =	stream.linear.gather [hbm4b:s7+s3], $0x80, $0x38;
	[tilespmem:$0xD180] =	vst v63  }
0x64: {  	p0 =	sne.s32 s4, $0x4E0;
	_ =	swait.ge [sflag:s24], $0x80  }
0x65: {  	[sflag:s24] =	ssyncset.done $0x0  }
0x66: {  	s4 =	sadd.s32 s0, s21;
	[sflag:s24] =	ssyncadd.s32 $0xFFFFFF80  }
0x67: {  	[tilespmem:s26], [sflag:$0x1] =	stream.linear.gather [hbm4b:s4+s3], $0x80, $0x38;
	[tilespmem:$0xD180] =	vst v63  }
0x68: {  	_ =	swait.ge [sflag:s24], $0x80  }
0x69: {  	[sflag:s24] =	ssyncset.done $0x0  }
0x6a: {  	[sflag:s24] =	ssyncadd.s32 $0xFFFFFF80  }
0x6b: {  	[spmem:s2] =	stream.indirect.scatter.add.f32 [tilespmem:s29], [sflag:$0x1], $0x10, s26, s28, $0xb8;
	[tilespmem:$0xD180] =	vst v63  }
0x6c: {  	_ =	swait.ge [sflag:s24], $0x800  }
0x6d: {  	[sflag:s24] =	ssyncset.done $0x0  }
0x6e: {  	[sflag:s24] =	ssyncadd.s32 $0xFFFFF800  }
0x6f: {  	v2 =	vld [tilespmem:$0xA800];
	_ =	sdelay $0x6  }
0x70: {  	v3 =	vld [tilespmem:$0xA810]  }
0x71: {  	v2 =	vld.idx.msk [tilespmem:v2+s3+$0x0], $0xffff;
	_ =	sdelay $0x5  }
0x72: {  	[tilespmem:$0xA900] =	vst v2;
	v2 =	vld [tilespmem:$0xA820]  }
0x73: {  	v3 =	vld.idx.msk [tilespmem:v3+s3+$0x0], $0xffff;
	_ =	sdelay $0x5  }
0x74: {  	[tilespmem:$0xA910] =	vst v3;
	v3 =	vld [tilespmem:$0xA830]  }
0x75: {  	v2 =	vld.idx.msk [tilespmem:v2+s3+$0x0], $0xffff;
	_ =	sdelay $0x5  }
0x76: {  	[tilespmem:$0xA920] =	vst v2;
	v2 =	vld [tilespmem:$0xA840]  }
0x77: {  	v3 =	vld.idx.msk [tilespmem:v3+s3+$0x0], $0xffff;
	_ =	sdelay $0x5  }
0x78: {  	[tilespmem:$0xA930] =	vst v3;
	v3 =	vld [tilespmem:$0xA850]  }
0x79: {  	v2 =	vld.idx.msk [tilespmem:v2+s3+$0x0], $0xffff;
	_ =	sdelay $0x5  }
0x7a: {  	[tilespmem:$0xA940] =	vst v2;
	v2 =	vld [tilespmem:$0xA860]  }
0x7b: {  	v3 =	vld.idx.msk [tilespmem:v3+s3+$0x0], $0xffff;
	_ =	sdelay $0x5  }
0x7c: {  	[tilespmem:$0xA950] =	vst v3;
	v3 =	vld [tilespmem:$0xA870]  }
0x7d: {  	v2 =	vld.idx.msk [tilespmem:v2+s3+$0x0], $0xffff;
	_ =	sdelay $0x5  }
0x7e: {  	[tilespmem:$0xA960] =	vst v2  }
0x7f: {  	v2 =	vld.idx.msk [tilespmem:v3+s3+$0x0], $0xffff;
	_ =	sdelay $0x4  }
.Ltmp1:
0x80: {  	(pc) =	sbr.rel @p0 .LBB2_4-.Ltmp1, $4  }
0x81: {  	s4 =	sadd.s32 s0, s20;
	s0 =	smov.u32 s1;
	[tilespmem:$0xA970] =	vst v2  }
0x82: {  	[hbm4b:s4+s3] =	stream.linear.scatter [tilespmem:s30], [sflag:$0x1], $0x80, $0x38;
	[tilespmem:$0xD180] =	vst v63  }
0x83: {  	_ =	swait.ge [sflag:s24], $0x80  }
0x84: {  	s4 =	smov.u32 s6;
	[sflag:s24] =	ssyncset.done $0x0  }
0x85: {  	s1 =	sadd.s32 s0, s22;
	[sflag:s24] =	ssyncadd.s32 $0xFFFFFF80  }
0x86: {  	[tilespmem:s25], [sflag:$0x1] =	stream.linear.gather [hbm4b:s1+s3], $0x80, $0x38;
	[tilespmem:$0xD180] =	vst v63  }
0x87: {  	_ =	swait.ge [sflag:s24], $0x80  }
0x88: {  	[sflag:s24] =	ssyncset.done $0x0  }
0x89: {  	s4 =	sadd.s32 s0, s21;
	[sflag:s24] =	ssyncadd.s32 $0xFFFFFF80  }
0x8a: {  	[tilespmem:s26], [sflag:$0x1] =	stream.linear.gather [hbm4b:s4+s3], $0x80, $0x38;
	[tilespmem:$0xD180] =	vst v63  }
0x8b: {  	_ =	swait.ge [sflag:s24], $0x80  }
0x8c: {  	[sflag:s24] =	ssyncset.done $0x0  }
0x8d: {  	[sflag:s24] =	ssyncadd.s32 $0xFFFFFF80  }
0x8e: {  	[spmem:s2] =	stream.indirect.scatter.add.f32 [tilespmem:s29], [sflag:$0x1], $0x10, s26, s28, $0xb8;
	[tilespmem:$0xD180] =	vst v63  }
0x8f: {  	_ =	swait.ge [sflag:s24], $0x800  }
0x90: {  	[sflag:s24] =	ssyncset.done $0x0  }
0x91: {  	[sflag:s24] =	ssyncadd.s32 $0xFFFFF800  }
0x92: {  	v2 =	vld [tilespmem:$0xA800];
	_ =	sdelay $0x5  }
0x93: {  	v3 =	vld [tilespmem:$0xA810];
	_ =	sdelay $0x1  }
0x94: {  	v2 =	vld.idx.msk [tilespmem:v2+s3+$0x0], $0xffff;
	_ =	sdelay $0x3  }
0x95: {  	v4 =	vld [tilespmem:$0xA820]  }
0x96: {  	[tilespmem:$0xA900] =	vst v2  }
0x97: {  	v2 =	vld.idx.msk [tilespmem:v3+s3+$0x0], $0xffff;
	_ =	sdelay $0x3  }
0x98: {  	v3 =	vld [tilespmem:$0xA830]  }
0x99: {  	[tilespmem:$0xA910] =	vst v2  }
0x9a: {  	v2 =	vld.idx.msk [tilespmem:v4+s3+$0x0], $0xffff;
	_ =	sdelay $0x3  }
0x9b: {  	v62 =	vld [tilespmem:$0xA840]  }
0x9c: {  	[tilespmem:$0xA920] =	vst v2  }
0x9d: {  	v2 =	vld.idx.msk [tilespmem:v3+s3+$0x0], $0xffff;
	_ =	sdelay $0x3  }
0x9e: {  	v3 =	vld [tilespmem:$0xA850]  }
0x9f: {  	[tilespmem:$0xA930] =	vst v2  }
0xa0: {  	v2 =	vld.idx.msk [tilespmem:v62+s3+$0x0], $0xffff;
	_ =	sdelay $0x3  }
0xa1: {  	v63 =	vld [tilespmem:$0xA860]  }
0xa2: {  	[tilespmem:$0xA940] =	vst v2  }
0xa3: {  	v2 =	vld.idx.msk [tilespmem:v3+s3+$0x0], $0xffff;
	_ =	sdelay $0x3  }
0xa4: {  	v3 =	vld [tilespmem:$0xA870]  }
0xa5: {  	[tilespmem:$0xA950] =	vst v2  }
0xa6: {  	v2 =	vld.idx.msk [tilespmem:v63+s3+$0x0], $0xffff;
	_ =	sdelay $0x4  }
0xa7: {  	[tilespmem:$0xA960] =	vst v2  }
0xa8: {  	v2 =	vld.idx.msk [tilespmem:v3+s3+$0x0], $0xffff;
	_ =	sdelay $0x4  }
0xa9: {  	s6 =	sadd.s32 s0, s20;
	[tilespmem:$0xA970] =	vst v2  }
0xaa: {  	[hbm4b:s6+s3] =	stream.linear.scatter [tilespmem:s30], [sflag:$0x1], $0x80, $0x38;
	[tilespmem:$0xD180] =	vst v63  }
0xab: {  	_ =	swait.ge [sflag:s24], $0x80  }
0xac: {  	[sflag:s24] =	ssyncset.done $0x0  }
0xad: {  	[sflag:s24] =	ssyncadd.s32 $0xFFFFFF80  }
0xae: {  	[bflag:$0x0] =	sbarrier.arrive $0xFFFF  }
0xaf: {  	[tilespmem:s23], [sflag:$0x1] =	stream.linear.gather [spmem:s5], $0x4000, $0x38;
	[tilespmem:$0xD180] =	vst v63  }
0xb0: {  	_ =	swait.ge [sflag:s24], $0x4000  }
0xb1: {  	[sflag:s24] =	ssyncset.done $0x0  }
0xb2: {  	[sflag:s24] =	ssyncadd.s32 $0xFFFFC000  }
0xb3: {  	[hbm4b:s11+s3] =	stream.linear.scatter [tilespmem:s23], [sflag:$0x1], $0x4000, $0x38;
	[tilespmem:$0xD180] =	vst v63  }
0xb4: {  	_ =	swait.ge [sflag:s24], $0x4000  }
0xb5: {  	[sflag:s24] =	ssyncset.done $0x0  }
0xb6: {  	[sflag:s24] =	ssyncadd.s32 $0xFFFFC000  }
0xb7: {  	[tilespmem:s23], [sflag:$0x1] =	stream.linear.gather [spmem:s12], $0x4000, $0x38;
	[tilespmem:$0xD180] =	vst v63  }
0xb8: {  	_ =	swait.ge [sflag:s24], $0x4000  }
0xb9: {  	[sflag:s24] =	ssyncset.done $0x0  }
0xba: {  	[sflag:s24] =	ssyncadd.s32 $0xFFFFC000  }
0xbb: {  	[hbm4b:s13+s3] =	stream.linear.scatter [tilespmem:s23], [sflag:$0x1], $0x4000, $0x38;
	[tilespmem:$0xD180] =	vst v63  }
0xbc: {  	_ =	swait.ge [sflag:s24], $0x4000  }
0xbd: {  	[sflag:s24] =	ssyncset.done $0x0  }
0xbe: {  	[sflag:s24] =	ssyncadd.s32 $0xFFFFC000  }
0xbf: {  	[tilespmem:s23], [sflag:$0x1] =	stream.linear.gather [spmem:s14], $0x4000, $0x38;
	[tilespmem:$0xD180] =	vst v63  }
0xc0: {  	_ =	swait.ge [sflag:s24], $0x4000  }
0xc1: {  	[sflag:s24] =	ssyncset.done $0x0  }
0xc2: {  	[sflag:s24] =	ssyncadd.s32 $0xFFFFC000  }
0xc3: {  	[hbm4b:s15+s3] =	stream.linear.scatter [tilespmem:s23], [sflag:$0x1], $0x4000, $0x38;
	[tilespmem:$0xD180] =	vst v63  }
0xc4: {  	_ =	swait.ge [sflag:s24], $0x4000  }
0xc5: {  	[sflag:s24] =	ssyncset.done $0x0  }
0xc6: {  	[sflag:s24] =	ssyncadd.s32 $0xFFFFC000  }
0xc7: {  	[tilespmem:s23], [sflag:$0x1] =	stream.linear.gather [spmem:s16], $0x4000, $0x38;
	[tilespmem:$0xD180] =	vst v63  }
0xc8: {  	_ =	swait.ge [sflag:s24], $0x4000  }
0xc9: {  	[sflag:s24] =	ssyncset.done $0x0  }
0xca: {  	[sflag:s24] =	ssyncadd.s32 $0xFFFFC000  }
0xcb: {  	[hbm4b:s17+s3] =	stream.linear.scatter [tilespmem:s23], [sflag:$0x1], $0x4000, $0x38;
	[tilespmem:$0xD180] =	vst v63  }
0xcc: {  	_ =	swait.ge [sflag:s24], $0x4000  }
0xcd: {  	[sflag:s24] =	ssyncset.done $0x0  }
0xce: {  	[sflag:s24] =	ssyncadd.s32 $0xFFFFC000  }
0xcf: {  	[tilespmem:s23], [sflag:$0x1] =	stream.linear.gather [spmem:s18], $0x4000, $0x38;
	[tilespmem:$0xD180] =	vst v63  }
0xd0: {  	_ =	swait.ge [sflag:s24], $0x4000  }
0xd1: {  	[sflag:s24] =	ssyncset.done $0x0  }
0xd2: {  	[sflag:s24] =	ssyncadd.s32 $0xFFFFC000  }
0xd3: {  	[hbm4b:s19+s3] =	stream.linear.scatter [tilespmem:s23], [sflag:$0x1], $0x4000, $0x38;
	[tilespmem:$0xD180] =	vst v63  }
0xd4: {  	_ =	swait.ge [sflag:s24], $0x4000  }
0xd5: {  	s31 =	sadd.s32 $0x1, s31;
	s7 =	rddreg [dreg:$0x5]  }
0xd6: {  	p0 =	sne.s32 s31, s7  }
.Ltmp2:
0xd7: {  	_ = 	snop;
	(pc) =	sbr.rel @p0 .LBB2_1-.Ltmp2, $3  }
0xd8: {  	_ =	sdelay $0x1  }
0xd9: {  	[sflag:s24] =	ssyncset.done $0x0  }
0xda: {  	[sflag:s24] =	ssyncadd.s32 $0xFFFFC000  }
0xdb: {  	_ =	sfence.sel $0x180000  }
0xdc: {  	[bflag:$0x0] =	sbarrier.arrive $0xFFFF  }
0xdd: {  	_ =	strace $0x90000047  }
0xde: {  	s0 =	stileid.u32;
	[bflag:$0x2] =	sbarrier.arrive $0xFFFF  }
0xdf: {  	p0 =	sne.s32 s0, $0x0;
	s0 =	rddreg [dreg:$0x4]  }
0xe0: {  	s0 =	sadd.s32 @!p0 $0x100000, s0  }
0xe1: {  	[sflag:s0] =	ssyncadd.tile.s32 @!p0 $0x1;
	_ =	shalt  }
.Lfunc_end2:
_tile_overlayer_lowered:
.L_overlay_start_2:
0xe2: {  	(tag) =	ssettag $0x2  }
0xe3: {  	s0 =	rddreg [dreg:$0x0];
	s2 =	stileid.u32  }
0xe4: {  	s1 =	rddreg [dreg:$0x1];
	p0 =	sne.s32 s2, $0x0  }
0xe5: {  	s3 =	rddreg [dreg:$0x2];
	[bflag:$0x3] =	sbarrier.arrive $0xFFFF;
	s2 =	simm.s32 @!p0 $0x1C01  }
0xe6: {  	[timem:s3], [sflag:s2] =	dma.local @!p0 [hbm:s0], s1  }
0xe7: {  	s0 =	simm.s32 @!p0 $0x1  }
0xe8: {  	_ =	swait.ge @!p0 [sflag:s0], s1  }
0xe9: {  	s1 =	ssub.s32 @!p0 $0x0, s1;
	[sflag:s0] =	ssyncset.done @!p0 $0x0  }
0xea: {  	[sflag:s0] =	ssyncadd.s32 @!p0 s1  }
0xeb: {  	[bflag:$0x3] =	sbarrier.arrive $0xFFFF  }
0xec: {  	_ =	shalt  }

</sc_bundles>
